<compile_context>
chip_gen: v7x
topology: tpu7x:2x2x1
jax: 0.10.2.dev20260603
libtpu: 0.0.44.dev20260713+nightly
codegen_flags: <defaults>
</compile_context>

<pallas_src>
import functools

import jax
import jax.numpy as jnp
from jax import lax
from jax.experimental import pallas as pl
from jax.experimental.pallas import tpu as pltpu
from jax.experimental.pallas import tpu_sc as plsc

T = 2048
D_MODEL = 1024
D_FF = 2048
E = 8
TOPK = 2

BLK = 512
NB = (T * TOPK) // BLK + E
P_CAP = NB * BLK

NC, NS = 2, 16
NW = NC * NS
_GCH = 32
_GNC = P_CAP // NW // _GCH


def _dispatch_metadata(gating_output):
    probs = jax.nn.softmax(gating_output.astype(jnp.float32), axis=-1)
    iota_e = jnp.arange(E, dtype=jnp.int32)[None, :]
    m1 = jnp.max(probs, axis=-1, keepdims=True)
    i1 = jnp.min(jnp.where(probs == m1, iota_e, E), axis=-1, keepdims=True)
    pm = jnp.where(iota_e == i1, -jnp.inf, probs)
    m2 = jnp.max(pm, axis=-1, keepdims=True)
    i2 = jnp.min(jnp.where(pm == m2, iota_e, E), axis=-1, keepdims=True)
    ssum = m1 + m2
    e_pair = jnp.concatenate([i1, i2], axis=1).reshape(-1)
    w_pair = jnp.concatenate([m1 / ssum, m2 / ssum], axis=1).reshape(-1)
    t_pair = jnp.arange(T * TOPK, dtype=jnp.int32) // TOPK

    oh = (e_pair[:, None] == iota_e).astype(jnp.float32)
    ohc = oh.reshape(32, (T * TOPK) // 32, E)
    n = ohc.shape[1]
    ltri = (jnp.arange(n)[:, None] > jnp.arange(n)[None, :]).astype(jnp.float32)
    c1 = jnp.einsum('ij,cje->cie', ltri, ohc)
    csum = ohc.sum(axis=1)
    l32 = (jnp.arange(32)[:, None] > jnp.arange(32)[None, :]).astype(
        jnp.float32)
    cbase = l32 @ csum
    rank_in_e = ((c1 + cbase[:, None, :]).reshape(T * TOPK, E) * oh).sum(-1)

    counts = csum.sum(axis=0)
    blocks_per_e = jnp.ceil(counts / BLK)
    ends_blocks = jnp.cumsum(blocks_per_e).astype(jnp.int32)
    starts = (jnp.concatenate([jnp.zeros((1,), jnp.float32),
                               jnp.cumsum(blocks_per_e)[:-1]]) * BLK)
    slot = (starts[e_pair] + rank_in_e).astype(jnp.int32)

    pad_rows = (jnp.arange(P_CAP, dtype=jnp.int32) * 193) % T
    src_token = pad_rows.at[slot].set(t_pair)
    w_slot = jnp.zeros((P_CAP,), jnp.float32).at[slot].set(w_pair)

    block_expert = jnp.clip(
        jnp.searchsorted(ends_blocks, jnp.arange(NB), side="right"),
        0, E - 1).astype(jnp.int32)
    n_used = ends_blocks[-1:].astype(jnp.int32)
    block_expert = jnp.where(jnp.arange(NB) < n_used[0], block_expert,
                             block_expert[n_used[0] - 1]).astype(jnp.int32)
    return src_token, w_slot, slot.astype(jnp.int32), block_expert, n_used


def _sc_gather(x, src_token2d):
    b_per_w = P_CAP // NW

    @functools.partial(
        pl.kernel,
        mesh=plsc.VectorSubcoreMesh(core_axis_name="c", subcore_axis_name="s"),
        out_type=jax.ShapeDtypeStruct((P_CAP, D_MODEL), jnp.float32),
        scratch_types=[
            pltpu.VMEM((_GNC, _GCH), jnp.int32),
            pltpu.VMEM((_GCH, D_MODEL), jnp.float32),
            pltpu.VMEM((_GCH, D_MODEL), jnp.float32),
            pltpu.SemaphoreType.DMA,
            pltpu.SemaphoreType.DMA,
            pltpu.SemaphoreType.DMA,
            pltpu.SemaphoreType.DMA,
        ],
    )
    def gather_k(x_hbm, idx_hbm, out_hbm, idx_v, r0, r1, sg0, sg1, so0, so1):
        wid = lax.axis_index("s") * NC + lax.axis_index("c")
        base = wid * b_per_w
        pltpu.sync_copy(idx_hbm.at[pl.ds(wid * _GNC, _GNC)], idx_v)
        rows = (r0, r1)
        sg = (sg0, sg1)
        so = (so0, so1)
        out_cp = [None, None]
        for c in range(_GNC):
            buf = c % 2
            if out_cp[buf] is not None:
                out_cp[buf].wait()
            pltpu.async_copy(x_hbm.at[idx_v.at[c]], rows[buf], sg[buf]).wait()
            out_cp[buf] = pltpu.async_copy(
                rows[buf], out_hbm.at[pl.ds(base + c * _GCH, _GCH)], so[buf])
        for buf in range(2):
            if out_cp[buf] is not None:
                out_cp[buf].wait()

    return gather_k(x, src_token2d)


FBLK = 2048
NF = D_FF // FBLK


def _gemm_body(e_ref, nu_ref, x_ref, g_ref, u_ref, d_ref, w_ref, out_ref,
               acc_ref):
    b = pl.program_id(0)
    f = pl.program_id(1)

    @pl.when(b < nu_ref[0])
    def _():
        xb = x_ref[...]
        g = lax.dot_general(xb, g_ref[0], (((1,), (1,)), ((), ())),
                            preferred_element_type=jnp.float32)
        u = lax.dot_general(xb, u_ref[0], (((1,), (1,)), ((), ())),
                            preferred_element_type=jnp.float32)
        h = g * jax.nn.sigmoid(g) * u
        y = lax.dot_general(h, d_ref[0], (((1,), (1,)), ((), ())),
                            preferred_element_type=jnp.float32)

        if NF == 1:
            out_ref[...] = y * w_ref[0, 0, :][:, None]
        else:
            @pl.when(f == 0)
            def _():
                acc_ref[...] = y

            @pl.when(f > 0)
            def _():
                acc_ref[...] += y

            @pl.when(f == NF - 1)
            def _():
                out_ref[...] = acc_ref[...] * w_ref[0, 0, :][:, None]


def _gemm_specs():
    def bm(b, nu):
        return jnp.minimum(b, nu[0] - 1)

    def fs(b, f, nu):
        serp = jnp.where(b % 2 == 0, f, NF - 1 - f)
        last = jnp.where((nu[0] - 1) % 2 == 0, NF - 1, 0)
        return jnp.where(b < nu[0], serp, last)

    return dict(
        in_specs=[
            pl.BlockSpec((BLK, D_MODEL), lambda b, f, e, nu: (bm(b, nu), 0)),
            pl.BlockSpec((1, FBLK, D_MODEL),
                         lambda b, f, e, nu: (e[bm(b, nu)], fs(b, f, nu), 0)),
            pl.BlockSpec((1, FBLK, D_MODEL),
                         lambda b, f, e, nu: (e[bm(b, nu)], fs(b, f, nu), 0)),
            pl.BlockSpec((1, D_MODEL, FBLK),
                         lambda b, f, e, nu: (e[bm(b, nu)], 0, fs(b, f, nu))),
            pl.BlockSpec((1, 1, BLK), lambda b, f, e, nu: (bm(b, nu), 0, 0)),
        ],
        out_specs=pl.BlockSpec((BLK, D_MODEL),
                               lambda b, f, e, nu: (bm(b, nu), 0)),
    )


def _tc_gemm(block_expert, n_used, x_sorted, gate_proj, up_proj, down_proj,
             w3):
    specs = _gemm_specs()
    grid_spec = pltpu.PrefetchScalarGridSpec(
        num_scalar_prefetch=2,
        grid=(NB, NF),
        in_specs=specs["in_specs"],
        out_specs=specs["out_specs"],
        scratch_shapes=[pltpu.VMEM((BLK, D_MODEL), jnp.float32)],
    )
    return pl.pallas_call(
        _gemm_body,
        grid_spec=grid_spec,
        out_shape=jax.ShapeDtypeStruct((P_CAP, D_MODEL), jnp.float32),
        compiler_params=pltpu.CompilerParams(
            dimension_semantics=("arbitrary", "arbitrary"),
            vmem_limit_bytes=100 * 1024 * 1024),
    )(block_expert, n_used, x_sorted, gate_proj, up_proj, down_proj, w3)


_CCH = 16
_CNC = (T // NW) // _CCH


def _sc_combine(y_sorted, slot_pairs):
    t_per_w = T // NW

    @functools.partial(
        pl.kernel,
        mesh=plsc.VectorSubcoreMesh(core_axis_name="c", subcore_axis_name="s"),
        out_type=jax.ShapeDtypeStruct((T, D_MODEL), jnp.float32),
        scratch_types=[
            pltpu.VMEM((TOPK * t_per_w,), jnp.int32),
            pltpu.VMEM((TOPK * _CCH, D_MODEL), jnp.float32),
            pltpu.VMEM((TOPK * _CCH, D_MODEL), jnp.float32),
            pltpu.VMEM((_CCH, D_MODEL), jnp.float32),
            pltpu.VMEM((_CCH, D_MODEL), jnp.float32),
            pltpu.SemaphoreType.DMA,
            pltpu.SemaphoreType.DMA,
            pltpu.SemaphoreType.DMA,
            pltpu.SemaphoreType.DMA,
        ],
    )
    def combine_k(y_hbm, pos_hbm, out_hbm, idx_v, r0, r1,
                  o0, o1, sg0, sg1, so0, so1):
        wid = lax.axis_index("s") * NC + lax.axis_index("c")
        base_t = wid * t_per_w
        pltpu.sync_copy(pos_hbm.at[pl.ds(base_t * TOPK, TOPK * t_per_w)],
                        idx_v)
        rows = (r0, r1)
        outs = (o0, o1)
        sg = (sg0, sg1)
        so = (so0, so1)
        gather_cp = [None, None]
        out_cp = [None, None]

        def start_gather(c):
            buf = c % 2
            gather_cp[buf] = pltpu.async_copy(
                y_hbm.at[idx_v.at[pl.ds(c * TOPK * _CCH, TOPK * _CCH)]],
                rows[buf], sg[buf])

        start_gather(0)
        for c in range(_CNC):
            buf = c % 2
            gather_cp[buf].wait()
            if c + 1 < _CNC:
                start_gather(c + 1)
            if out_cp[buf] is not None:
                out_cp[buf].wait()
            r_v = rows[buf]
            o_v = outs[buf]

            def body(j, carry):
                for i in range(_CCH):
                    o_v[i, pl.ds(j * 16, 16)] = (
                        r_v[2 * i, pl.ds(j * 16, 16)]
                        + r_v[2 * i + 1, pl.ds(j * 16, 16)])
                return carry

            lax.fori_loop(0, D_MODEL // 16, body, 0)
            out_cp[buf] = pltpu.async_copy(
                o_v, out_hbm.at[pl.ds(base_t + c * _CCH, _CCH)], so[buf])
        for buf in range(2):
            if out_cp[buf] is not None:
                out_cp[buf].wait()

    return combine_k(y_sorted, slot_pairs)


def kernel(x, gating_output, gate_proj, up_proj, down_proj):
    src_token, w_slot, slot, block_expert, n_used = _dispatch_metadata(
        gating_output)
    w3 = w_slot.reshape(NB, 1, BLK)
    src_token2d = src_token.reshape(NW * _GNC, _GCH)

    x_sorted = _sc_gather(x, src_token2d)
    y_sorted = _tc_gemm(block_expert, n_used, x_sorted,
                        gate_proj, up_proj, down_proj, w3)
    out = _sc_combine(y_sorted, slot)
    return out

# --- scband reference (transcript-rebuilt; emitter-appended) ---
"""Pipeline reference for scband-sparse-mo-elayer-10342281249414 (READ-ONLY COPY).

The authoritative reference and input builder live on the scoring server;
editing this copy changes nothing except your own understanding.
"""

import jax, jax.numpy as jnp
import numpy as np

T = 2048
D_MODEL = 1024
D_FF = 2048
E = 8
TOPK = 2


def setup_inputs(seed: int = 0) -> dict:
    key = jax.random.key(seed)
    k1, k2, k3, k4, k5 = jax.random.split(key, 5)
    x = jax.random.normal(k1, (T, D_MODEL), dtype=jnp.float32)
    gating_output = jax.random.normal(k2, (T, E), dtype=jnp.float32)
    # Fused MoE expert weights (SwiGLU): gate_proj/up_proj: [E, d_ff, d_model], down_proj: [E, d_model, d_ff]
    gate_proj = jax.random.normal(k3, (E, D_FF, D_MODEL), dtype=jnp.float32) * 0.02
    up_proj = jax.random.normal(k4, (E, D_FF, D_MODEL), dtype=jnp.float32) * 0.02
    down_proj = jax.random.normal(k5, (E, D_MODEL, D_FF), dtype=jnp.float32) * 0.02
    return {
        "x": x,
        "gating_output": gating_output,
        "gate_proj": gate_proj,
        "up_proj": up_proj,
        "down_proj": down_proj,
    }


def reference(x, gating_output, gate_proj, up_proj, down_proj):
    # Router: softmax over experts, top-k selection, renormalize=True
    probs = jax.nn.softmax(gating_output.astype(jnp.float32), axis=-1)
    topk_w, topk_idx = jax.lax.top_k(probs, TOPK)
    topk_w = topk_w / jnp.sum(topk_w, axis=-1, keepdims=True)

    n_tok = x.shape[0]
    # Dense combine weights [T, E]: scatter-add top-k routing weights into expert slots
    combine = jnp.zeros((n_tok, E), dtype=x.dtype)
    combine = combine.at[jnp.arange(n_tok)[:, None], topk_idx].add(topk_w.astype(x.dtype))

    # Expert SwiGLU MLPs (fused-gemm semantics: out = sum_e combine[t,e] * expert_e(x_t))
    g = jnp.einsum('td,efd->tef', x, gate_proj)
    u = jnp.einsum('td,efd->tef', x, up_proj)
    h = jax.nn.silu(g) * u
    y = jnp.einsum('tef,edf->ted', h, down_proj)
    out = jnp.einsum('ted,te->td', y, combine)
    return out

if __name__ == "__main__":
    import jax
    _d = setup_inputs()
    print(jax.jit(kernel)(*tuple(_d.values())))

</pallas_src>

<mosaic_0001>
#map = affine_map<(d0, d1) -> (0, 0)>
#map1 = affine_map<(d0, d1) -> (0)>
module attributes {stable_mosaic.version = 14 : i64} {
  func.func @combine_k(%arg0: i32, %arg1: i32, %arg2: memref<8192x1024xf32, #tpu.memory_space<hbm>>, %arg3: memref<4096xi32, #tpu.memory_space<hbm>>, %arg4: memref<2048x1024xf32, #tpu.memory_space<hbm>>, %arg5: memref<128xi32, #tpu.memory_space<vmem>>, %arg6: memref<32x1024xf32, #tpu.memory_space<vmem>>, %arg7: memref<32x1024xf32, #tpu.memory_space<vmem>>, %arg8: memref<16x1024xf32, #tpu.memory_space<vmem>>, %arg9: memref<16x1024xf32, #tpu.memory_space<vmem>>, %arg10: memref<!tpu.dma_semaphore, #tpu.memory_space<semaphore_mem>>, %arg11: memref<!tpu.dma_semaphore, #tpu.memory_space<semaphore_mem>>, %arg12: memref<!tpu.dma_semaphore, #tpu.memory_space<semaphore_mem>>, %arg13: memref<!tpu.dma_semaphore, #tpu.memory_space<semaphore_mem>>) attributes {dimension_semantics = [#tpu.dimension_semantics<core_parallel>, #tpu.dimension_semantics<subcore_parallel>], iteration_bounds = array<i64: 2, 16>, scalar_prefetch = 0 : i64, scratch_operands = 9 : i64, tpu.core_type = #tpu.core_type<sc_vector_subcore>, window_params = [{transform_indices = #map}, {transform_indices = #map1}, {transform_indices = #map}]} {
    %mul3A = arith.constant 2 : i32
    %mul3A_0 = arith.muli %arg1, %mul3A : i32
    %add3A = arith.addi %mul3A_0, %arg0 : i32
    %mul3A_1 = arith.constant 64 : i32
    %mul3A_2 = arith.muli %add3A, %mul3A_1 : i32
    %mul3A_3 = arith.constant 2 : i32
    %mul3A_4 = arith.muli %mul3A_2, %mul3A_3 : i32
    "tpu.region"() ({
      %run_scoped3A = tpu.sem_alloc : memref<!tpu.dma_semaphore, #tpu.memory_space<semaphore_mem>>
      %dma_start3A_106 = tpu.memref_slice %arg3[%mul3A_4] : memref<4096xi32, #tpu.memory_space<hbm>> -> memref<128xi32, #tpu.memory_space<hbm>>
      %dma_start3A_107 = tpu.memref_slice %arg3[%mul3A_4] : memref<4096xi32, #tpu.memory_space<hbm>> -> memref<128xi32, #tpu.memory_space<hbm>>
      tpu.enqueue_dma source(%dma_start3A_107 : memref<128xi32, #tpu.memory_space<hbm>>) target(%arg5 : memref<128xi32, #tpu.memory_space<vmem>>) target_semaphore(%run_scoped3A : memref<!tpu.dma_semaphore, #tpu.memory_space<semaphore_mem>>)
      %dma_wait3A_108 = tpu.memref_slice %arg3[%mul3A_4] : memref<4096xi32, #tpu.memory_space<hbm>> -> memref<128xi32, #tpu.memory_space<hbm>>
      %dma_wait3A_109 = tpu.memref_slice %arg3[%mul3A_4] : memref<4096xi32, #tpu.memory_space<hbm>> -> memref<128xi32, #tpu.memory_space<hbm>>
      tpu.wait_dma2 semaphore(%run_scoped3A : memref<!tpu.dma_semaphore, #tpu.memory_space<semaphore_mem>>) src(%dma_wait3A_109 : memref<128xi32, #tpu.memory_space<hbm>>) dst(%arg5 : memref<128xi32, #tpu.memory_space<vmem>>)
      tpu.yield
    }) : () -> ()
    %dma_start3A = arith.constant 0 : i32
    %dma_start3A_5 = tpu.memref_slice %arg5[%dma_start3A] : memref<128xi32, #tpu.memory_space<vmem>> -> memref<32xi32, #tpu.memory_space<vmem>>
    %dma_start3A_6 = arith.constant 0 : i32
    %dma_start3A_7 = arith.constant 0 : i32
    %dma_start3A_8 = tpu.memref_slice %arg2[%dma_start3A_6, %dma_start3A_7] : memref<8192x1024xf32, #tpu.memory_space<hbm>> -> memref<8192x1024xf32, #tpu.memory_space<hbm>>
    tpu.enqueue_indirect_dma source(%dma_start3A_8 : memref<8192x1024xf32, #tpu.memory_space<hbm>>) target(%arg6 : memref<32x1024xf32, #tpu.memory_space<vmem>>) offsets(%dma_start3A_5 : memref<32xi32, #tpu.memory_space<vmem>>) semaphore(%arg10 : memref<!tpu.dma_semaphore, #tpu.memory_space<semaphore_mem>>)
    %dma_wait3A = arith.constant 0 : i32
    %dma_wait3A_9 = tpu.memref_slice %arg5[%dma_wait3A] : memref<128xi32, #tpu.memory_space<vmem>> -> memref<32xi32, #tpu.memory_space<vmem>>
    %dma_wait3A_10 = arith.constant 0 : i32
    %dma_wait3A_11 = arith.constant 0 : i32
    %dma_wait3A_12 = tpu.memref_slice %arg2[%dma_wait3A_10, %dma_wait3A_11] : memref<8192x1024xf32, #tpu.memory_space<hbm>> -> memref<8192x1024xf32, #tpu.memory_space<hbm>>
    tpu.wait_indirect_dma semaphore(%arg10 : memref<!tpu.dma_semaphore, #tpu.memory_space<semaphore_mem>>) src(%dma_wait3A_12 : memref<8192x1024xf32, #tpu.memory_space<hbm>>) dst(%arg6 : memref<32x1024xf32, #tpu.memory_space<vmem>>)
    %dma_start3A_13 = arith.constant 32 : i32
    %dma_start3A_14 = tpu.memref_slice %arg5[%dma_start3A_13] : memref<128xi32, #tpu.memory_space<vmem>> -> memref<32xi32, #tpu.memory_space<vmem>>
    %dma_start3A_15 = arith.constant 0 : i32
    %dma_start3A_16 = arith.constant 0 : i32
    %dma_start3A_17 = tpu.memref_slice %arg2[%dma_start3A_15, %dma_start3A_16] : memref<8192x1024xf32, #tpu.memory_space<hbm>> -> memref<8192x1024xf32, #tpu.memory_space<hbm>>
    tpu.enqueue_indirect_dma source(%dma_start3A_17 : memref<8192x1024xf32, #tpu.memory_space<hbm>>) target(%arg7 : memref<32x1024xf32, #tpu.memory_space<vmem>>) offsets(%dma_start3A_14 : memref<32xi32, #tpu.memory_space<vmem>>) semaphore(%arg11 : memref<!tpu.dma_semaphore, #tpu.memory_space<semaphore_mem>>)
    %scan3A = arith.constant 0 : i32
    %scan3A_18 = arith.constant 0 : i32
    %scan3A_19 = arith.constant 64 : i32
    %scan3A_20 = arith.addi %scan3A_18, %scan3A_19 : i32
    %scan3A_21 = arith.constant 1 : i32
    scf.for %scan3A_106 = %scan3A_18 to %scan3A_20 step %scan3A_21  : i32 {
      %mul3A_107 = arith.constant 16 : i32
      %mul3A_108 = arith.muli %scan3A_106, %mul3A_107 : i32
      %get3A = arith.constant 0 : i32
      %get3A_109 = arith.index_cast %get3A : i32 to index
      %get3A_110 = arith.index_cast %mul3A_108 : i32 to index
      %get3A_111 = tpu.vector_load %arg6[%get3A_109, %get3A_110] {strides = array<i32>} : memref<32x1024xf32, #tpu.memory_space<vmem>>, vector<1x16xf32>,
      %get3A_112 = vector.shape_cast %get3A_111 : vector<1x16xf32> to vector<16xf32>
      %mul3A_113 = arith.constant 16 : i32
      %mul3A_114 = arith.muli %scan3A_106, %mul3A_113 : i32
      %get3A_115 = arith.constant 1 : i32
      %get3A_116 = arith.index_cast %get3A_115 : i32 to index
      %get3A_117 = arith.index_cast %mul3A_114 : i32 to index
      %get3A_118 = tpu.vector_load %arg6[%get3A_116, %get3A_117] {strides = array<i32>} : memref<32x1024xf32, #tpu.memory_space<vmem>>, vector<1x16xf32>,
      %get3A_119 = vector.shape_cast %get3A_118 : vector<1x16xf32> to vector<16xf32>
      %add3A_120 = arith.addf %get3A_112, %get3A_119 : vector<16xf32>
      %mul3A_121 = arith.constant 16 : i32
      %mul3A_122 = arith.muli %scan3A_106, %mul3A_121 : i32
      %swap3A = arith.constant 0 : i32
      %swap3A_123 = arith.index_cast %swap3A : i32 to index
      %swap3A_124 = arith.index_cast %mul3A_122 : i32 to index
      %swap3A_125 = tpu.vector_load %arg8[%swap3A_123, %swap3A_124] {strides = array<i32>} : memref<16x1024xf32, #tpu.memory_space<vmem>>, vector<1x16xf32>,
      %swap3A_126 = vector.shape_cast %swap3A_125 : vector<1x16xf32> to vector<16xf32>
      %swap3A_127 = vector.shape_cast %add3A_120 : vector<16xf32> to vector<1x16xf32>
      tpu.vector_store %arg8[%swap3A_123, %swap3A_124], %swap3A_127 {strides = array<i32>} : memref<16x1024xf32, #tpu.memory_space<vmem>>, vector<1x16xf32>,
      %mul3A_128 = arith.constant 16 : i32
      %mul3A_129 = arith.muli %scan3A_106, %mul3A_128 : i32
      %get3A_130 = arith.constant 2 : i32
      %get3A_131 = arith.index_cast %get3A_130 : i32 to index
      %get3A_132 = arith.index_cast %mul3A_129 : i32 to index
      %get3A_133 = tpu.vector_load %arg6[%get3A_131, %get3A_132] {strides = array<i32>} : memref<32x1024xf32, #tpu.memory_space<vmem>>, vector<1x16xf32>,
      %get3A_134 = vector.shape_cast %get3A_133 : vector<1x16xf32> to vector<16xf32>
      %mul3A_135 = arith.constant 16 : i32
      %mul3A_136 = arith.muli %scan3A_106, %mul3A_135 : i32
      %get3A_137 = arith.constant 3 : i32
      %get3A_138 = arith.index_cast %get3A_137 : i32 to index
      %get3A_139 = arith.index_cast %mul3A_136 : i32 to index
      %get3A_140 = tpu.vector_load %arg6[%get3A_138, %get3A_139] {strides = array<i32>} : memref<32x1024xf32, #tpu.memory_space<vmem>>, vector<1x16xf32>,
      %get3A_141 = vector.shape_cast %get3A_140 : vector<1x16xf32> to vector<16xf32>
      %add3A_142 = arith.addf %get3A_134, %get3A_141 : vector<16xf32>
      %mul3A_143 = arith.constant 16 : i32
      %mul3A_144 = arith.muli %scan3A_106, %mul3A_143 : i32
      %swap3A_145 = arith.constant 1 : i32
      %swap3A_146 = arith.index_cast %swap3A_145 : i32 to index
      %swap3A_147 = arith.index_cast %mul3A_144 : i32 to index
      %swap3A_148 = tpu.vector_load %arg8[%swap3A_146, %swap3A_147] {strides = array<i32>} : memref<16x1024xf32, #tpu.memory_space<vmem>>, vector<1x16xf32>,
      %swap3A_149 = vector.shape_cast %swap3A_148 : vector<1x16xf32> to vector<16xf32>
      %swap3A_150 = vector.shape_cast %add3A_142 : vector<16xf32> to vector<1x16xf32>
      tpu.vector_store %arg8[%swap3A_146, %swap3A_147], %swap3A_150 {strides = array<i32>} : memref<16x1024xf32, #tpu.memory_space<vmem>>, vector<1x16xf32>,
      %mul3A_151 = arith.constant 16 : i32
      %mul3A_152 = arith.muli %scan3A_106, %mul3A_151 : i32
      %get3A_153 = arith.constant 4 : i32
      %get3A_154 = arith.index_cast %get3A_153 : i32 to index
      %get3A_155 = arith.index_cast %mul3A_152 : i32 to index
      %get3A_156 = tpu.vector_load %arg6[%get3A_154, %get3A_155] {strides = array<i32>} : memref<32x1024xf32, #tpu.memory_space<vmem>>, vector<1x16xf32>,
      %get3A_157 = vector.shape_cast %get3A_156 : vector<1x16xf32> to vector<16xf32>
      %mul3A_158 = arith.constant 16 : i32
      %mul3A_159 = arith.muli %scan3A_106, %mul3A_158 : i32
      %get3A_160 = arith.constant 5 : i32
      %get3A_161 = arith.index_cast %get3A_160 : i32 to index
      %get3A_162 = arith.index_cast %mul3A_159 : i32 to index
      %get3A_163 = tpu.vector_load %arg6[%get3A_161, %get3A_162] {strides = array<i32>} : memref<32x1024xf32, #tpu.memory_space<vmem>>, vector<1x16xf32>,
      %get3A_164 = vector.shape_cast %get3A_163 : vector<1x16xf32> to vector<16xf32>
      %add3A_165 = arith.addf %get3A_157, %get3A_164 : vector<16xf32>
      %mul3A_166 = arith.constant 16 : i32
      %mul3A_167 = arith.muli %scan3A_106, %mul3A_166 : i32
      %swap3A_168 = arith.constant 2 : i32
      %swap3A_169 = arith.index_cast %swap3A_168 : i32 to index
      %swap3A_170 = arith.index_cast %mul3A_167 : i32 to index
      %swap3A_171 = tpu.vector_load %arg8[%swap3A_169, %swap3A_170] {strides = array<i32>} : memref<16x1024xf32, #tpu.memory_space<vmem>>, vector<1x16xf32>,
      %swap3A_172 = vector.shape_cast %swap3A_171 : vector<1x16xf32> to vector<16xf32>
      %swap3A_173 = vector.shape_cast %add3A_165 : vector<16xf32> to vector<1x16xf32>
      tpu.vector_store %arg8[%swap3A_169, %swap3A_170], %swap3A_173 {strides = array<i32>} : memref<16x1024xf32, #tpu.memory_space<vmem>>, vector<1x16xf32>,
      %mul3A_174 = arith.constant 16 : i32
      %mul3A_175 = arith.muli %scan3A_106, %mul3A_174 : i32
      %get3A_176 = arith.constant 6 : i32
      %get3A_177 = arith.index_cast %get3A_176 : i32 to index
      %get3A_178 = arith.index_cast %mul3A_175 : i32 to index
      %get3A_179 = tpu.vector_load %arg6[%get3A_177, %get3A_178] {strides = array<i32>} : memref<32x1024xf32, #tpu.memory_space<vmem>>, vector<1x16xf32>,
      %get3A_180 = vector.shape_cast %get3A_179 : vector<1x16xf32> to vector<16xf32>
      %mul3A_181 = arith.constant 16 : i32
      %mul3A_182 = arith.muli %scan3A_106, %mul3A_181 : i32
      %get3A_183 = arith.constant 7 : i32
      %get3A_184 = arith.index_cast %get3A_183 : i32 to index
      %get3A_185 = arith.index_cast %mul3A_182 : i32 to index
      %get3A_186 = tpu.vector_load %arg6[%get3A_184, %get3A_185] {strides = array<i32>} : memref<32x1024xf32, #tpu.memory_space<vmem>>, vector<1x16xf32>,
      %get3A_187 = vector.shape_cast %get3A_186 : vector<1x16xf32> to vector<16xf32>
      %add3A_188 = arith.addf %get3A_180, %get3A_187 : vector<16xf32>
      %mul3A_189 = arith.constant 16 : i32
      %mul3A_190 = arith.muli %scan3A_106, %mul3A_189 : i32
      %swap3A_191 = arith.constant 3 : i32
      %swap3A_192 = arith.index_cast %swap3A_191 : i32 to index
      %swap3A_193 = arith.index_cast %mul3A_190 : i32 to index
      %swap3A_194 = tpu.vector_load %arg8[%swap3A_192, %swap3A_193] {strides = array<i32>} : memref<16x1024xf32, #tpu.memory_space<vmem>>, vector<1x16xf32>,
      %swap3A_195 = vector.shape_cast %swap3A_194 : vector<1x16xf32> to vector<16xf32>
      %swap3A_196 = vector.shape_cast %add3A_188 : vector<16xf32> to vector<1x16xf32>
      tpu.vector_store %arg8[%swap3A_192, %swap3A_193], %swap3A_196 {strides = array<i32>} : memref<16x1024xf32, #tpu.memory_space<vmem>>, vector<1x16xf32>,
      %mul3A_197 = arith.constant 16 : i32
      %mul3A_198 = arith.muli %scan3A_106, %mul3A_197 : i32
      %get3A_199 = arith.constant 8 : i32
      %get3A_200 = arith.index_cast %get3A_199 : i32 to index
      %get3A_201 = arith.index_cast %mul3A_198 : i32 to index
      %get3A_202 = tpu.vector_load %arg6[%get3A_200, %get3A_201] {strides = array<i32>} : memref<32x1024xf32, #tpu.memory_space<vmem>>, vector<1x16xf32>,
      %get3A_203 = vector.shape_cast %get3A_202 : vector<1x16xf32> to vector<16xf32>
      %mul3A_204 = arith.constant 16 : i32
      %mul3A_205 = arith.muli %scan3A_106, %mul3A_204 : i32
      %get3A_206 = arith.constant 9 : i32
      %get3A_207 = arith.index_cast %get3A_206 : i32 to index
      %get3A_208 = arith.index_cast %mul3A_205 : i32 to index
      %get3A_209 = tpu.vector_load %arg6[%get3A_207, %get3A_208] {strides = array<i32>} : memref<32x1024xf32, #tpu.memory_space<vmem>>, vector<1x16xf32>,
      %get3A_210 = vector.shape_cast %get3A_209 : vector<1x16xf32> to vector<16xf32>
      %add3A_211 = arith.addf %get3A_203, %get3A_210 : vector<16xf32>
      %mul3A_212 = arith.constant 16 : i32
      %mul3A_213 = arith.muli %scan3A_106, %mul3A_212 : i32
      %swap3A_214 = arith.constant 4 : i32
      %swap3A_215 = arith.index_cast %swap3A_214 : i32 to index
      %swap3A_216 = arith.index_cast %mul3A_213 : i32 to index
      %swap3A_217 = tpu.vector_load %arg8[%swap3A_215, %swap3A_216] {strides = array<i32>} : memref<16x1024xf32, #tpu.memory_space<vmem>>, vector<1x16xf32>,
      %swap3A_218 = vector.shape_cast %swap3A_217 : vector<1x16xf32> to vector<16xf32>
      %swap3A_219 = vector.shape_cast %add3A_211 : vector<16xf32> to vector<1x16xf32>
      tpu.vector_store %arg8[%swap3A_215, %swap3A_216], %swap3A_219 {strides = array<i32>} : memref<16x1024xf32, #tpu.memory_space<vmem>>, vector<1x16xf32>,
      %mul3A_220 = arith.constant 16 : i32
      %mul3A_221 = arith.muli %scan3A_106, %mul3A_220 : i32
      %get3A_222 = arith.constant 10 : i32
      %get3A_223 = arith.index_cast %get3A_222 : i32 to index
      %get3A_224 = arith.index_cast %mul3A_221 : i32 to index
      %get3A_225 = tpu.vector_load %arg6[%get3A_223, %get3A_224] {strides = array<i32>} : memref<32x1024xf32, #tpu.memory_space<vmem>>, vector<1x16xf32>,
      %get3A_226 = vector.shape_cast %get3A_225 : vector<1x16xf32> to vector<16xf32>
      %mul3A_227 = arith.constant 16 : i32
      %mul3A_228 = arith.muli %scan3A_106, %mul3A_227 : i32
      %get3A_229 = arith.constant 11 : i32
      %get3A_230 = arith.index_cast %get3A_229 : i32 to index
      %get3A_231 = arith.index_cast %mul3A_228 : i32 to index
      %get3A_232 = tpu.vector_load %arg6[%get3A_230, %get3A_231] {strides = array<i32>} : memref<32x1024xf32, #tpu.memory_space<vmem>>, vector<1x16xf32>,
      %get3A_233 = vector.shape_cast %get3A_232 : vector<1x16xf32> to vector<16xf32>
      %add3A_234 = arith.addf %get3A_226, %get3A_233 : vector<16xf32>
      %mul3A_235 = arith.constant 16 : i32
      %mul3A_236 = arith.muli %scan3A_106, %mul3A_235 : i32
      %swap3A_237 = arith.constant 5 : i32
      %swap3A_238 = arith.index_cast %swap3A_237 : i32 to index
      %swap3A_239 = arith.index_cast %mul3A_236 : i32 to index
      %swap3A_240 = tpu.vector_load %arg8[%swap3A_238, %swap3A_239] {strides = array<i32>} : memref<16x1024xf32, #tpu.memory_space<vmem>>, vector<1x16xf32>,
      %swap3A_241 = vector.shape_cast %swap3A_240 : vector<1x16xf32> to vector<16xf32>
      %swap3A_242 = vector.shape_cast %add3A_234 : vector<16xf32> to vector<1x16xf32>
      tpu.vector_store %arg8[%swap3A_238, %swap3A_239], %swap3A_242 {strides = array<i32>} : memref<16x1024xf32, #tpu.memory_space<vmem>>, vector<1x16xf32>,
      %mul3A_243 = arith.constant 16 : i32
      %mul3A_244 = arith.muli %scan3A_106, %mul3A_243 : i32
      %get3A_245 = arith.constant 12 : i32
      %get3A_246 = arith.index_cast %get3A_245 : i32 to index
      %get3A_247 = arith.index_cast %mul3A_244 : i32 to index
      %get3A_248 = tpu.vector_load %arg6[%get3A_246, %get3A_247] {strides = array<i32>} : memref<32x1024xf32, #tpu.memory_space<vmem>>, vector<1x16xf32>,
      %get3A_249 = vector.shape_cast %get3A_248 : vector<1x16xf32> to vector<16xf32>
      %mul3A_250 = arith.constant 16 : i32
      %mul3A_251 = arith.muli %scan3A_106, %mul3A_250 : i32
      %get3A_252 = arith.constant 13 : i32
      %get3A_253 = arith.index_cast %get3A_252 : i32 to index
      %get3A_254 = arith.index_cast %mul3A_251 : i32 to index
      %get3A_255 = tpu.vector_load %arg6[%get3A_253, %get3A_254] {strides = array<i32>} : memref<32x1024xf32, #tpu.memory_space<vmem>>, vector<1x16xf32>,
      %get3A_256 = vector.shape_cast %get3A_255 : vector<1x16xf32> to vector<16xf32>
      %add3A_257 = arith.addf %get3A_249, %get3A_256 : vector<16xf32>
      %mul3A_258 = arith.constant 16 : i32
      %mul3A_259 = arith.muli %scan3A_106, %mul3A_258 : i32
      %swap3A_260 = arith.constant 6 : i32
      %swap3A_261 = arith.index_cast %swap3A_260 : i32 to index
      %swap3A_262 = arith.index_cast %mul3A_259 : i32 to index
      %swap3A_263 = tpu.vector_load %arg8[%swap3A_261, %swap3A_262] {strides = array<i32>} : memref<16x1024xf32, #tpu.memory_space<vmem>>, vector<1x16xf32>,
      %swap3A_264 = vector.shape_cast %swap3A_263 : vector<1x16xf32> to vector<16xf32>
      %swap3A_265 = vector.shape_cast %add3A_257 : vector<16xf32> to vector<1x16xf32>
      tpu.vector_store %arg8[%swap3A_261, %swap3A_262], %swap3A_265 {strides = array<i32>} : memref<16x1024xf32, #tpu.memory_space<vmem>>, vector<1x16xf32>,
      %mul3A_266 = arith.constant 16 : i32
      %mul3A_267 = arith.muli %scan3A_106, %mul3A_266 : i32
      %get3A_268 = arith.constant 14 : i32
      %get3A_269 = arith.index_cast %get3A_268 : i32 to index
      %get3A_270 = arith.index_cast %mul3A_267 : i32 to index
      %get3A_271 = tpu.vector_load %arg6[%get3A_269, %get3A_270] {strides = array<i32>} : memref<32x1024xf32, #tpu.memory_space<vmem>>, vector<1x16xf32>,
      %get3A_272 = vector.shape_cast %get3A_271 : vector<1x16xf32> to vector<16xf32>
      %mul3A_273 = arith.constant 16 : i32
      %mul3A_274 = arith.muli %scan3A_106, %mul3A_273 : i32
      %get3A_275 = arith.constant 15 : i32
      %get3A_276 = arith.index_cast %get3A_275 : i32 to index
      %get3A_277 = arith.index_cast %mul3A_274 : i32 to index
      %get3A_278 = tpu.vector_load %arg6[%get3A_276, %get3A_277] {strides = array<i32>} : memref<32x1024xf32, #tpu.memory_space<vmem>>, vector<1x16xf32>,
      %get3A_279 = vector.shape_cast %get3A_278 : vector<1x16xf32> to vector<16xf32>
      %add3A_280 = arith.addf %get3A_272, %get3A_279 : vector<16xf32>
      %mul3A_281 = arith.constant 16 : i32
      %mul3A_282 = arith.muli %scan3A_106, %mul3A_281 : i32
      %swap3A_283 = arith.constant 7 : i32
      %swap3A_284 = arith.index_cast %swap3A_283 : i32 to index
      %swap3A_285 = arith.index_cast %mul3A_282 : i32 to index
      %swap3A_286 = tpu.vector_load %arg8[%swap3A_284, %swap3A_285] {strides = array<i32>} : memref<16x1024xf32, #tpu.memory_space<vmem>>, vector<1x16xf32>,
      %swap3A_287 = vector.shape_cast %swap3A_286 : vector<1x16xf32> to vector<16xf32>
      %swap3A_288 = vector.shape_cast %add3A_280 : vector<16xf32> to vector<1x16xf32>
      tpu.vector_store %arg8[%swap3A_284, %swap3A_285], %swap3A_288 {strides = array<i32>} : memref<16x1024xf32, #tpu.memory_space<vmem>>, vector<1x16xf32>,
      %mul3A_289 = arith.constant 16 : i32
      %mul3A_290 = arith.muli %scan3A_106, %mul3A_289 : i32
      %get3A_291 = arith.constant 16 : i32
      %get3A_292 = arith.index_cast %get3A_291 : i32 to index
      %get3A_293 = arith.index_cast %mul3A_290 : i32 to index
      %get3A_294 = tpu.vector_load %arg6[%get3A_292, %get3A_293] {strides = array<i32>} : memref<32x1024xf32, #tpu.memory_space<vmem>>, vector<1x16xf32>,
      %get3A_295 = vector.shape_cast %get3A_294 : vector<1x16xf32> to vector<16xf32>
      %mul3A_296 = arith.constant 16 : i32
      %mul3A_297 = arith.muli %scan3A_106, %mul3A_296 : i32
      %get3A_298 = arith.constant 17 : i32
      %get3A_299 = arith.index_cast %get3A_298 : i32 to index
      %get3A_300 = arith.index_cast %mul3A_297 : i32 to index
      %get3A_301 = tpu.vector_load %arg6[%get3A_299, %get3A_300] {strides = array<i32>} : memref<32x1024xf32, #tpu.memory_space<vmem>>, vector<1x16xf32>,
      %get3A_302 = vector.shape_cast %get3A_301 : vector<1x16xf32> to vector<16xf32>
      %add3A_303 = arith.addf %get3A_295, %get3A_302 : vector<16xf32>
      %mul3A_304 = arith.constant 16 : i32
      %mul3A_305 = arith.muli %scan3A_106, %mul3A_304 : i32
      %swap3A_306 = arith.constant 8 : i32
      %swap3A_307 = arith.index_cast %swap3A_306 : i32 to index
      %swap3A_308 = arith.index_cast %mul3A_305 : i32 to index
      %swap3A_309 = tpu.vector_load %arg8[%swap3A_307, %swap3A_308] {strides = array<i32>} : memref<16x1024xf32, #tpu.memory_space<vmem>>, vector<1x16xf32>,
      %swap3A_310 = vector.shape_cast %swap3A_309 : vector<1x16xf32> to vector<16xf32>
      %swap3A_311 = vector.shape_cast %add3A_303 : vector<16xf32> to vector<1x16xf32>
      tpu.vector_store %arg8[%swap3A_307, %swap3A_308], %swap3A_311 {strides = array<i32>} : memref<16x1024xf32, #tpu.memory_space<vmem>>, vector<1x16xf32>,
      %mul3A_312 = arith.constant 16 : i32
      %mul3A_313 = arith.muli %scan3A_106, %mul3A_312 : i32
      %get3A_314 = arith.constant 18 : i32
      %get3A_315 = arith.index_cast %get3A_314 : i32 to index
      %get3A_316 = arith.index_cast %mul3A_313 : i32 to index
      %get3A_317 = tpu.vector_load %arg6[%get3A_315, %get3A_316] {strides = array<i32>} : memref<32x1024xf32, #tpu.memory_space<vmem>>, vector<1x16xf32>,
      %get3A_318 = vector.shape_cast %get3A_317 : vector<1x16xf32> to vector<16xf32>
      %mul3A_319 = arith.constant 16 : i32
      %mul3A_320 = arith.muli %scan3A_106, %mul3A_319 : i32
      %get3A_321 = arith.constant 19 : i32
      %get3A_322 = arith.index_cast %get3A_321 : i32 to index
      %get3A_323 = arith.index_cast %mul3A_320 : i32 to index
      %get3A_324 = tpu.vector_load %arg6[%get3A_322, %get3A_323] {strides = array<i32>} : memref<32x1024xf32, #tpu.memory_space<vmem>>, vector<1x16xf32>,
      %get3A_325 = vector.shape_cast %get3A_324 : vector<1x16xf32> to vector<16xf32>
      %add3A_326 = arith.addf %get3A_318, %get3A_325 : vector<16xf32>
      %mul3A_327 = arith.constant 16 : i32
      %mul3A_328 = arith.muli %scan3A_106, %mul3A_327 : i32
      %swap3A_329 = arith.constant 9 : i32
      %swap3A_330 = arith.index_cast %swap3A_329 : i32 to index
      %swap3A_331 = arith.index_cast %mul3A_328 : i32 to index
      %swap3A_332 = tpu.vector_load %arg8[%swap3A_330, %swap3A_331] {strides = array<i32>} : memref<16x1024xf32, #tpu.memory_space<vmem>>, vector<1x16xf32>,
      %swap3A_333 = vector.shape_cast %swap3A_332 : vector<1x16xf32> to vector<16xf32>
      %swap3A_334 = vector.shape_cast %add3A_326 : vector<16xf32> to vector<1x16xf32>
      tpu.vector_store %arg8[%swap3A_330, %swap3A_331], %swap3A_334 {strides = array<i32>} : memref<16x1024xf32, #tpu.memory_space<vmem>>, vector<1x16xf32>,
      %mul3A_335 = arith.constant 16 : i32
      %mul3A_336 = arith.muli %scan3A_106, %mul3A_335 : i32
      %get3A_337 = arith.constant 20 : i32
      %get3A_338 = arith.index_cast %get3A_337 : i32 to index
      %get3A_339 = arith.index_cast %mul3A_336 : i32 to index
      %get3A_340 = tpu.vector_load %arg6[%get3A_338, %get3A_339] {strides = array<i32>} : memref<32x1024xf32, #tpu.memory_space<vmem>>, vector<1x16xf32>,
      %get3A_341 = vector.shape_cast %get3A_340 : vector<1x16xf32> to vector<16xf32>
      %mul3A_342 = arith.constant 16 : i32
      %mul3A_343 = arith.muli %scan3A_106, %mul3A_342 : i32
      %get3A_344 = arith.constant 21 : i32
      %get3A_345 = arith.index_cast %get3A_344 : i32 to index
      %get3A_346 = arith.index_cast %mul3A_343 : i32 to index
      %get3A_347 = tpu.vector_load %arg6[%get3A_345, %get3A_346] {strides = array<i32>} : memref<32x1024xf32, #tpu.memory_space<vmem>>, vector<1x16xf32>,
      %get3A_348 = vector.shape_cast %get3A_347 : vector<1x16xf32> to vector<16xf32>
      %add3A_349 = arith.addf %get3A_341, %get3A_348 : vector<16xf32>
      %mul3A_350 = arith.constant 16 : i32
      %mul3A_351 = arith.muli %scan3A_106, %mul3A_350 : i32
      %swap3A_352 = arith.constant 10 : i32
      %swap3A_353 = arith.index_cast %swap3A_352 : i32 to index
      %swap3A_354 = arith.index_cast %mul3A_351 : i32 to index
      %swap3A_355 = tpu.vector_load %arg8[%swap3A_353, %swap3A_354] {strides = array<i32>} : memref<16x1024xf32, #tpu.memory_space<vmem>>, vector<1x16xf32>,
      %swap3A_356 = vector.shape_cast %swap3A_355 : vector<1x16xf32> to vector<16xf32>
      %swap3A_357 = vector.shape_cast %add3A_349 : vector<16xf32> to vector<1x16xf32>
      tpu.vector_store %arg8[%swap3A_353, %swap3A_354], %swap3A_357 {strides = array<i32>} : memref<16x1024xf32, #tpu.memory_space<vmem>>, vector<1x16xf32>,
      %mul3A_358 = arith.constant 16 : i32
      %mul3A_359 = arith.muli %scan3A_106, %mul3A_358 : i32
      %get3A_360 = arith.constant 22 : i32
      %get3A_361 = arith.index_cast %get3A_360 : i32 to index
      %get3A_362 = arith.index_cast %mul3A_359 : i32 to index
      %get3A_363 = tpu.vector_load %arg6[%get3A_361, %get3A_362] {strides = array<i32>} : memref<32x1024xf32, #tpu.memory_space<vmem>>, vector<1x16xf32>,
      %get3A_364 = vector.shape_cast %get3A_363 : vector<1x16xf32> to vector<16xf32>
      %mul3A_365 = arith.constant 16 : i32
      %mul3A_366 = arith.muli %scan3A_106, %mul3A_365 : i32
      %get3A_367 = arith.constant 23 : i32
      %get3A_368 = arith.index_cast %get3A_367 : i32 to index
      %get3A_369 = arith.index_cast %mul3A_366 : i32 to index
      %get3A_370 = tpu.vector_load %arg6[%get3A_368, %get3A_369] {strides = array<i32>} : memref<32x1024xf32, #tpu.memory_space<vmem>>, vector<1x16xf32>,
      %get3A_371 = vector.shape_cast %get3A_370 : vector<1x16xf32> to vector<16xf32>
      %add3A_372 = arith.addf %get3A_364, %get3A_371 : vector<16xf32>
      %mul3A_373 = arith.constant 16 : i32
      %mul3A_374 = arith.muli %scan3A_106, %mul3A_373 : i32
      %swap3A_375 = arith.constant 11 : i32
      %swap3A_376 = arith.index_cast %swap3A_375 : i32 to index
      %swap3A_377 = arith.index_cast %mul3A_374 : i32 to index
      %swap3A_378 = tpu.vector_load %arg8[%swap3A_376, %swap3A_377] {strides = array<i32>} : memref<16x1024xf32, #tpu.memory_space<vmem>>, vector<1x16xf32>,
      %swap3A_379 = vector.shape_cast %swap3A_378 : vector<1x16xf32> to vector<16xf32>
      %swap3A_380 = vector.shape_cast %add3A_372 : vector<16xf32> to vector<1x16xf32>
      tpu.vector_store %arg8[%swap3A_376, %swap3A_377], %swap3A_380 {strides = array<i32>} : memref<16x1024xf32, #tpu.memory_space<vmem>>, vector<1x16xf32>,
      %mul3A_381 = arith.constant 16 : i32
      %mul3A_382 = arith.muli %scan3A_106, %mul3A_381 : i32
      %get3A_383 = arith.constant 24 : i32
      %get3A_384 = arith.index_cast %get3A_383 : i32 to index
      %get3A_385 = arith.index_cast %mul3A_382 : i32 to index
      %get3A_386 = tpu.vector_load %arg6[%get3A_384, %get3A_385] {strides = array<i32>} : memref<32x1024xf32, #tpu.memory_space<vmem>>, vector<1x16xf32>,
      %get3A_387 = vector.shape_cast %get3A_386 : vector<1x16xf32> to vector<16xf32>
      %mul3A_388 = arith.constant 16 : i32
      %mul3A_389 = arith.muli %scan3A_106, %mul3A_388 : i32
      %get3A_390 = arith.constant 25 : i32
      %get3A_391 = arith.index_cast %get3A_390 : i32 to index
      %get3A_392 = arith.index_cast %mul3A_389 : i32 to index
      %get3A_393 = tpu.vector_load %arg6[%get3A_391, %get3A_392] {strides = array<i32>} : memref<32x1024xf32, #tpu.memory_space<vmem>>, vector<1x16xf32>,
      %get3A_394 = vector.shape_cast %get3A_393 : vector<1x16xf32> to vector<16xf32>
      %add3A_395 = arith.addf %get3A_387, %get3A_394 : vector<16xf32>
      %mul3A_396 = arith.constant 16 : i32
      %mul3A_397 = arith.muli %scan3A_106, %mul3A_396 : i32
      %swap3A_398 = arith.constant 12 : i32
      %swap3A_399 = arith.index_cast %swap3A_398 : i32 to index
      %swap3A_400 = arith.index_cast %mul3A_397 : i32 to index
      %swap3A_401 = tpu.vector_load %arg8[%swap3A_399, %swap3A_400] {strides = array<i32>} : memref<16x1024xf32, #tpu.memory_space<vmem>>, vector<1x16xf32>,
      %swap3A_402 = vector.shape_cast %swap3A_401 : vector<1x16xf32> to vector<16xf32>
      %swap3A_403 = vector.shape_cast %add3A_395 : vector<16xf32> to vector<1x16xf32>
      tpu.vector_store %arg8[%swap3A_399, %swap3A_400], %swap3A_403 {strides = array<i32>} : memref<16x1024xf32, #tpu.memory_space<vmem>>, vector<1x16xf32>,
      %mul3A_404 = arith.constant 16 : i32
      %mul3A_405 = arith.muli %scan3A_106, %mul3A_404 : i32
      %get3A_406 = arith.constant 26 : i32
      %get3A_407 = arith.index_cast %get3A_406 : i32 to index
      %get3A_408 = arith.index_cast %mul3A_405 : i32 to index
      %get3A_409 = tpu.vector_load %arg6[%get3A_407, %get3A_408] {strides = array<i32>} : memref<32x1024xf32, #tpu.memory_space<vmem>>, vector<1x16xf32>,
      %get3A_410 = vector.shape_cast %get3A_409 : vector<1x16xf32> to vector<16xf32>
      %mul3A_411 = arith.constant 16 : i32
      %mul3A_412 = arith.muli %scan3A_106, %mul3A_411 : i32
      %get3A_413 = arith.constant 27 : i32
      %get3A_414 = arith.index_cast %get3A_413 : i32 to index
      %get3A_415 = arith.index_cast %mul3A_412 : i32 to index
      %get3A_416 = tpu.vector_load %arg6[%get3A_414, %get3A_415] {strides = array<i32>} : memref<32x1024xf32, #tpu.memory_space<vmem>>, vector<1x16xf32>,
      %get3A_417 = vector.shape_cast %get3A_416 : vector<1x16xf32> to vector<16xf32>
      %add3A_418 = arith.addf %get3A_410, %get3A_417 : vector<16xf32>
      %mul3A_419 = arith.constant 16 : i32
      %mul3A_420 = arith.muli %scan3A_106, %mul3A_419 : i32
      %swap3A_421 = arith.constant 13 : i32
      %swap3A_422 = arith.index_cast %swap3A_421 : i32 to index
      %swap3A_423 = arith.index_cast %mul3A_420 : i32 to index
      %swap3A_424 = tpu.vector_load %arg8[%swap3A_422, %swap3A_423] {strides = array<i32>} : memref<16x1024xf32, #tpu.memory_space<vmem>>, vector<1x16xf32>,
      %swap3A_425 = vector.shape_cast %swap3A_424 : vector<1x16xf32> to vector<16xf32>
      %swap3A_426 = vector.shape_cast %add3A_418 : vector<16xf32> to vector<1x16xf32>
      tpu.vector_store %arg8[%swap3A_422, %swap3A_423], %swap3A_426 {strides = array<i32>} : memref<16x1024xf32, #tpu.memory_space<vmem>>, vector<1x16xf32>,
      %mul3A_427 = arith.constant 16 : i32
      %mul3A_428 = arith.muli %scan3A_106, %mul3A_427 : i32
      %get3A_429 = arith.constant 28 : i32
      %get3A_430 = arith.index_cast %get3A_429 : i32 to index
      %get3A_431 = arith.index_cast %mul3A_428 : i32 to index
      %get3A_432 = tpu.vector_load %arg6[%get3A_430, %get3A_431] {strides = array<i32>} : memref<32x1024xf32, #tpu.memory_space<vmem>>, vector<1x16xf32>,
      %get3A_433 = vector.shape_cast %get3A_432 : vector<1x16xf32> to vector<16xf32>
      %mul3A_434 = arith.constant 16 : i32
      %mul3A_435 = arith.muli %scan3A_106, %mul3A_434 : i32
      %get3A_436 = arith.constant 29 : i32
      %get3A_437 = arith.index_cast %get3A_436 : i32 to index
      %get3A_438 = arith.index_cast %mul3A_435 : i32 to index
      %get3A_439 = tpu.vector_load %arg6[%get3A_437, %get3A_438] {strides = array<i32>} : memref<32x1024xf32, #tpu.memory_space<vmem>>, vector<1x16xf32>,
      %get3A_440 = vector.shape_cast %get3A_439 : vector<1x16xf32> to vector<16xf32>
      %add3A_441 = arith.addf %get3A_433, %get3A_440 : vector<16xf32>
      %mul3A_442 = arith.constant 16 : i32
      %mul3A_443 = arith.muli %scan3A_106, %mul3A_442 : i32
      %swap3A_444 = arith.constant 14 : i32
      %swap3A_445 = arith.index_cast %swap3A_444 : i32 to index
      %swap3A_446 = arith.index_cast %mul3A_443 : i32 to index
      %swap3A_447 = tpu.vector_load %arg8[%swap3A_445, %swap3A_446] {strides = array<i32>} : memref<16x1024xf32, #tpu.memory_space<vmem>>, vector<1x16xf32>,
      %swap3A_448 = vector.shape_cast %swap3A_447 : vector<1x16xf32> to vector<16xf32>
      %swap3A_449 = vector.shape_cast %add3A_441 : vector<16xf32> to vector<1x16xf32>
      tpu.vector_store %arg8[%swap3A_445, %swap3A_446], %swap3A_449 {strides = array<i32>} : memref<16x1024xf32, #tpu.memory_space<vmem>>, vector<1x16xf32>,
      %mul3A_450 = arith.constant 16 : i32
      %mul3A_451 = arith.muli %scan3A_106, %mul3A_450 : i32
      %get3A_452 = arith.constant 30 : i32
      %get3A_453 = arith.index_cast %get3A_452 : i32 to index
      %get3A_454 = arith.index_cast %mul3A_451 : i32 to index
      %get3A_455 = tpu.vector_load %arg6[%get3A_453, %get3A_454] {strides = array<i32>} : memref<32x1024xf32, #tpu.memory_space<vmem>>, vector<1x16xf32>,
      %get3A_456 = vector.shape_cast %get3A_455 : vector<1x16xf32> to vector<16xf32>
      %mul3A_457 = arith.constant 16 : i32
      %mul3A_458 = arith.muli %scan3A_106, %mul3A_457 : i32
      %get3A_459 = arith.constant 31 : i32
      %get3A_460 = arith.index_cast %get3A_459 : i32 to index
      %get3A_461 = arith.index_cast %mul3A_458 : i32 to index
      %get3A_462 = tpu.vector_load %arg6[%get3A_460, %get3A_461] {strides = array<i32>} : memref<32x1024xf32, #tpu.memory_space<vmem>>, vector<1x16xf32>,
      %get3A_463 = vector.shape_cast %get3A_462 : vector<1x16xf32> to vector<16xf32>
      %add3A_464 = arith.addf %get3A_456, %get3A_463 : vector<16xf32>
      %mul3A_465 = arith.constant 16 : i32
      %mul3A_466 = arith.muli %scan3A_106, %mul3A_465 : i32
      %swap3A_467 = arith.constant 15 : i32
      %swap3A_468 = arith.index_cast %swap3A_467 : i32 to index
      %swap3A_469 = arith.index_cast %mul3A_466 : i32 to index
      %swap3A_470 = tpu.vector_load %arg8[%swap3A_468, %swap3A_469] {strides = array<i32>} : memref<16x1024xf32, #tpu.memory_space<vmem>>, vector<1x16xf32>,
      %swap3A_471 = vector.shape_cast %swap3A_470 : vector<1x16xf32> to vector<16xf32>
      %swap3A_472 = vector.shape_cast %add3A_464 : vector<16xf32> to vector<1x16xf32>
      tpu.vector_store %arg8[%swap3A_468, %swap3A_469], %swap3A_472 {strides = array<i32>} : memref<16x1024xf32, #tpu.memory_space<vmem>>, vector<1x16xf32>,
    }
    %scan3A_22 = arith.constant 64 : i32
    %add3A_23 = arith.constant 0 : i32
    %add3A_24 = arith.addi %mul3A_2, %add3A_23 : i32
    %dma_start3A_25 = arith.constant 0 : i32
    %dma_start3A_26 = tpu.memref_slice %arg4[%add3A_24, %dma_start3A_25] : memref<2048x1024xf32, #tpu.memory_space<hbm>> -> memref<16x1024xf32, #tpu.memory_space<hbm>>
    %dma_start3A_27 = arith.constant 0 : i32
    %dma_start3A_28 = tpu.memref_slice %arg4[%add3A_24, %dma_start3A_27] : memref<2048x1024xf32, #tpu.memory_space<hbm>> -> memref<16x1024xf32, #tpu.memory_space<hbm>>
    tpu.enqueue_dma source(%arg8 : memref<16x1024xf32, #tpu.memory_space<vmem>>) target(%dma_start3A_28 : memref<16x1024xf32, #tpu.memory_space<hbm>>) target_semaphore(%arg12 : memref<!tpu.dma_semaphore, #tpu.memory_space<semaphore_mem>>)
    %dma_wait3A_29 = arith.constant 32 : i32
    %dma_wait3A_30 = tpu.memref_slice %arg5[%dma_wait3A_29] : memref<128xi32, #tpu.memory_space<vmem>> -> memref<32xi32, #tpu.memory_space<vmem>>
    %dma_wait3A_31 = arith.constant 0 : i32
    %dma_wait3A_32 = arith.constant 0 : i32
    %dma_wait3A_33 = tpu.memref_slice %arg2[%dma_wait3A_31, %dma_wait3A_32] : memref<8192x1024xf32, #tpu.memory_space<hbm>> -> memref<8192x1024xf32, #tpu.memory_space<hbm>>
    tpu.wait_indirect_dma semaphore(%arg11 : memref<!tpu.dma_semaphore, #tpu.memory_space<semaphore_mem>>) src(%dma_wait3A_33 : memref<8192x1024xf32, #tpu.memory_space<hbm>>) dst(%arg7 : memref<32x1024xf32, #tpu.memory_space<vmem>>)
    %dma_start3A_34 = arith.constant 64 : i32
    %dma_start3A_35 = tpu.memref_slice %arg5[%dma_start3A_34] : memref<128xi32, #tpu.memory_space<vmem>> -> memref<32xi32, #tpu.memory_space<vmem>>
    %dma_start3A_36 = arith.constant 0 : i32
    %dma_start3A_37 = arith.constant 0 : i32
    %dma_start3A_38 = tpu.memref_slice %arg2[%dma_start3A_36, %dma_start3A_37] : memref<8192x1024xf32, #tpu.memory_space<hbm>> -> memref<8192x1024xf32, #tpu.memory_space<hbm>>
    tpu.enqueue_indirect_dma source(%dma_start3A_38 : memref<8192x1024xf32, #tpu.memory_space<hbm>>) target(%arg6 : memref<32x1024xf32, #tpu.memory_space<vmem>>) offsets(%dma_start3A_35 : memref<32xi32, #tpu.memory_space<vmem>>) semaphore(%arg10 : memref<!tpu.dma_semaphore, #tpu.memory_space<semaphore_mem>>)
    %scan3A_39 = arith.constant 0 : i32
    %scan3A_40 = arith.constant 0 : i32
    %scan3A_41 = arith.constant 64 : i32
    %scan3A_42 = arith.addi %scan3A_40, %scan3A_41 : i32
    %scan3A_43 = arith.constant 1 : i32
    scf.for %scan3A_106 = %scan3A_40 to %scan3A_42 step %scan3A_43  : i32 {
      %mul3A_107 = arith.constant 16 : i32
      %mul3A_108 = arith.muli %scan3A_106, %mul3A_107 : i32
      %get3A = arith.constant 0 : i32
      %get3A_109 = arith.index_cast %get3A : i32 to index
      %get3A_110 = arith.index_cast %mul3A_108 : i32 to index
      %get3A_111 = tpu.vector_load %arg7[%get3A_109, %get3A_110] {strides = array<i32>} : memref<32x1024xf32, #tpu.memory_space<vmem>>, vector<1x16xf32>,
      %get3A_112 = vector.shape_cast %get3A_111 : vector<1x16xf32> to vector<16xf32>
      %mul3A_113 = arith.constant 16 : i32
      %mul3A_114 = arith.muli %scan3A_106, %mul3A_113 : i32
      %get3A_115 = arith.constant 1 : i32
      %get3A_116 = arith.index_cast %get3A_115 : i32 to index
      %get3A_117 = arith.index_cast %mul3A_114 : i32 to index
      %get3A_118 = tpu.vector_load %arg7[%get3A_116, %get3A_117] {strides = array<i32>} : memref<32x1024xf32, #tpu.memory_space<vmem>>, vector<1x16xf32>,
      %get3A_119 = vector.shape_cast %get3A_118 : vector<1x16xf32> to vector<16xf32>
      %add3A_120 = arith.addf %get3A_112, %get3A_119 : vector<16xf32>
      %mul3A_121 = arith.constant 16 : i32
      %mul3A_122 = arith.muli %scan3A_106, %mul3A_121 : i32
      %swap3A = arith.constant 0 : i32
      %swap3A_123 = arith.index_cast %swap3A : i32 to index
      %swap3A_124 = arith.index_cast %mul3A_122 : i32 to index
      %swap3A_125 = tpu.vector_load %arg9[%swap3A_123, %swap3A_124] {strides = array<i32>} : memref<16x1024xf32, #tpu.memory_space<vmem>>, vector<1x16xf32>,
      %swap3A_126 = vector.shape_cast %swap3A_125 : vector<1x16xf32> to vector<16xf32>
      %swap3A_127 = vector.shape_cast %add3A_120 : vector<16xf32> to vector<1x16xf32>
      tpu.vector_store %arg9[%swap3A_123, %swap3A_124], %swap3A_127 {strides = array<i32>} : memref<16x1024xf32, #tpu.memory_space<vmem>>, vector<1x16xf32>,
      %mul3A_128 = arith.constant 16 : i32
      %mul3A_129 = arith.muli %scan3A_106, %mul3A_128 : i32
      %get3A_130 = arith.constant 2 : i32
      %get3A_131 = arith.index_cast %get3A_130 : i32 to index
      %get3A_132 = arith.index_cast %mul3A_129 : i32 to index
      %get3A_133 = tpu.vector_load %arg7[%get3A_131, %get3A_132] {strides = array<i32>} : memref<32x1024xf32, #tpu.memory_space<vmem>>, vector<1x16xf32>,
      %get3A_134 = vector.shape_cast %get3A_133 : vector<1x16xf32> to vector<16xf32>
      %mul3A_135 = arith.constant 16 : i32
      %mul3A_136 = arith.muli %scan3A_106, %mul3A_135 : i32
      %get3A_137 = arith.constant 3 : i32
      %get3A_138 = arith.index_cast %get3A_137 : i32 to index
      %get3A_139 = arith.index_cast %mul3A_136 : i32 to index
      %get3A_140 = tpu.vector_load %arg7[%get3A_138, %get3A_139] {strides = array<i32>} : memref<32x1024xf32, #tpu.memory_space<vmem>>, vector<1x16xf32>,
      %get3A_141 = vector.shape_cast %get3A_140 : vector<1x16xf32> to vector<16xf32>
      %add3A_142 = arith.addf %get3A_134, %get3A_141 : vector<16xf32>
      %mul3A_143 = arith.constant 16 : i32
      %mul3A_144 = arith.muli %scan3A_106, %mul3A_143 : i32
      %swap3A_145 = arith.constant 1 : i32
      %swap3A_146 = arith.index_cast %swap3A_145 : i32 to index
      %swap3A_147 = arith.index_cast %mul3A_144 : i32 to index
      %swap3A_148 = tpu.vector_load %arg9[%swap3A_146, %swap3A_147] {strides = array<i32>} : memref<16x1024xf32, #tpu.memory_space<vmem>>, vector<1x16xf32>,
      %swap3A_149 = vector.shape_cast %swap3A_148 : vector<1x16xf32> to vector<16xf32>
      %swap3A_150 = vector.shape_cast %add3A_142 : vector<16xf32> to vector<1x16xf32>
      tpu.vector_store %arg9[%swap3A_146, %swap3A_147], %swap3A_150 {strides = array<i32>} : memref<16x1024xf32, #tpu.memory_space<vmem>>, vector<1x16xf32>,
      %mul3A_151 = arith.constant 16 : i32
      %mul3A_152 = arith.muli %scan3A_106, %mul3A_151 : i32
      %get3A_153 = arith.constant 4 : i32
      %get3A_154 = arith.index_cast %get3A_153 : i32 to index
      %get3A_155 = arith.index_cast %mul3A_152 : i32 to index
      %get3A_156 = tpu.vector_load %arg7[%get3A_154, %get3A_155] {strides = array<i32>} : memref<32x1024xf32, #tpu.memory_space<vmem>>, vector<1x16xf32>,
      %get3A_157 = vector.shape_cast %get3A_156 : vector<1x16xf32> to vector<16xf32>
      %mul3A_158 = arith.constant 16 : i32
      %mul3A_159 = arith.muli %scan3A_106, %mul3A_158 : i32
      %get3A_160 = arith.constant 5 : i32
      %get3A_161 = arith.index_cast %get3A_160 : i32 to index
      %get3A_162 = arith.index_cast %mul3A_159 : i32 to index
      %get3A_163 = tpu.vector_load %arg7[%get3A_161, %get3A_162] {strides = array<i32>} : memref<32x1024xf32, #tpu.memory_space<vmem>>, vector<1x16xf32>,
      %get3A_164 = vector.shape_cast %get3A_163 : vector<1x16xf32> to vector<16xf32>
      %add3A_165 = arith.addf %get3A_157, %get3A_164 : vector<16xf32>
      %mul3A_166 = arith.constant 16 : i32
      %mul3A_167 = arith.muli %scan3A_106, %mul3A_166 : i32
      %swap3A_168 = arith.constant 2 : i32
      %swap3A_169 = arith.index_cast %swap3A_168 : i32 to index
      %swap3A_170 = arith.index_cast %mul3A_167 : i32 to index
      %swap3A_171 = tpu.vector_load %arg9[%swap3A_169, %swap3A_170] {strides = array<i32>} : memref<16x1024xf32, #tpu.memory_space<vmem>>, vector<1x16xf32>,
      %swap3A_172 = vector.shape_cast %swap3A_171 : vector<1x16xf32> to vector<16xf32>
      %swap3A_173 = vector.shape_cast %add3A_165 : vector<16xf32> to vector<1x16xf32>
      tpu.vector_store %arg9[%swap3A_169, %swap3A_170], %swap3A_173 {strides = array<i32>} : memref<16x1024xf32, #tpu.memory_space<vmem>>, vector<1x16xf32>,
      %mul3A_174 = arith.constant 16 : i32
      %mul3A_175 = arith.muli %scan3A_106, %mul3A_174 : i32
      %get3A_176 = arith.constant 6 : i32
      %get3A_177 = arith.index_cast %get3A_176 : i32 to index
      %get3A_178 = arith.index_cast %mul3A_175 : i32 to index
      %get3A_179 = tpu.vector_load %arg7[%get3A_177, %get3A_178] {strides = array<i32>} : memref<32x1024xf32, #tpu.memory_space<vmem>>, vector<1x16xf32>,
      %get3A_180 = vector.shape_cast %get3A_179 : vector<1x16xf32> to vector<16xf32>
      %mul3A_181 = arith.constant 16 : i32
      %mul3A_182 = arith.muli %scan3A_106, %mul3A_181 : i32
      %get3A_183 = arith.constant 7 : i32
      %get3A_184 = arith.index_cast %get3A_183 : i32 to index
      %get3A_185 = arith.index_cast %mul3A_182 : i32 to index
      %get3A_186 = tpu.vector_load %arg7[%get3A_184, %get3A_185] {strides = array<i32>} : memref<32x1024xf32, #tpu.memory_space<vmem>>, vector<1x16xf32>,
      %get3A_187 = vector.shape_cast %get3A_186 : vector<1x16xf32> to vector<16xf32>
      %add3A_188 = arith.addf %get3A_180, %get3A_187 : vector<16xf32>
      %mul3A_189 = arith.constant 16 : i32
      %mul3A_190 = arith.muli %scan3A_106, %mul3A_189 : i32
      %swap3A_191 = arith.constant 3 : i32
      %swap3A_192 = arith.index_cast %swap3A_191 : i32 to index
      %swap3A_193 = arith.index_cast %mul3A_190 : i32 to index
      %swap3A_194 = tpu.vector_load %arg9[%swap3A_192, %swap3A_193] {strides = array<i32>} : memref<16x1024xf32, #tpu.memory_space<vmem>>, vector<1x16xf32>,
      %swap3A_195 = vector.shape_cast %swap3A_194 : vector<1x16xf32> to vector<16xf32>
      %swap3A_196 = vector.shape_cast %add3A_188 : vector<16xf32> to vector<1x16xf32>
      tpu.vector_store %arg9[%swap3A_192, %swap3A_193], %swap3A_196 {strides = array<i32>} : memref<16x1024xf32, #tpu.memory_space<vmem>>, vector<1x16xf32>,
      %mul3A_197 = arith.constant 16 : i32
      %mul3A_198 = arith.muli %scan3A_106, %mul3A_197 : i32
      %get3A_199 = arith.constant 8 : i32
      %get3A_200 = arith.index_cast %get3A_199 : i32 to index
      %get3A_201 = arith.index_cast %mul3A_198 : i32 to index
      %get3A_202 = tpu.vector_load %arg7[%get3A_200, %get3A_201] {strides = array<i32>} : memref<32x1024xf32, #tpu.memory_space<vmem>>, vector<1x16xf32>,
      %get3A_203 = vector.shape_cast %get3A_202 : vector<1x16xf32> to vector<16xf32>
      %mul3A_204 = arith.constant 16 : i32
      %mul3A_205 = arith.muli %scan3A_106, %mul3A_204 : i32
      %get3A_206 = arith.constant 9 : i32
      %get3A_207 = arith.index_cast %get3A_206 : i32 to index
      %get3A_208 = arith.index_cast %mul3A_205 : i32 to index
      %get3A_209 = tpu.vector_load %arg7[%get3A_207, %get3A_208] {strides = array<i32>} : memref<32x1024xf32, #tpu.memory_space<vmem>>, vector<1x16xf32>,
      %get3A_210 = vector.shape_cast %get3A_209 : vector<1x16xf32> to vector<16xf32>
      %add3A_211 = arith.addf %get3A_203, %get3A_210 : vector<16xf32>
      %mul3A_212 = arith.constant 16 : i32
      %mul3A_213 = arith.muli %scan3A_106, %mul3A_212 : i32
      %swap3A_214 = arith.constant 4 : i32
      %swap3A_215 = arith.index_cast %swap3A_214 : i32 to index
      %swap3A_216 = arith.index_cast %mul3A_213 : i32 to index
      %swap3A_217 = tpu.vector_load %arg9[%swap3A_215, %swap3A_216] {strides = array<i32>} : memref<16x1024xf32, #tpu.memory_space<vmem>>, vector<1x16xf32>,
      %swap3A_218 = vector.shape_cast %swap3A_217 : vector<1x16xf32> to vector<16xf32>
      %swap3A_219 = vector.shape_cast %add3A_211 : vector<16xf32> to vector<1x16xf32>
      tpu.vector_store %arg9[%swap3A_215, %swap3A_216], %swap3A_219 {strides = array<i32>} : memref<16x1024xf32, #tpu.memory_space<vmem>>, vector<1x16xf32>,
      %mul3A_220 = arith.constant 16 : i32
      %mul3A_221 = arith.muli %scan3A_106, %mul3A_220 : i32
      %get3A_222 = arith.constant 10 : i32
      %get3A_223 = arith.index_cast %get3A_222 : i32 to index
      %get3A_224 = arith.index_cast %mul3A_221 : i32 to index
      %get3A_225 = tpu.vector_load %arg7[%get3A_223, %get3A_224] {strides = array<i32>} : memref<32x1024xf32, #tpu.memory_space<vmem>>, vector<1x16xf32>,
      %get3A_226 = vector.shape_cast %get3A_225 : vector<1x16xf32> to vector<16xf32>
      %mul3A_227 = arith.constant 16 : i32
      %mul3A_228 = arith.muli %scan3A_106, %mul3A_227 : i32
      %get3A_229 = arith.constant 11 : i32
      %get3A_230 = arith.index_cast %get3A_229 : i32 to index
      %get3A_231 = arith.index_cast %mul3A_228 : i32 to index
      %get3A_232 = tpu.vector_load %arg7[%get3A_230, %get3A_231] {strides = array<i32>} : memref<32x1024xf32, #tpu.memory_space<vmem>>, vector<1x16xf32>,
      %get3A_233 = vector.shape_cast %get3A_232 : vector<1x16xf32> to vector<16xf32>
      %add3A_234 = arith.addf %get3A_226, %get3A_233 : vector<16xf32>
      %mul3A_235 = arith.constant 16 : i32
      %mul3A_236 = arith.muli %scan3A_106, %mul3A_235 : i32
      %swap3A_237 = arith.constant 5 : i32
      %swap3A_238 = arith.index_cast %swap3A_237 : i32 to index
      %swap3A_239 = arith.index_cast %mul3A_236 : i32 to index
      %swap3A_240 = tpu.vector_load %arg9[%swap3A_238, %swap3A_239] {strides = array<i32>} : memref<16x1024xf32, #tpu.memory_space<vmem>>, vector<1x16xf32>,
      %swap3A_241 = vector.shape_cast %swap3A_240 : vector<1x16xf32> to vector<16xf32>
      %swap3A_242 = vector.shape_cast %add3A_234 : vector<16xf32> to vector<1x16xf32>
      tpu.vector_store %arg9[%swap3A_238, %swap3A_239], %swap3A_242 {strides = array<i32>} : memref<16x1024xf32, #tpu.memory_space<vmem>>, vector<1x16xf32>,
      %mul3A_243 = arith.constant 16 : i32
      %mul3A_244 = arith.muli %scan3A_106, %mul3A_243 : i32
      %get3A_245 = arith.constant 12 : i32
      %get3A_246 = arith.index_cast %get3A_245 : i32 to index
      %get3A_247 = arith.index_cast %mul3A_244 : i32 to index
      %get3A_248 = tpu.vector_load %arg7[%get3A_246, %get3A_247] {strides = array<i32>} : memref<32x1024xf32, #tpu.memory_space<vmem>>, vector<1x16xf32>,
      %get3A_249 = vector.shape_cast %get3A_248 : vector<1x16xf32> to vector<16xf32>
      %mul3A_250 = arith.constant 16 : i32
      %mul3A_251 = arith.muli %scan3A_106, %mul3A_250 : i32
      %get3A_252 = arith.constant 13 : i32
      %get3A_253 = arith.index_cast %get3A_252 : i32 to index
      %get3A_254 = arith.index_cast %mul3A_251 : i32 to index
      %get3A_255 = tpu.vector_load %arg7[%get3A_253, %get3A_254] {strides = array<i32>} : memref<32x1024xf32, #tpu.memory_space<vmem>>, vector<1x16xf32>,
      %get3A_256 = vector.shape_cast %get3A_255 : vector<1x16xf32> to vector<16xf32>
      %add3A_257 = arith.addf %get3A_249, %get3A_256 : vector<16xf32>
      %mul3A_258 = arith.constant 16 : i32
      %mul3A_259 = arith.muli %scan3A_106, %mul3A_258 : i32
      %swap3A_260 = arith.constant 6 : i32
      %swap3A_261 = arith.index_cast %swap3A_260 : i32 to index
      %swap3A_262 = arith.index_cast %mul3A_259 : i32 to index
      %swap3A_263 = tpu.vector_load %arg9[%swap3A_261, %swap3A_262] {strides = array<i32>} : memref<16x1024xf32, #tpu.memory_space<vmem>>, vector<1x16xf32>,
      %swap3A_264 = vector.shape_cast %swap3A_263 : vector<1x16xf32> to vector<16xf32>
      %swap3A_265 = vector.shape_cast %add3A_257 : vector<16xf32> to vector<1x16xf32>
      tpu.vector_store %arg9[%swap3A_261, %swap3A_262], %swap3A_265 {strides = array<i32>} : memref<16x1024xf32, #tpu.memory_space<vmem>>, vector<1x16xf32>,
      %mul3A_266 = arith.constant 16 : i32
      %mul3A_267 = arith.muli %scan3A_106, %mul3A_266 : i32
      %get3A_268 = arith.constant 14 : i32
      %get3A_269 = arith.index_cast %get3A_268 : i32 to index
      %get3A_270 = arith.index_cast %mul3A_267 : i32 to index
      %get3A_271 = tpu.vector_load %arg7[%get3A_269, %get3A_270] {strides = array<i32>} : memref<32x1024xf32, #tpu.memory_space<vmem>>, vector<1x16xf32>,
      %get3A_272 = vector.shape_cast %get3A_271 : vector<1x16xf32> to vector<16xf32>
      %mul3A_273 = arith.constant 16 : i32
      %mul3A_274 = arith.muli %scan3A_106, %mul3A_273 : i32
      %get3A_275 = arith.constant 15 : i32
      %get3A_276 = arith.index_cast %get3A_275 : i32 to index
      %get3A_277 = arith.index_cast %mul3A_274 : i32 to index
      %get3A_278 = tpu.vector_load %arg7[%get3A_276, %get3A_277] {strides = array<i32>} : memref<32x1024xf32, #tpu.memory_space<vmem>>, vector<1x16xf32>,
      %get3A_279 = vector.shape_cast %get3A_278 : vector<1x16xf32> to vector<16xf32>
      %add3A_280 = arith.addf %get3A_272, %get3A_279 : vector<16xf32>
      %mul3A_281 = arith.constant 16 : i32
      %mul3A_282 = arith.muli %scan3A_106, %mul3A_281 : i32
      %swap3A_283 = arith.constant 7 : i32
      %swap3A_284 = arith.index_cast %swap3A_283 : i32 to index
      %swap3A_285 = arith.index_cast %mul3A_282 : i32 to index
      %swap3A_286 = tpu.vector_load %arg9[%swap3A_284, %swap3A_285] {strides = array<i32>} : memref<16x1024xf32, #tpu.memory_space<vmem>>, vector<1x16xf32>,
      %swap3A_287 = vector.shape_cast %swap3A_286 : vector<1x16xf32> to vector<16xf32>
      %swap3A_288 = vector.shape_cast %add3A_280 : vector<16xf32> to vector<1x16xf32>
      tpu.vector_store %arg9[%swap3A_284, %swap3A_285], %swap3A_288 {strides = array<i32>} : memref<16x1024xf32, #tpu.memory_space<vmem>>, vector<1x16xf32>,
      %mul3A_289 = arith.constant 16 : i32
      %mul3A_290 = arith.muli %scan3A_106, %mul3A_289 : i32
      %get3A_291 = arith.constant 16 : i32
      %get3A_292 = arith.index_cast %get3A_291 : i32 to index
      %get3A_293 = arith.index_cast %mul3A_290 : i32 to index
      %get3A_294 = tpu.vector_load %arg7[%get3A_292, %get3A_293] {strides = array<i32>} : memref<32x1024xf32, #tpu.memory_space<vmem>>, vector<1x16xf32>,
      %get3A_295 = vector.shape_cast %get3A_294 : vector<1x16xf32> to vector<16xf32>
      %mul3A_296 = arith.constant 16 : i32
      %mul3A_297 = arith.muli %scan3A_106, %mul3A_296 : i32
      %get3A_298 = arith.constant 17 : i32
      %get3A_299 = arith.index_cast %get3A_298 : i32 to index
      %get3A_300 = arith.index_cast %mul3A_297 : i32 to index
      %get3A_301 = tpu.vector_load %arg7[%get3A_299, %get3A_300] {strides = array<i32>} : memref<32x1024xf32, #tpu.memory_space<vmem>>, vector<1x16xf32>,
      %get3A_302 = vector.shape_cast %get3A_301 : vector<1x16xf32> to vector<16xf32>
      %add3A_303 = arith.addf %get3A_295, %get3A_302 : vector<16xf32>
      %mul3A_304 = arith.constant 16 : i32
      %mul3A_305 = arith.muli %scan3A_106, %mul3A_304 : i32
      %swap3A_306 = arith.constant 8 : i32
      %swap3A_307 = arith.index_cast %swap3A_306 : i32 to index
      %swap3A_308 = arith.index_cast %mul3A_305 : i32 to index
      %swap3A_309 = tpu.vector_load %arg9[%swap3A_307, %swap3A_308] {strides = array<i32>} : memref<16x1024xf32, #tpu.memory_space<vmem>>, vector<1x16xf32>,
      %swap3A_310 = vector.shape_cast %swap3A_309 : vector<1x16xf32> to vector<16xf32>
      %swap3A_311 = vector.shape_cast %add3A_303 : vector<16xf32> to vector<1x16xf32>
      tpu.vector_store %arg9[%swap3A_307, %swap3A_308], %swap3A_311 {strides = array<i32>} : memref<16x1024xf32, #tpu.memory_space<vmem>>, vector<1x16xf32>,
      %mul3A_312 = arith.constant 16 : i32
      %mul3A_313 = arith.muli %scan3A_106, %mul3A_312 : i32
      %get3A_314 = arith.constant 18 : i32
      %get3A_315 = arith.index_cast %get3A_314 : i32 to index
      %get3A_316 = arith.index_cast %mul3A_313 : i32 to index
      %get3A_317 = tpu.vector_load %arg7[%get3A_315, %get3A_316] {strides = array<i32>} : memref<32x1024xf32, #tpu.memory_space<vmem>>, vector<1x16xf32>,
      %get3A_318 = vector.shape_cast %get3A_317 : vector<1x16xf32> to vector<16xf32>
      %mul3A_319 = arith.constant 16 : i32
      %mul3A_320 = arith.muli %scan3A_106, %mul3A_319 : i32
      %get3A_321 = arith.constant 19 : i32
      %get3A_322 = arith.index_cast %get3A_321 : i32 to index
      %get3A_323 = arith.index_cast %mul3A_320 : i32 to index
      %get3A_324 = tpu.vector_load %arg7[%get3A_322, %get3A_323] {strides = array<i32>} : memref<32x1024xf32, #tpu.memory_space<vmem>>, vector<1x16xf32>,
      %get3A_325 = vector.shape_cast %get3A_324 : vector<1x16xf32> to vector<16xf32>
      %add3A_326 = arith.addf %get3A_318, %get3A_325 : vector<16xf32>
      %mul3A_327 = arith.constant 16 : i32
      %mul3A_328 = arith.muli %scan3A_106, %mul3A_327 : i32
      %swap3A_329 = arith.constant 9 : i32
      %swap3A_330 = arith.index_cast %swap3A_329 : i32 to index
      %swap3A_331 = arith.index_cast %mul3A_328 : i32 to index
      %swap3A_332 = tpu.vector_load %arg9[%swap3A_330, %swap3A_331] {strides = array<i32>} : memref<16x1024xf32, #tpu.memory_space<vmem>>, vector<1x16xf32>,
      %swap3A_333 = vector.shape_cast %swap3A_332 : vector<1x16xf32> to vector<16xf32>
      %swap3A_334 = vector.shape_cast %add3A_326 : vector<16xf32> to vector<1x16xf32>
      tpu.vector_store %arg9[%swap3A_330, %swap3A_331], %swap3A_334 {strides = array<i32>} : memref<16x1024xf32, #tpu.memory_space<vmem>>, vector<1x16xf32>,
      %mul3A_335 = arith.constant 16 : i32
      %mul3A_336 = arith.muli %scan3A_106, %mul3A_335 : i32
      %get3A_337 = arith.constant 20 : i32
      %get3A_338 = arith.index_cast %get3A_337 : i32 to index
      %get3A_339 = arith.index_cast %mul3A_336 : i32 to index
      %get3A_340 = tpu.vector_load %arg7[%get3A_338, %get3A_339] {strides = array<i32>} : memref<32x1024xf32, #tpu.memory_space<vmem>>, vector<1x16xf32>,
      %get3A_341 = vector.shape_cast %get3A_340 : vector<1x16xf32> to vector<16xf32>
      %mul3A_342 = arith.constant 16 : i32
      %mul3A_343 = arith.muli %scan3A_106, %mul3A_342 : i32
      %get3A_344 = arith.constant 21 : i32
      %get3A_345 = arith.index_cast %get3A_344 : i32 to index
      %get3A_346 = arith.index_cast %mul3A_343 : i32 to index
      %get3A_347 = tpu.vector_load %arg7[%get3A_345, %get3A_346] {strides = array<i32>} : memref<32x1024xf32, #tpu.memory_space<vmem>>, vector<1x16xf32>,
      %get3A_348 = vector.shape_cast %get3A_347 : vector<1x16xf32> to vector<16xf32>
      %add3A_349 = arith.addf %get3A_341, %get3A_348 : vector<16xf32>
      %mul3A_350 = arith.constant 16 : i32
      %mul3A_351 = arith.muli %scan3A_106, %mul3A_350 : i32
      %swap3A_352 = arith.constant 10 : i32
      %swap3A_353 = arith.index_cast %swap3A_352 : i32 to index
      %swap3A_354 = arith.index_cast %mul3A_351 : i32 to index
      %swap3A_355 = tpu.vector_load %arg9[%swap3A_353, %swap3A_354] {strides = array<i32>} : memref<16x1024xf32, #tpu.memory_space<vmem>>, vector<1x16xf32>,
      %swap3A_356 = vector.shape_cast %swap3A_355 : vector<1x16xf32> to vector<16xf32>
      %swap3A_357 = vector.shape_cast %add3A_349 : vector<16xf32> to vector<1x16xf32>
      tpu.vector_store %arg9[%swap3A_353, %swap3A_354], %swap3A_357 {strides = array<i32>} : memref<16x1024xf32, #tpu.memory_space<vmem>>, vector<1x16xf32>,
      %mul3A_358 = arith.constant 16 : i32
      %mul3A_359 = arith.muli %scan3A_106, %mul3A_358 : i32
      %get3A_360 = arith.constant 22 : i32
      %get3A_361 = arith.index_cast %get3A_360 : i32 to index
      %get3A_362 = arith.index_cast %mul3A_359 : i32 to index
      %get3A_363 = tpu.vector_load %arg7[%get3A_361, %get3A_362] {strides = array<i32>} : memref<32x1024xf32, #tpu.memory_space<vmem>>, vector<1x16xf32>,
      %get3A_364 = vector.shape_cast %get3A_363 : vector<1x16xf32> to vector<16xf32>
      %mul3A_365 = arith.constant 16 : i32
      %mul3A_366 = arith.muli %scan3A_106, %mul3A_365 : i32
      %get3A_367 = arith.constant 23 : i32
      %get3A_368 = arith.index_cast %get3A_367 : i32 to index
      %get3A_369 = arith.index_cast %mul3A_366 : i32 to index
      %get3A_370 = tpu.vector_load %arg7[%get3A_368, %get3A_369] {strides = array<i32>} : memref<32x1024xf32, #tpu.memory_space<vmem>>, vector<1x16xf32>,
      %get3A_371 = vector.shape_cast %get3A_370 : vector<1x16xf32> to vector<16xf32>
      %add3A_372 = arith.addf %get3A_364, %get3A_371 : vector<16xf32>
      %mul3A_373 = arith.constant 16 : i32
      %mul3A_374 = arith.muli %scan3A_106, %mul3A_373 : i32
      %swap3A_375 = arith.constant 11 : i32
      %swap3A_376 = arith.index_cast %swap3A_375 : i32 to index
      %swap3A_377 = arith.index_cast %mul3A_374 : i32 to index
      %swap3A_378 = tpu.vector_load %arg9[%swap3A_376, %swap3A_377] {strides = array<i32>} : memref<16x1024xf32, #tpu.memory_space<vmem>>, vector<1x16xf32>,
      %swap3A_379 = vector.shape_cast %swap3A_378 : vector<1x16xf32> to vector<16xf32>
      %swap3A_380 = vector.shape_cast %add3A_372 : vector<16xf32> to vector<1x16xf32>
      tpu.vector_store %arg9[%swap3A_376, %swap3A_377], %swap3A_380 {strides = array<i32>} : memref<16x1024xf32, #tpu.memory_space<vmem>>, vector<1x16xf32>,
      %mul3A_381 = arith.constant 16 : i32
      %mul3A_382 = arith.muli %scan3A_106, %mul3A_381 : i32
      %get3A_383 = arith.constant 24 : i32
      %get3A_384 = arith.index_cast %get3A_383 : i32 to index
      %get3A_385 = arith.index_cast %mul3A_382 : i32 to index
      %get3A_386 = tpu.vector_load %arg7[%get3A_384, %get3A_385] {strides = array<i32>} : memref<32x1024xf32, #tpu.memory_space<vmem>>, vector<1x16xf32>,
      %get3A_387 = vector.shape_cast %get3A_386 : vector<1x16xf32> to vector<16xf32>
      %mul3A_388 = arith.constant 16 : i32
      %mul3A_389 = arith.muli %scan3A_106, %mul3A_388 : i32
      %get3A_390 = arith.constant 25 : i32
      %get3A_391 = arith.index_cast %get3A_390 : i32 to index
      %get3A_392 = arith.index_cast %mul3A_389 : i32 to index
      %get3A_393 = tpu.vector_load %arg7[%get3A_391, %get3A_392] {strides = array<i32>} : memref<32x1024xf32, #tpu.memory_space<vmem>>, vector<1x16xf32>,
      %get3A_394 = vector.shape_cast %get3A_393 : vector<1x16xf32> to vector<16xf32>
      %add3A_395 = arith.addf %get3A_387, %get3A_394 : vector<16xf32>
      %mul3A_396 = arith.constant 16 : i32
      %mul3A_397 = arith.muli %scan3A_106, %mul3A_396 : i32
      %swap3A_398 = arith.constant 12 : i32
      %swap3A_399 = arith.index_cast %swap3A_398 : i32 to index
      %swap3A_400 = arith.index_cast %mul3A_397 : i32 to index
      %swap3A_401 = tpu.vector_load %arg9[%swap3A_399, %swap3A_400] {strides = array<i32>} : memref<16x1024xf32, #tpu.memory_space<vmem>>, vector<1x16xf32>,
      %swap3A_402 = vector.shape_cast %swap3A_401 : vector<1x16xf32> to vector<16xf32>
      %swap3A_403 = vector.shape_cast %add3A_395 : vector<16xf32> to vector<1x16xf32>
      tpu.vector_store %arg9[%swap3A_399, %swap3A_400], %swap3A_403 {strides = array<i32>} : memref<16x1024xf32, #tpu.memory_space<vmem>>, vector<1x16xf32>,
      %mul3A_404 = arith.constant 16 : i32
      %mul3A_405 = arith.muli %scan3A_106, %mul3A_404 : i32
      %get3A_406 = arith.constant 26 : i32
      %get3A_407 = arith.index_cast %get3A_406 : i32 to index
      %get3A_408 = arith.index_cast %mul3A_405 : i32 to index
      %get3A_409 = tpu.vector_load %arg7[%get3A_407, %get3A_408] {strides = array<i32>} : memref<32x1024xf32, #tpu.memory_space<vmem>>, vector<1x16xf32>,
      %get3A_410 = vector.shape_cast %get3A_409 : vector<1x16xf32> to vector<16xf32>
      %mul3A_411 = arith.constant 16 : i32
      %mul3A_412 = arith.muli %scan3A_106, %mul3A_411 : i32
      %get3A_413 = arith.constant 27 : i32
      %get3A_414 = arith.index_cast %get3A_413 : i32 to index
      %get3A_415 = arith.index_cast %mul3A_412 : i32 to index
      %get3A_416 = tpu.vector_load %arg7[%get3A_414, %get3A_415] {strides = array<i32>} : memref<32x1024xf32, #tpu.memory_space<vmem>>, vector<1x16xf32>,
      %get3A_417 = vector.shape_cast %get3A_416 : vector<1x16xf32> to vector<16xf32>
      %add3A_418 = arith.addf %get3A_410, %get3A_417 : vector<16xf32>
      %mul3A_419 = arith.constant 16 : i32
      %mul3A_420 = arith.muli %scan3A_106, %mul3A_419 : i32
      %swap3A_421 = arith.constant 13 : i32
      %swap3A_422 = arith.index_cast %swap3A_421 : i32 to index
      %swap3A_423 = arith.index_cast %mul3A_420 : i32 to index
      %swap3A_424 = tpu.vector_load %arg9[%swap3A_422, %swap3A_423] {strides = array<i32>} : memref<16x1024xf32, #tpu.memory_space<vmem>>, vector<1x16xf32>,
      %swap3A_425 = vector.shape_cast %swap3A_424 : vector<1x16xf32> to vector<16xf32>
      %swap3A_426 = vector.shape_cast %add3A_418 : vector<16xf32> to vector<1x16xf32>
      tpu.vector_store %arg9[%swap3A_422, %swap3A_423], %swap3A_426 {strides = array<i32>} : memref<16x1024xf32, #tpu.memory_space<vmem>>, vector<1x16xf32>,
      %mul3A_427 = arith.constant 16 : i32
      %mul3A_428 = arith.muli %scan3A_106, %mul3A_427 : i32
      %get3A_429 = arith.constant 28 : i32
      %get3A_430 = arith.index_cast %get3A_429 : i32 to index
      %get3A_431 = arith.index_cast %mul3A_428 : i32 to index
      %get3A_432 = tpu.vector_load %arg7[%get3A_430, %get3A_431] {strides = array<i32>} : memref<32x1024xf32, #tpu.memory_space<vmem>>, vector<1x16xf32>,
      %get3A_433 = vector.shape_cast %get3A_432 : vector<1x16xf32> to vector<16xf32>
      %mul3A_434 = arith.constant 16 : i32
      %mul3A_435 = arith.muli %scan3A_106, %mul3A_434 : i32
      %get3A_436 = arith.constant 29 : i32
      %get3A_437 = arith.index_cast %get3A_436 : i32 to index
      %get3A_438 = arith.index_cast %mul3A_435 : i32 to index
      %get3A_439 = tpu.vector_load %arg7[%get3A_437, %get3A_438] {strides = array<i32>} : memref<32x1024xf32, #tpu.memory_space<vmem>>, vector<1x16xf32>,
      %get3A_440 = vector.shape_cast %get3A_439 : vector<1x16xf32> to vector<16xf32>
      %add3A_441 = arith.addf %get3A_433, %get3A_440 : vector<16xf32>
      %mul3A_442 = arith.constant 16 : i32
      %mul3A_443 = arith.muli %scan3A_106, %mul3A_442 : i32
      %swap3A_444 = arith.constant 14 : i32
      %swap3A_445 = arith.index_cast %swap3A_444 : i32 to index
      %swap3A_446 = arith.index_cast %mul3A_443 : i32 to index
      %swap3A_447 = tpu.vector_load %arg9[%swap3A_445, %swap3A_446] {strides = array<i32>} : memref<16x1024xf32, #tpu.memory_space<vmem>>, vector<1x16xf32>,
      %swap3A_448 = vector.shape_cast %swap3A_447 : vector<1x16xf32> to vector<16xf32>
      %swap3A_449 = vector.shape_cast %add3A_441 : vector<16xf32> to vector<1x16xf32>
      tpu.vector_store %arg9[%swap3A_445, %swap3A_446], %swap3A_449 {strides = array<i32>} : memref<16x1024xf32, #tpu.memory_space<vmem>>, vector<1x16xf32>,
      %mul3A_450 = arith.constant 16 : i32
      %mul3A_451 = arith.muli %scan3A_106, %mul3A_450 : i32
      %get3A_452 = arith.constant 30 : i32
      %get3A_453 = arith.index_cast %get3A_452 : i32 to index
      %get3A_454 = arith.index_cast %mul3A_451 : i32 to index
      %get3A_455 = tpu.vector_load %arg7[%get3A_453, %get3A_454] {strides = array<i32>} : memref<32x1024xf32, #tpu.memory_space<vmem>>, vector<1x16xf32>,
      %get3A_456 = vector.shape_cast %get3A_455 : vector<1x16xf32> to vector<16xf32>
      %mul3A_457 = arith.constant 16 : i32
      %mul3A_458 = arith.muli %scan3A_106, %mul3A_457 : i32
      %get3A_459 = arith.constant 31 : i32
      %get3A_460 = arith.index_cast %get3A_459 : i32 to index
      %get3A_461 = arith.index_cast %mul3A_458 : i32 to index
      %get3A_462 = tpu.vector_load %arg7[%get3A_460, %get3A_461] {strides = array<i32>} : memref<32x1024xf32, #tpu.memory_space<vmem>>, vector<1x16xf32>,
      %get3A_463 = vector.shape_cast %get3A_462 : vector<1x16xf32> to vector<16xf32>
      %add3A_464 = arith.addf %get3A_456, %get3A_463 : vector<16xf32>
      %mul3A_465 = arith.constant 16 : i32
      %mul3A_466 = arith.muli %scan3A_106, %mul3A_465 : i32
      %swap3A_467 = arith.constant 15 : i32
      %swap3A_468 = arith.index_cast %swap3A_467 : i32 to index
      %swap3A_469 = arith.index_cast %mul3A_466 : i32 to index
      %swap3A_470 = tpu.vector_load %arg9[%swap3A_468, %swap3A_469] {strides = array<i32>} : memref<16x1024xf32, #tpu.memory_space<vmem>>, vector<1x16xf32>,
      %swap3A_471 = vector.shape_cast %swap3A_470 : vector<1x16xf32> to vector<16xf32>
      %swap3A_472 = vector.shape_cast %add3A_464 : vector<16xf32> to vector<1x16xf32>
      tpu.vector_store %arg9[%swap3A_468, %swap3A_469], %swap3A_472 {strides = array<i32>} : memref<16x1024xf32, #tpu.memory_space<vmem>>, vector<1x16xf32>,
    }
    %scan3A_44 = arith.constant 64 : i32
    %add3A_45 = arith.constant 16 : i32
    %add3A_46 = arith.addi %mul3A_2, %add3A_45 : i32
    %dma_start3A_47 = arith.constant 0 : i32
    %dma_start3A_48 = tpu.memref_slice %arg4[%add3A_46, %dma_start3A_47] : memref<2048x1024xf32, #tpu.memory_space<hbm>> -> memref<16x1024xf32, #tpu.memory_space<hbm>>
    %dma_start3A_49 = arith.constant 0 : i32
    %dma_start3A_50 = tpu.memref_slice %arg4[%add3A_46, %dma_start3A_49] : memref<2048x1024xf32, #tpu.memory_space<hbm>> -> memref<16x1024xf32, #tpu.memory_space<hbm>>
    tpu.enqueue_dma source(%arg9 : memref<16x1024xf32, #tpu.memory_space<vmem>>) target(%dma_start3A_50 : memref<16x1024xf32, #tpu.memory_space<hbm>>) target_semaphore(%arg13 : memref<!tpu.dma_semaphore, #tpu.memory_space<semaphore_mem>>)
    %dma_wait3A_51 = arith.constant 64 : i32
    %dma_wait3A_52 = tpu.memref_slice %arg5[%dma_wait3A_51] : memref<128xi32, #tpu.memory_space<vmem>> -> memref<32xi32, #tpu.memory_space<vmem>>
    %dma_wait3A_53 = arith.constant 0 : i32
    %dma_wait3A_54 = arith.constant 0 : i32
    %dma_wait3A_55 = tpu.memref_slice %arg2[%dma_wait3A_53, %dma_wait3A_54] : memref<8192x1024xf32, #tpu.memory_space<hbm>> -> memref<8192x1024xf32, #tpu.memory_space<hbm>>
    tpu.wait_indirect_dma semaphore(%arg10 : memref<!tpu.dma_semaphore, #tpu.memory_space<semaphore_mem>>) src(%dma_wait3A_55 : memref<8192x1024xf32, #tpu.memory_space<hbm>>) dst(%arg6 : memref<32x1024xf32, #tpu.memory_space<vmem>>)
    %dma_start3A_56 = arith.constant 96 : i32
    %dma_start3A_57 = tpu.memref_slice %arg5[%dma_start3A_56] : memref<128xi32, #tpu.memory_space<vmem>> -> memref<32xi32, #tpu.memory_space<vmem>>
    %dma_start3A_58 = arith.constant 0 : i32
    %dma_start3A_59 = arith.constant 0 : i32
    %dma_start3A_60 = tpu.memref_slice %arg2[%dma_start3A_58, %dma_start3A_59] : memref<8192x1024xf32, #tpu.memory_space<hbm>> -> memref<8192x1024xf32, #tpu.memory_space<hbm>>
    tpu.enqueue_indirect_dma source(%dma_start3A_60 : memref<8192x1024xf32, #tpu.memory_space<hbm>>) target(%arg7 : memref<32x1024xf32, #tpu.memory_space<vmem>>) offsets(%dma_start3A_57 : memref<32xi32, #tpu.memory_space<vmem>>) semaphore(%arg11 : memref<!tpu.dma_semaphore, #tpu.memory_space<semaphore_mem>>)
    %dma_wait3A_61 = arith.constant 0 : i32
    %dma_wait3A_62 = tpu.memref_slice %arg4[%add3A_24, %dma_wait3A_61] : memref<2048x1024xf32, #tpu.memory_space<hbm>> -> memref<16x1024xf32, #tpu.memory_space<hbm>>
    %dma_wait3A_63 = arith.constant 0 : i32
    %dma_wait3A_64 = tpu.memref_slice %arg4[%add3A_24, %dma_wait3A_63] : memref<2048x1024xf32, #tpu.memory_space<hbm>> -> memref<16x1024xf32, #tpu.memory_space<hbm>>
    tpu.wait_dma2 semaphore(%arg12 : memref<!tpu.dma_semaphore, #tpu.memory_space<semaphore_mem>>) src(%arg8 : memref<16x1024xf32, #tpu.memory_space<vmem>>) dst(%dma_wait3A_64 : memref<16x1024xf32, #tpu.memory_space<hbm>>)
    %scan3A_65 = arith.constant 0 : i32
    %scan3A_66 = arith.constant 0 : i32
    %scan3A_67 = arith.constant 64 : i32
    %scan3A_68 = arith.addi %scan3A_66, %scan3A_67 : i32
    %scan3A_69 = arith.constant 1 : i32
    scf.for %scan3A_106 = %scan3A_66 to %scan3A_68 step %scan3A_69  : i32 {
      %mul3A_107 = arith.constant 16 : i32
      %mul3A_108 = arith.muli %scan3A_106, %mul3A_107 : i32
      %get3A = arith.constant 0 : i32
      %get3A_109 = arith.index_cast %get3A : i32 to index
      %get3A_110 = arith.index_cast %mul3A_108 : i32 to index
      %get3A_111 = tpu.vector_load %arg6[%get3A_109, %get3A_110] {strides = array<i32>} : memref<32x1024xf32, #tpu.memory_space<vmem>>, vector<1x16xf32>,
      %get3A_112 = vector.shape_cast %get3A_111 : vector<1x16xf32> to vector<16xf32>
      %mul3A_113 = arith.constant 16 : i32
      %mul3A_114 = arith.muli %scan3A_106, %mul3A_113 : i32
      %get3A_115 = arith.constant 1 : i32
      %get3A_116 = arith.index_cast %get3A_115 : i32 to index
      %get3A_117 = arith.index_cast %mul3A_114 : i32 to index
      %get3A_118 = tpu.vector_load %arg6[%get3A_116, %get3A_117] {strides = array<i32>} : memref<32x1024xf32, #tpu.memory_space<vmem>>, vector<1x16xf32>,
      %get3A_119 = vector.shape_cast %get3A_118 : vector<1x16xf32> to vector<16xf32>
      %add3A_120 = arith.addf %get3A_112, %get3A_119 : vector<16xf32>
      %mul3A_121 = arith.constant 16 : i32
      %mul3A_122 = arith.muli %scan3A_106, %mul3A_121 : i32
      %swap3A = arith.constant 0 : i32
      %swap3A_123 = arith.index_cast %swap3A : i32 to index
      %swap3A_124 = arith.index_cast %mul3A_122 : i32 to index
      %swap3A_125 = tpu.vector_load %arg8[%swap3A_123, %swap3A_124] {strides = array<i32>} : memref<16x1024xf32, #tpu.memory_space<vmem>>, vector<1x16xf32>,
      %swap3A_126 = vector.shape_cast %swap3A_125 : vector<1x16xf32> to vector<16xf32>
      %swap3A_127 = vector.shape_cast %add3A_120 : vector<16xf32> to vector<1x16xf32>
      tpu.vector_store %arg8[%swap3A_123, %swap3A_124], %swap3A_127 {strides = array<i32>} : memref<16x1024xf32, #tpu.memory_space<vmem>>, vector<1x16xf32>,
      %mul3A_128 = arith.constant 16 : i32
      %mul3A_129 = arith.muli %scan3A_106, %mul3A_128 : i32
      %get3A_130 = arith.constant 2 : i32
      %get3A_131 = arith.index_cast %get3A_130 : i32 to index
      %get3A_132 = arith.index_cast %mul3A_129 : i32 to index
      %get3A_133 = tpu.vector_load %arg6[%get3A_131, %get3A_132] {strides = array<i32>} : memref<32x1024xf32, #tpu.memory_space<vmem>>, vector<1x16xf32>,
      %get3A_134 = vector.shape_cast %get3A_133 : vector<1x16xf32> to vector<16xf32>
      %mul3A_135 = arith.constant 16 : i32
      %mul3A_136 = arith.muli %scan3A_106, %mul3A_135 : i32
      %get3A_137 = arith.constant 3 : i32
      %get3A_138 = arith.index_cast %get3A_137 : i32 to index
      %get3A_139 = arith.index_cast %mul3A_136 : i32 to index
      %get3A_140 = tpu.vector_load %arg6[%get3A_138, %get3A_139] {strides = array<i32>} : memref<32x1024xf32, #tpu.memory_space<vmem>>, vector<1x16xf32>,
      %get3A_141 = vector.shape_cast %get3A_140 : vector<1x16xf32> to vector<16xf32>
      %add3A_142 = arith.addf %get3A_134, %get3A_141 : vector<16xf32>
      %mul3A_143 = arith.constant 16 : i32
      %mul3A_144 = arith.muli %scan3A_106, %mul3A_143 : i32
      %swap3A_145 = arith.constant 1 : i32
      %swap3A_146 = arith.index_cast %swap3A_145 : i32 to index
      %swap3A_147 = arith.index_cast %mul3A_144 : i32 to index
      %swap3A_148 = tpu.vector_load %arg8[%swap3A_146, %swap3A_147] {strides = array<i32>} : memref<16x1024xf32, #tpu.memory_space<vmem>>, vector<1x16xf32>,
      %swap3A_149 = vector.shape_cast %swap3A_148 : vector<1x16xf32> to vector<16xf32>
      %swap3A_150 = vector.shape_cast %add3A_142 : vector<16xf32> to vector<1x16xf32>
      tpu.vector_store %arg8[%swap3A_146, %swap3A_147], %swap3A_150 {strides = array<i32>} : memref<16x1024xf32, #tpu.memory_space<vmem>>, vector<1x16xf32>,
      %mul3A_151 = arith.constant 16 : i32
      %mul3A_152 = arith.muli %scan3A_106, %mul3A_151 : i32
      %get3A_153 = arith.constant 4 : i32
      %get3A_154 = arith.index_cast %get3A_153 : i32 to index
      %get3A_155 = arith.index_cast %mul3A_152 : i32 to index
      %get3A_156 = tpu.vector_load %arg6[%get3A_154, %get3A_155] {strides = array<i32>} : memref<32x1024xf32, #tpu.memory_space<vmem>>, vector<1x16xf32>,
      %get3A_157 = vector.shape_cast %get3A_156 : vector<1x16xf32> to vector<16xf32>
      %mul3A_158 = arith.constant 16 : i32
      %mul3A_159 = arith.muli %scan3A_106, %mul3A_158 : i32
      %get3A_160 = arith.constant 5 : i32
      %get3A_161 = arith.index_cast %get3A_160 : i32 to index
      %get3A_162 = arith.index_cast %mul3A_159 : i32 to index
      %get3A_163 = tpu.vector_load %arg6[%get3A_161, %get3A_162] {strides = array<i32>} : memref<32x1024xf32, #tpu.memory_space<vmem>>, vector<1x16xf32>,
      %get3A_164 = vector.shape_cast %get3A_163 : vector<1x16xf32> to vector<16xf32>
      %add3A_165 = arith.addf %get3A_157, %get3A_164 : vector<16xf32>
      %mul3A_166 = arith.constant 16 : i32
      %mul3A_167 = arith.muli %scan3A_106, %mul3A_166 : i32
      %swap3A_168 = arith.constant 2 : i32
      %swap3A_169 = arith.index_cast %swap3A_168 : i32 to index
      %swap3A_170 = arith.index_cast %mul3A_167 : i32 to index
      %swap3A_171 = tpu.vector_load %arg8[%swap3A_169, %swap3A_170] {strides = array<i32>} : memref<16x1024xf32, #tpu.memory_space<vmem>>, vector<1x16xf32>,
      %swap3A_172 = vector.shape_cast %swap3A_171 : vector<1x16xf32> to vector<16xf32>
      %swap3A_173 = vector.shape_cast %add3A_165 : vector<16xf32> to vector<1x16xf32>
      tpu.vector_store %arg8[%swap3A_169, %swap3A_170], %swap3A_173 {strides = array<i32>} : memref<16x1024xf32, #tpu.memory_space<vmem>>, vector<1x16xf32>,
      %mul3A_174 = arith.constant 16 : i32
      %mul3A_175 = arith.muli %scan3A_106, %mul3A_174 : i32
      %get3A_176 = arith.constant 6 : i32
      %get3A_177 = arith.index_cast %get3A_176 : i32 to index
      %get3A_178 = arith.index_cast %mul3A_175 : i32 to index
      %get3A_179 = tpu.vector_load %arg6[%get3A_177, %get3A_178] {strides = array<i32>} : memref<32x1024xf32, #tpu.memory_space<vmem>>, vector<1x16xf32>,
      %get3A_180 = vector.shape_cast %get3A_179 : vector<1x16xf32> to vector<16xf32>
      %mul3A_181 = arith.constant 16 : i32
      %mul3A_182 = arith.muli %scan3A_106, %mul3A_181 : i32
      %get3A_183 = arith.constant 7 : i32
      %get3A_184 = arith.index_cast %get3A_183 : i32 to index
      %get3A_185 = arith.index_cast %mul3A_182 : i32 to index
      %get3A_186 = tpu.vector_load %arg6[%get3A_184, %get3A_185] {strides = array<i32>} : memref<32x1024xf32, #tpu.memory_space<vmem>>, vector<1x16xf32>,
      %get3A_187 = vector.shape_cast %get3A_186 : vector<1x16xf32> to vector<16xf32>
      %add3A_188 = arith.addf %get3A_180, %get3A_187 : vector<16xf32>
      %mul3A_189 = arith.constant 16 : i32
      %mul3A_190 = arith.muli %scan3A_106, %mul3A_189 : i32
      %swap3A_191 = arith.constant 3 : i32
      %swap3A_192 = arith.index_cast %swap3A_191 : i32 to index
      %swap3A_193 = arith.index_cast %mul3A_190 : i32 to index
      %swap3A_194 = tpu.vector_load %arg8[%swap3A_192, %swap3A_193] {strides = array<i32>} : memref<16x1024xf32, #tpu.memory_space<vmem>>, vector<1x16xf32>,
      %swap3A_195 = vector.shape_cast %swap3A_194 : vector<1x16xf32> to vector<16xf32>
      %swap3A_196 = vector.shape_cast %add3A_188 : vector<16xf32> to vector<1x16xf32>
      tpu.vector_store %arg8[%swap3A_192, %swap3A_193], %swap3A_196 {strides = array<i32>} : memref<16x1024xf32, #tpu.memory_space<vmem>>, vector<1x16xf32>,
      %mul3A_197 = arith.constant 16 : i32
      %mul3A_198 = arith.muli %scan3A_106, %mul3A_197 : i32
      %get3A_199 = arith.constant 8 : i32
      %get3A_200 = arith.index_cast %get3A_199 : i32 to index
      %get3A_201 = arith.index_cast %mul3A_198 : i32 to index
      %get3A_202 = tpu.vector_load %arg6[%get3A_200, %get3A_201] {strides = array<i32>} : memref<32x1024xf32, #tpu.memory_space<vmem>>, vector<1x16xf32>,
      %get3A_203 = vector.shape_cast %get3A_202 : vector<1x16xf32> to vector<16xf32>
      %mul3A_204 = arith.constant 16 : i32
      %mul3A_205 = arith.muli %scan3A_106, %mul3A_204 : i32
      %get3A_206 = arith.constant 9 : i32
      %get3A_207 = arith.index_cast %get3A_206 : i32 to index
      %get3A_208 = arith.index_cast %mul3A_205 : i32 to index
      %get3A_209 = tpu.vector_load %arg6[%get3A_207, %get3A_208] {strides = array<i32>} : memref<32x1024xf32, #tpu.memory_space<vmem>>, vector<1x16xf32>,
      %get3A_210 = vector.shape_cast %get3A_209 : vector<1x16xf32> to vector<16xf32>
      %add3A_211 = arith.addf %get3A_203, %get3A_210 : vector<16xf32>
      %mul3A_212 = arith.constant 16 : i32
      %mul3A_213 = arith.muli %scan3A_106, %mul3A_212 : i32
      %swap3A_214 = arith.constant 4 : i32
      %swap3A_215 = arith.index_cast %swap3A_214 : i32 to index
      %swap3A_216 = arith.index_cast %mul3A_213 : i32 to index
      %swap3A_217 = tpu.vector_load %arg8[%swap3A_215, %swap3A_216] {strides = array<i32>} : memref<16x1024xf32, #tpu.memory_space<vmem>>, vector<1x16xf32>,
      %swap3A_218 = vector.shape_cast %swap3A_217 : vector<1x16xf32> to vector<16xf32>
      %swap3A_219 = vector.shape_cast %add3A_211 : vector<16xf32> to vector<1x16xf32>
      tpu.vector_store %arg8[%swap3A_215, %swap3A_216], %swap3A_219 {strides = array<i32>} : memref<16x1024xf32, #tpu.memory_space<vmem>>, vector<1x16xf32>,
      %mul3A_220 = arith.constant 16 : i32
      %mul3A_221 = arith.muli %scan3A_106, %mul3A_220 : i32
      %get3A_222 = arith.constant 10 : i32
      %get3A_223 = arith.index_cast %get3A_222 : i32 to index
      %get3A_224 = arith.index_cast %mul3A_221 : i32 to index
      %get3A_225 = tpu.vector_load %arg6[%get3A_223, %get3A_224] {strides = array<i32>} : memref<32x1024xf32, #tpu.memory_space<vmem>>, vector<1x16xf32>,
      %get3A_226 = vector.shape_cast %get3A_225 : vector<1x16xf32> to vector<16xf32>
      %mul3A_227 = arith.constant 16 : i32
      %mul3A_228 = arith.muli %scan3A_106, %mul3A_227 : i32
      %get3A_229 = arith.constant 11 : i32
      %get3A_230 = arith.index_cast %get3A_229 : i32 to index
      %get3A_231 = arith.index_cast %mul3A_228 : i32 to index
      %get3A_232 = tpu.vector_load %arg6[%get3A_230, %get3A_231] {strides = array<i32>} : memref<32x1024xf32, #tpu.memory_space<vmem>>, vector<1x16xf32>,
      %get3A_233 = vector.shape_cast %get3A_232 : vector<1x16xf32> to vector<16xf32>
      %add3A_234 = arith.addf %get3A_226, %get3A_233 : vector<16xf32>
      %mul3A_235 = arith.constant 16 : i32
      %mul3A_236 = arith.muli %scan3A_106, %mul3A_235 : i32
      %swap3A_237 = arith.constant 5 : i32
      %swap3A_238 = arith.index_cast %swap3A_237 : i32 to index
      %swap3A_239 = arith.index_cast %mul3A_236 : i32 to index
      %swap3A_240 = tpu.vector_load %arg8[%swap3A_238, %swap3A_239] {strides = array<i32>} : memref<16x1024xf32, #tpu.memory_space<vmem>>, vector<1x16xf32>,
      %swap3A_241 = vector.shape_cast %swap3A_240 : vector<1x16xf32> to vector<16xf32>
      %swap3A_242 = vector.shape_cast %add3A_234 : vector<16xf32> to vector<1x16xf32>
      tpu.vector_store %arg8[%swap3A_238, %swap3A_239], %swap3A_242 {strides = array<i32>} : memref<16x1024xf32, #tpu.memory_space<vmem>>, vector<1x16xf32>,
      %mul3A_243 = arith.constant 16 : i32
      %mul3A_244 = arith.muli %scan3A_106, %mul3A_243 : i32
      %get3A_245 = arith.constant 12 : i32
      %get3A_246 = arith.index_cast %get3A_245 : i32 to index
      %get3A_247 = arith.index_cast %mul3A_244 : i32 to index
      %get3A_248 = tpu.vector_load %arg6[%get3A_246, %get3A_247] {strides = array<i32>} : memref<32x1024xf32, #tpu.memory_space<vmem>>, vector<1x16xf32>,
      %get3A_249 = vector.shape_cast %get3A_248 : vector<1x16xf32> to vector<16xf32>
      %mul3A_250 = arith.constant 16 : i32
      %mul3A_251 = arith.muli %scan3A_106, %mul3A_250 : i32
      %get3A_252 = arith.constant 13 : i32
      %get3A_253 = arith.index_cast %get3A_252 : i32 to index
      %get3A_254 = arith.index_cast %mul3A_251 : i32 to index
      %get3A_255 = tpu.vector_load %arg6[%get3A_253, %get3A_254] {strides = array<i32>} : memref<32x1024xf32, #tpu.memory_space<vmem>>, vector<1x16xf32>,
      %get3A_256 = vector.shape_cast %get3A_255 : vector<1x16xf32> to vector<16xf32>
      %add3A_257 = arith.addf %get3A_249, %get3A_256 : vector<16xf32>
      %mul3A_258 = arith.constant 16 : i32
      %mul3A_259 = arith.muli %scan3A_106, %mul3A_258 : i32
      %swap3A_260 = arith.constant 6 : i32
      %swap3A_261 = arith.index_cast %swap3A_260 : i32 to index
      %swap3A_262 = arith.index_cast %mul3A_259 : i32 to index
      %swap3A_263 = tpu.vector_load %arg8[%swap3A_261, %swap3A_262] {strides = array<i32>} : memref<16x1024xf32, #tpu.memory_space<vmem>>, vector<1x16xf32>,
      %swap3A_264 = vector.shape_cast %swap3A_263 : vector<1x16xf32> to vector<16xf32>
      %swap3A_265 = vector.shape_cast %add3A_257 : vector<16xf32> to vector<1x16xf32>
      tpu.vector_store %arg8[%swap3A_261, %swap3A_262], %swap3A_265 {strides = array<i32>} : memref<16x1024xf32, #tpu.memory_space<vmem>>, vector<1x16xf32>,
      %mul3A_266 = arith.constant 16 : i32
      %mul3A_267 = arith.muli %scan3A_106, %mul3A_266 : i32
      %get3A_268 = arith.constant 14 : i32
      %get3A_269 = arith.index_cast %get3A_268 : i32 to index
      %get3A_270 = arith.index_cast %mul3A_267 : i32 to index
      %get3A_271 = tpu.vector_load %arg6[%get3A_269, %get3A_270] {strides = array<i32>} : memref<32x1024xf32, #tpu.memory_space<vmem>>, vector<1x16xf32>,
      %get3A_272 = vector.shape_cast %get3A_271 : vector<1x16xf32> to vector<16xf32>
      %mul3A_273 = arith.constant 16 : i32
      %mul3A_274 = arith.muli %scan3A_106, %mul3A_273 : i32
      %get3A_275 = arith.constant 15 : i32
      %get3A_276 = arith.index_cast %get3A_275 : i32 to index
      %get3A_277 = arith.index_cast %mul3A_274 : i32 to index
      %get3A_278 = tpu.vector_load %arg6[%get3A_276, %get3A_277] {strides = array<i32>} : memref<32x1024xf32, #tpu.memory_space<vmem>>, vector<1x16xf32>,
      %get3A_279 = vector.shape_cast %get3A_278 : vector<1x16xf32> to vector<16xf32>
      %add3A_280 = arith.addf %get3A_272, %get3A_279 : vector<16xf32>
      %mul3A_281 = arith.constant 16 : i32
      %mul3A_282 = arith.muli %scan3A_106, %mul3A_281 : i32
      %swap3A_283 = arith.constant 7 : i32
      %swap3A_284 = arith.index_cast %swap3A_283 : i32 to index
      %swap3A_285 = arith.index_cast %mul3A_282 : i32 to index
      %swap3A_286 = tpu.vector_load %arg8[%swap3A_284, %swap3A_285] {strides = array<i32>} : memref<16x1024xf32, #tpu.memory_space<vmem>>, vector<1x16xf32>,
      %swap3A_287 = vector.shape_cast %swap3A_286 : vector<1x16xf32> to vector<16xf32>
      %swap3A_288 = vector.shape_cast %add3A_280 : vector<16xf32> to vector<1x16xf32>
      tpu.vector_store %arg8[%swap3A_284, %swap3A_285], %swap3A_288 {strides = array<i32>} : memref<16x1024xf32, #tpu.memory_space<vmem>>, vector<1x16xf32>,
      %mul3A_289 = arith.constant 16 : i32
      %mul3A_290 = arith.muli %scan3A_106, %mul3A_289 : i32
      %get3A_291 = arith.constant 16 : i32
      %get3A_292 = arith.index_cast %get3A_291 : i32 to index
      %get3A_293 = arith.index_cast %mul3A_290 : i32 to index
      %get3A_294 = tpu.vector_load %arg6[%get3A_292, %get3A_293] {strides = array<i32>} : memref<32x1024xf32, #tpu.memory_space<vmem>>, vector<1x16xf32>,
      %get3A_295 = vector.shape_cast %get3A_294 : vector<1x16xf32> to vector<16xf32>
      %mul3A_296 = arith.constant 16 : i32
      %mul3A_297 = arith.muli %scan3A_106, %mul3A_296 : i32
      %get3A_298 = arith.constant 17 : i32
      %get3A_299 = arith.index_cast %get3A_298 : i32 to index
      %get3A_300 = arith.index_cast %mul3A_297 : i32 to index
      %get3A_301 = tpu.vector_load %arg6[%get3A_299, %get3A_300] {strides = array<i32>} : memref<32x1024xf32, #tpu.memory_space<vmem>>, vector<1x16xf32>,
      %get3A_302 = vector.shape_cast %get3A_301 : vector<1x16xf32> to vector<16xf32>
      %add3A_303 = arith.addf %get3A_295, %get3A_302 : vector<16xf32>
      %mul3A_304 = arith.constant 16 : i32
      %mul3A_305 = arith.muli %scan3A_106, %mul3A_304 : i32
      %swap3A_306 = arith.constant 8 : i32
      %swap3A_307 = arith.index_cast %swap3A_306 : i32 to index
      %swap3A_308 = arith.index_cast %mul3A_305 : i32 to index
      %swap3A_309 = tpu.vector_load %arg8[%swap3A_307, %swap3A_308] {strides = array<i32>} : memref<16x1024xf32, #tpu.memory_space<vmem>>, vector<1x16xf32>,
      %swap3A_310 = vector.shape_cast %swap3A_309 : vector<1x16xf32> to vector<16xf32>
      %swap3A_311 = vector.shape_cast %add3A_303 : vector<16xf32> to vector<1x16xf32>
      tpu.vector_store %arg8[%swap3A_307, %swap3A_308], %swap3A_311 {strides = array<i32>} : memref<16x1024xf32, #tpu.memory_space<vmem>>, vector<1x16xf32>,
      %mul3A_312 = arith.constant 16 : i32
      %mul3A_313 = arith.muli %scan3A_106, %mul3A_312 : i32
      %get3A_314 = arith.constant 18 : i32
      %get3A_315 = arith.index_cast %get3A_314 : i32 to index
      %get3A_316 = arith.index_cast %mul3A_313 : i32 to index
      %get3A_317 = tpu.vector_load %arg6[%get3A_315, %get3A_316] {strides = array<i32>} : memref<32x1024xf32, #tpu.memory_space<vmem>>, vector<1x16xf32>,
      %get3A_318 = vector.shape_cast %get3A_317 : vector<1x16xf32> to vector<16xf32>
      %mul3A_319 = arith.constant 16 : i32
      %mul3A_320 = arith.muli %scan3A_106, %mul3A_319 : i32
      %get3A_321 = arith.constant 19 : i32
      %get3A_322 = arith.index_cast %get3A_321 : i32 to index
      %get3A_323 = arith.index_cast %mul3A_320 : i32 to index
      %get3A_324 = tpu.vector_load %arg6[%get3A_322, %get3A_323] {strides = array<i32>} : memref<32x1024xf32, #tpu.memory_space<vmem>>, vector<1x16xf32>,
      %get3A_325 = vector.shape_cast %get3A_324 : vector<1x16xf32> to vector<16xf32>
      %add3A_326 = arith.addf %get3A_318, %get3A_325 : vector<16xf32>
      %mul3A_327 = arith.constant 16 : i32
      %mul3A_328 = arith.muli %scan3A_106, %mul3A_327 : i32
      %swap3A_329 = arith.constant 9 : i32
      %swap3A_330 = arith.index_cast %swap3A_329 : i32 to index
      %swap3A_331 = arith.index_cast %mul3A_328 : i32 to index
      %swap3A_332 = tpu.vector_load %arg8[%swap3A_330, %swap3A_331] {strides = array<i32>} : memref<16x1024xf32, #tpu.memory_space<vmem>>, vector<1x16xf32>,
      %swap3A_333 = vector.shape_cast %swap3A_332 : vector<1x16xf32> to vector<16xf32>
      %swap3A_334 = vector.shape_cast %add3A_326 : vector<16xf32> to vector<1x16xf32>
      tpu.vector_store %arg8[%swap3A_330, %swap3A_331], %swap3A_334 {strides = array<i32>} : memref<16x1024xf32, #tpu.memory_space<vmem>>, vector<1x16xf32>,
      %mul3A_335 = arith.constant 16 : i32
      %mul3A_336 = arith.muli %scan3A_106, %mul3A_335 : i32
      %get3A_337 = arith.constant 20 : i32
      %get3A_338 = arith.index_cast %get3A_337 : i32 to index
      %get3A_339 = arith.index_cast %mul3A_336 : i32 to index
      %get3A_340 = tpu.vector_load %arg6[%get3A_338, %get3A_339] {strides = array<i32>} : memref<32x1024xf32, #tpu.memory_space<vmem>>, vector<1x16xf32>,
      %get3A_341 = vector.shape_cast %get3A_340 : vector<1x16xf32> to vector<16xf32>
      %mul3A_342 = arith.constant 16 : i32
      %mul3A_343 = arith.muli %scan3A_106, %mul3A_342 : i32
      %get3A_344 = arith.constant 21 : i32
      %get3A_345 = arith.index_cast %get3A_344 : i32 to index
      %get3A_346 = arith.index_cast %mul3A_343 : i32 to index
      %get3A_347 = tpu.vector_load %arg6[%get3A_345, %get3A_346] {strides = array<i32>} : memref<32x1024xf32, #tpu.memory_space<vmem>>, vector<1x16xf32>,
      %get3A_348 = vector.shape_cast %get3A_347 : vector<1x16xf32> to vector<16xf32>
      %add3A_349 = arith.addf %get3A_341, %get3A_348 : vector<16xf32>
      %mul3A_350 = arith.constant 16 : i32
      %mul3A_351 = arith.muli %scan3A_106, %mul3A_350 : i32
      %swap3A_352 = arith.constant 10 : i32
      %swap3A_353 = arith.index_cast %swap3A_352 : i32 to index
      %swap3A_354 = arith.index_cast %mul3A_351 : i32 to index
      %swap3A_355 = tpu.vector_load %arg8[%swap3A_353, %swap3A_354] {strides = array<i32>} : memref<16x1024xf32, #tpu.memory_space<vmem>>, vector<1x16xf32>,
      %swap3A_356 = vector.shape_cast %swap3A_355 : vector<1x16xf32> to vector<16xf32>
      %swap3A_357 = vector.shape_cast %add3A_349 : vector<16xf32> to vector<1x16xf32>
      tpu.vector_store %arg8[%swap3A_353, %swap3A_354], %swap3A_357 {strides = array<i32>} : memref<16x1024xf32, #tpu.memory_space<vmem>>, vector<1x16xf32>,
      %mul3A_358 = arith.constant 16 : i32
      %mul3A_359 = arith.muli %scan3A_106, %mul3A_358 : i32
      %get3A_360 = arith.constant 22 : i32
      %get3A_361 = arith.index_cast %get3A_360 : i32 to index
      %get3A_362 = arith.index_cast %mul3A_359 : i32 to index
      %get3A_363 = tpu.vector_load %arg6[%get3A_361, %get3A_362] {strides = array<i32>} : memref<32x1024xf32, #tpu.memory_space<vmem>>, vector<1x16xf32>,
      %get3A_364 = vector.shape_cast %get3A_363 : vector<1x16xf32> to vector<16xf32>
      %mul3A_365 = arith.constant 16 : i32
      %mul3A_366 = arith.muli %scan3A_106, %mul3A_365 : i32
      %get3A_367 = arith.constant 23 : i32
      %get3A_368 = arith.index_cast %get3A_367 : i32 to index
      %get3A_369 = arith.index_cast %mul3A_366 : i32 to index
      %get3A_370 = tpu.vector_load %arg6[%get3A_368, %get3A_369] {strides = array<i32>} : memref<32x1024xf32, #tpu.memory_space<vmem>>, vector<1x16xf32>,
      %get3A_371 = vector.shape_cast %get3A_370 : vector<1x16xf32> to vector<16xf32>
      %add3A_372 = arith.addf %get3A_364, %get3A_371 : vector<16xf32>
      %mul3A_373 = arith.constant 16 : i32
      %mul3A_374 = arith.muli %scan3A_106, %mul3A_373 : i32
      %swap3A_375 = arith.constant 11 : i32
      %swap3A_376 = arith.index_cast %swap3A_375 : i32 to index
      %swap3A_377 = arith.index_cast %mul3A_374 : i32 to index
      %swap3A_378 = tpu.vector_load %arg8[%swap3A_376, %swap3A_377] {strides = array<i32>} : memref<16x1024xf32, #tpu.memory_space<vmem>>, vector<1x16xf32>,
      %swap3A_379 = vector.shape_cast %swap3A_378 : vector<1x16xf32> to vector<16xf32>
      %swap3A_380 = vector.shape_cast %add3A_372 : vector<16xf32> to vector<1x16xf32>
      tpu.vector_store %arg8[%swap3A_376, %swap3A_377], %swap3A_380 {strides = array<i32>} : memref<16x1024xf32, #tpu.memory_space<vmem>>, vector<1x16xf32>,
      %mul3A_381 = arith.constant 16 : i32
      %mul3A_382 = arith.muli %scan3A_106, %mul3A_381 : i32
      %get3A_383 = arith.constant 24 : i32
      %get3A_384 = arith.index_cast %get3A_383 : i32 to index
      %get3A_385 = arith.index_cast %mul3A_382 : i32 to index
      %get3A_386 = tpu.vector_load %arg6[%get3A_384, %get3A_385] {strides = array<i32>} : memref<32x1024xf32, #tpu.memory_space<vmem>>, vector<1x16xf32>,
      %get3A_387 = vector.shape_cast %get3A_386 : vector<1x16xf32> to vector<16xf32>
      %mul3A_388 = arith.constant 16 : i32
      %mul3A_389 = arith.muli %scan3A_106, %mul3A_388 : i32
      %get3A_390 = arith.constant 25 : i32
      %get3A_391 = arith.index_cast %get3A_390 : i32 to index
      %get3A_392 = arith.index_cast %mul3A_389 : i32 to index
      %get3A_393 = tpu.vector_load %arg6[%get3A_391, %get3A_392] {strides = array<i32>} : memref<32x1024xf32, #tpu.memory_space<vmem>>, vector<1x16xf32>,
      %get3A_394 = vector.shape_cast %get3A_393 : vector<1x16xf32> to vector<16xf32>
      %add3A_395 = arith.addf %get3A_387, %get3A_394 : vector<16xf32>
      %mul3A_396 = arith.constant 16 : i32
      %mul3A_397 = arith.muli %scan3A_106, %mul3A_396 : i32
      %swap3A_398 = arith.constant 12 : i32
      %swap3A_399 = arith.index_cast %swap3A_398 : i32 to index
      %swap3A_400 = arith.index_cast %mul3A_397 : i32 to index
      %swap3A_401 = tpu.vector_load %arg8[%swap3A_399, %swap3A_400] {strides = array<i32>} : memref<16x1024xf32, #tpu.memory_space<vmem>>, vector<1x16xf32>,
      %swap3A_402 = vector.shape_cast %swap3A_401 : vector<1x16xf32> to vector<16xf32>
      %swap3A_403 = vector.shape_cast %add3A_395 : vector<16xf32> to vector<1x16xf32>
      tpu.vector_store %arg8[%swap3A_399, %swap3A_400], %swap3A_403 {strides = array<i32>} : memref<16x1024xf32, #tpu.memory_space<vmem>>, vector<1x16xf32>,
      %mul3A_404 = arith.constant 16 : i32
      %mul3A_405 = arith.muli %scan3A_106, %mul3A_404 : i32
      %get3A_406 = arith.constant 26 : i32
      %get3A_407 = arith.index_cast %get3A_406 : i32 to index
      %get3A_408 = arith.index_cast %mul3A_405 : i32 to index
      %get3A_409 = tpu.vector_load %arg6[%get3A_407, %get3A_408] {strides = array<i32>} : memref<32x1024xf32, #tpu.memory_space<vmem>>, vector<1x16xf32>,
      %get3A_410 = vector.shape_cast %get3A_409 : vector<1x16xf32> to vector<16xf32>
      %mul3A_411 = arith.constant 16 : i32
      %mul3A_412 = arith.muli %scan3A_106, %mul3A_411 : i32
      %get3A_413 = arith.constant 27 : i32
      %get3A_414 = arith.index_cast %get3A_413 : i32 to index
      %get3A_415 = arith.index_cast %mul3A_412 : i32 to index
      %get3A_416 = tpu.vector_load %arg6[%get3A_414, %get3A_415] {strides = array<i32>} : memref<32x1024xf32, #tpu.memory_space<vmem>>, vector<1x16xf32>,
      %get3A_417 = vector.shape_cast %get3A_416 : vector<1x16xf32> to vector<16xf32>
      %add3A_418 = arith.addf %get3A_410, %get3A_417 : vector<16xf32>
      %mul3A_419 = arith.constant 16 : i32
      %mul3A_420 = arith.muli %scan3A_106, %mul3A_419 : i32
      %swap3A_421 = arith.constant 13 : i32
      %swap3A_422 = arith.index_cast %swap3A_421 : i32 to index
      %swap3A_423 = arith.index_cast %mul3A_420 : i32 to index
      %swap3A_424 = tpu.vector_load %arg8[%swap3A_422, %swap3A_423] {strides = array<i32>} : memref<16x1024xf32, #tpu.memory_space<vmem>>, vector<1x16xf32>,
      %swap3A_425 = vector.shape_cast %swap3A_424 : vector<1x16xf32> to vector<16xf32>
      %swap3A_426 = vector.shape_cast %add3A_418 : vector<16xf32> to vector<1x16xf32>
      tpu.vector_store %arg8[%swap3A_422, %swap3A_423], %swap3A_426 {strides = array<i32>} : memref<16x1024xf32, #tpu.memory_space<vmem>>, vector<1x16xf32>,
      %mul3A_427 = arith.constant 16 : i32
      %mul3A_428 = arith.muli %scan3A_106, %mul3A_427 : i32
      %get3A_429 = arith.constant 28 : i32
      %get3A_430 = arith.index_cast %get3A_429 : i32 to index
      %get3A_431 = arith.index_cast %mul3A_428 : i32 to index
      %get3A_432 = tpu.vector_load %arg6[%get3A_430, %get3A_431] {strides = array<i32>} : memref<32x1024xf32, #tpu.memory_space<vmem>>, vector<1x16xf32>,
      %get3A_433 = vector.shape_cast %get3A_432 : vector<1x16xf32> to vector<16xf32>
      %mul3A_434 = arith.constant 16 : i32
      %mul3A_435 = arith.muli %scan3A_106, %mul3A_434 : i32
      %get3A_436 = arith.constant 29 : i32
      %get3A_437 = arith.index_cast %get3A_436 : i32 to index
      %get3A_438 = arith.index_cast %mul3A_435 : i32 to index
      %get3A_439 = tpu.vector_load %arg6[%get3A_437, %get3A_438] {strides = array<i32>} : memref<32x1024xf32, #tpu.memory_space<vmem>>, vector<1x16xf32>,
      %get3A_440 = vector.shape_cast %get3A_439 : vector<1x16xf32> to vector<16xf32>
      %add3A_441 = arith.addf %get3A_433, %get3A_440 : vector<16xf32>
      %mul3A_442 = arith.constant 16 : i32
      %mul3A_443 = arith.muli %scan3A_106, %mul3A_442 : i32
      %swap3A_444 = arith.constant 14 : i32
      %swap3A_445 = arith.index_cast %swap3A_444 : i32 to index
      %swap3A_446 = arith.index_cast %mul3A_443 : i32 to index
      %swap3A_447 = tpu.vector_load %arg8[%swap3A_445, %swap3A_446] {strides = array<i32>} : memref<16x1024xf32, #tpu.memory_space<vmem>>, vector<1x16xf32>,
      %swap3A_448 = vector.shape_cast %swap3A_447 : vector<1x16xf32> to vector<16xf32>
      %swap3A_449 = vector.shape_cast %add3A_441 : vector<16xf32> to vector<1x16xf32>
      tpu.vector_store %arg8[%swap3A_445, %swap3A_446], %swap3A_449 {strides = array<i32>} : memref<16x1024xf32, #tpu.memory_space<vmem>>, vector<1x16xf32>,
      %mul3A_450 = arith.constant 16 : i32
      %mul3A_451 = arith.muli %scan3A_106, %mul3A_450 : i32
      %get3A_452 = arith.constant 30 : i32
      %get3A_453 = arith.index_cast %get3A_452 : i32 to index
      %get3A_454 = arith.index_cast %mul3A_451 : i32 to index
      %get3A_455 = tpu.vector_load %arg6[%get3A_453, %get3A_454] {strides = array<i32>} : memref<32x1024xf32, #tpu.memory_space<vmem>>, vector<1x16xf32>,
      %get3A_456 = vector.shape_cast %get3A_455 : vector<1x16xf32> to vector<16xf32>
      %mul3A_457 = arith.constant 16 : i32
      %mul3A_458 = arith.muli %scan3A_106, %mul3A_457 : i32
      %get3A_459 = arith.constant 31 : i32
      %get3A_460 = arith.index_cast %get3A_459 : i32 to index
      %get3A_461 = arith.index_cast %mul3A_458 : i32 to index
      %get3A_462 = tpu.vector_load %arg6[%get3A_460, %get3A_461] {strides = array<i32>} : memref<32x1024xf32, #tpu.memory_space<vmem>>, vector<1x16xf32>,
      %get3A_463 = vector.shape_cast %get3A_462 : vector<1x16xf32> to vector<16xf32>
      %add3A_464 = arith.addf %get3A_456, %get3A_463 : vector<16xf32>
      %mul3A_465 = arith.constant 16 : i32
      %mul3A_466 = arith.muli %scan3A_106, %mul3A_465 : i32
      %swap3A_467 = arith.constant 15 : i32
      %swap3A_468 = arith.index_cast %swap3A_467 : i32 to index
      %swap3A_469 = arith.index_cast %mul3A_466 : i32 to index
      %swap3A_470 = tpu.vector_load %arg8[%swap3A_468, %swap3A_469] {strides = array<i32>} : memref<16x1024xf32, #tpu.memory_space<vmem>>, vector<1x16xf32>,
      %swap3A_471 = vector.shape_cast %swap3A_470 : vector<1x16xf32> to vector<16xf32>
      %swap3A_472 = vector.shape_cast %add3A_464 : vector<16xf32> to vector<1x16xf32>
      tpu.vector_store %arg8[%swap3A_468, %swap3A_469], %swap3A_472 {strides = array<i32>} : memref<16x1024xf32, #tpu.memory_space<vmem>>, vector<1x16xf32>,
    }
    %scan3A_70 = arith.constant 64 : i32
    %add3A_71 = arith.constant 32 : i32
    %add3A_72 = arith.addi %mul3A_2, %add3A_71 : i32
    %dma_start3A_73 = arith.constant 0 : i32
    %dma_start3A_74 = tpu.memref_slice %arg4[%add3A_72, %dma_start3A_73] : memref<2048x1024xf32, #tpu.memory_space<hbm>> -> memref<16x1024xf32, #tpu.memory_space<hbm>>
    %dma_start3A_75 = arith.constant 0 : i32
    %dma_start3A_76 = tpu.memref_slice %arg4[%add3A_72, %dma_start3A_75] : memref<2048x1024xf32, #tpu.memory_space<hbm>> -> memref<16x1024xf32, #tpu.memory_space<hbm>>
    tpu.enqueue_dma source(%arg8 : memref<16x1024xf32, #tpu.memory_space<vmem>>) target(%dma_start3A_76 : memref<16x1024xf32, #tpu.memory_space<hbm>>) target_semaphore(%arg12 : memref<!tpu.dma_semaphore, #tpu.memory_space<semaphore_mem>>)
    %dma_wait3A_77 = arith.constant 96 : i32
    %dma_wait3A_78 = tpu.memref_slice %arg5[%dma_wait3A_77] : memref<128xi32, #tpu.memory_space<vmem>> -> memref<32xi32, #tpu.memory_space<vmem>>
    %dma_wait3A_79 = arith.constant 0 : i32
    %dma_wait3A_80 = arith.constant 0 : i32
    %dma_wait3A_81 = tpu.memref_slice %arg2[%dma_wait3A_79, %dma_wait3A_80] : memref<8192x1024xf32, #tpu.memory_space<hbm>> -> memref<8192x1024xf32, #tpu.memory_space<hbm>>
    tpu.wait_indirect_dma semaphore(%arg11 : memref<!tpu.dma_semaphore, #tpu.memory_space<semaphore_mem>>) src(%dma_wait3A_81 : memref<8192x1024xf32, #tpu.memory_space<hbm>>) dst(%arg7 : memref<32x1024xf32, #tpu.memory_space<vmem>>)
    %dma_wait3A_82 = arith.constant 0 : i32
    %dma_wait3A_83 = tpu.memref_slice %arg4[%add3A_46, %dma_wait3A_82] : memref<2048x1024xf32, #tpu.memory_space<hbm>> -> memref<16x1024xf32, #tpu.memory_space<hbm>>
    %dma_wait3A_84 = arith.constant 0 : i32
    %dma_wait3A_85 = tpu.memref_slice %arg4[%add3A_46, %dma_wait3A_84] : memref<2048x1024xf32, #tpu.memory_space<hbm>> -> memref<16x1024xf32, #tpu.memory_space<hbm>>
    tpu.wait_dma2 semaphore(%arg13 : memref<!tpu.dma_semaphore, #tpu.memory_space<semaphore_mem>>) src(%arg9 : memref<16x1024xf32, #tpu.memory_space<vmem>>) dst(%dma_wait3A_85 : memref<16x1024xf32, #tpu.memory_space<hbm>>)
    %scan3A_86 = arith.constant 0 : i32
    %scan3A_87 = arith.constant 0 : i32
    %scan3A_88 = arith.constant 64 : i32
    %scan3A_89 = arith.addi %scan3A_87, %scan3A_88 : i32
    %scan3A_90 = arith.constant 1 : i32
    scf.for %scan3A_106 = %scan3A_87 to %scan3A_89 step %scan3A_90  : i32 {
      %mul3A_107 = arith.constant 16 : i32
      %mul3A_108 = arith.muli %scan3A_106, %mul3A_107 : i32
      %get3A = arith.constant 0 : i32
      %get3A_109 = arith.index_cast %get3A : i32 to index
      %get3A_110 = arith.index_cast %mul3A_108 : i32 to index
      %get3A_111 = tpu.vector_load %arg7[%get3A_109, %get3A_110] {strides = array<i32>} : memref<32x1024xf32, #tpu.memory_space<vmem>>, vector<1x16xf32>,
      %get3A_112 = vector.shape_cast %get3A_111 : vector<1x16xf32> to vector<16xf32>
      %mul3A_113 = arith.constant 16 : i32
      %mul3A_114 = arith.muli %scan3A_106, %mul3A_113 : i32
      %get3A_115 = arith.constant 1 : i32
      %get3A_116 = arith.index_cast %get3A_115 : i32 to index
      %get3A_117 = arith.index_cast %mul3A_114 : i32 to index
      %get3A_118 = tpu.vector_load %arg7[%get3A_116, %get3A_117] {strides = array<i32>} : memref<32x1024xf32, #tpu.memory_space<vmem>>, vector<1x16xf32>,
      %get3A_119 = vector.shape_cast %get3A_118 : vector<1x16xf32> to vector<16xf32>
      %add3A_120 = arith.addf %get3A_112, %get3A_119 : vector<16xf32>
      %mul3A_121 = arith.constant 16 : i32
      %mul3A_122 = arith.muli %scan3A_106, %mul3A_121 : i32
      %swap3A = arith.constant 0 : i32
      %swap3A_123 = arith.index_cast %swap3A : i32 to index
      %swap3A_124 = arith.index_cast %mul3A_122 : i32 to index
      %swap3A_125 = tpu.vector_load %arg9[%swap3A_123, %swap3A_124] {strides = array<i32>} : memref<16x1024xf32, #tpu.memory_space<vmem>>, vector<1x16xf32>,
      %swap3A_126 = vector.shape_cast %swap3A_125 : vector<1x16xf32> to vector<16xf32>
      %swap3A_127 = vector.shape_cast %add3A_120 : vector<16xf32> to vector<1x16xf32>
      tpu.vector_store %arg9[%swap3A_123, %swap3A_124], %swap3A_127 {strides = array<i32>} : memref<16x1024xf32, #tpu.memory_space<vmem>>, vector<1x16xf32>,
      %mul3A_128 = arith.constant 16 : i32
      %mul3A_129 = arith.muli %scan3A_106, %mul3A_128 : i32
      %get3A_130 = arith.constant 2 : i32
      %get3A_131 = arith.index_cast %get3A_130 : i32 to index
      %get3A_132 = arith.index_cast %mul3A_129 : i32 to index
      %get3A_133 = tpu.vector_load %arg7[%get3A_131, %get3A_132] {strides = array<i32>} : memref<32x1024xf32, #tpu.memory_space<vmem>>, vector<1x16xf32>,
      %get3A_134 = vector.shape_cast %get3A_133 : vector<1x16xf32> to vector<16xf32>
      %mul3A_135 = arith.constant 16 : i32
      %mul3A_136 = arith.muli %scan3A_106, %mul3A_135 : i32
      %get3A_137 = arith.constant 3 : i32
      %get3A_138 = arith.index_cast %get3A_137 : i32 to index
      %get3A_139 = arith.index_cast %mul3A_136 : i32 to index
      %get3A_140 = tpu.vector_load %arg7[%get3A_138, %get3A_139] {strides = array<i32>} : memref<32x1024xf32, #tpu.memory_space<vmem>>, vector<1x16xf32>,
      %get3A_141 = vector.shape_cast %get3A_140 : vector<1x16xf32> to vector<16xf32>
      %add3A_142 = arith.addf %get3A_134, %get3A_141 : vector<16xf32>
      %mul3A_143 = arith.constant 16 : i32
      %mul3A_144 = arith.muli %scan3A_106, %mul3A_143 : i32
      %swap3A_145 = arith.constant 1 : i32
      %swap3A_146 = arith.index_cast %swap3A_145 : i32 to index
      %swap3A_147 = arith.index_cast %mul3A_144 : i32 to index
      %swap3A_148 = tpu.vector_load %arg9[%swap3A_146, %swap3A_147] {strides = array<i32>} : memref<16x1024xf32, #tpu.memory_space<vmem>>, vector<1x16xf32>,
      %swap3A_149 = vector.shape_cast %swap3A_148 : vector<1x16xf32> to vector<16xf32>
      %swap3A_150 = vector.shape_cast %add3A_142 : vector<16xf32> to vector<1x16xf32>
      tpu.vector_store %arg9[%swap3A_146, %swap3A_147], %swap3A_150 {strides = array<i32>} : memref<16x1024xf32, #tpu.memory_space<vmem>>, vector<1x16xf32>,
      %mul3A_151 = arith.constant 16 : i32
      %mul3A_152 = arith.muli %scan3A_106, %mul3A_151 : i32
      %get3A_153 = arith.constant 4 : i32
      %get3A_154 = arith.index_cast %get3A_153 : i32 to index
      %get3A_155 = arith.index_cast %mul3A_152 : i32 to index
      %get3A_156 = tpu.vector_load %arg7[%get3A_154, %get3A_155] {strides = array<i32>} : memref<32x1024xf32, #tpu.memory_space<vmem>>, vector<1x16xf32>,
      %get3A_157 = vector.shape_cast %get3A_156 : vector<1x16xf32> to vector<16xf32>
      %mul3A_158 = arith.constant 16 : i32
      %mul3A_159 = arith.muli %scan3A_106, %mul3A_158 : i32
      %get3A_160 = arith.constant 5 : i32
      %get3A_161 = arith.index_cast %get3A_160 : i32 to index
      %get3A_162 = arith.index_cast %mul3A_159 : i32 to index
      %get3A_163 = tpu.vector_load %arg7[%get3A_161, %get3A_162] {strides = array<i32>} : memref<32x1024xf32, #tpu.memory_space<vmem>>, vector<1x16xf32>,
      %get3A_164 = vector.shape_cast %get3A_163 : vector<1x16xf32> to vector<16xf32>
      %add3A_165 = arith.addf %get3A_157, %get3A_164 : vector<16xf32>
      %mul3A_166 = arith.constant 16 : i32
      %mul3A_167 = arith.muli %scan3A_106, %mul3A_166 : i32
      %swap3A_168 = arith.constant 2 : i32
      %swap3A_169 = arith.index_cast %swap3A_168 : i32 to index
      %swap3A_170 = arith.index_cast %mul3A_167 : i32 to index
      %swap3A_171 = tpu.vector_load %arg9[%swap3A_169, %swap3A_170] {strides = array<i32>} : memref<16x1024xf32, #tpu.memory_space<vmem>>, vector<1x16xf32>,
      %swap3A_172 = vector.shape_cast %swap3A_171 : vector<1x16xf32> to vector<16xf32>
      %swap3A_173 = vector.shape_cast %add3A_165 : vector<16xf32> to vector<1x16xf32>
      tpu.vector_store %arg9[%swap3A_169, %swap3A_170], %swap3A_173 {strides = array<i32>} : memref<16x1024xf32, #tpu.memory_space<vmem>>, vector<1x16xf32>,
      %mul3A_174 = arith.constant 16 : i32
      %mul3A_175 = arith.muli %scan3A_106, %mul3A_174 : i32
      %get3A_176 = arith.constant 6 : i32
      %get3A_177 = arith.index_cast %get3A_176 : i32 to index
      %get3A_178 = arith.index_cast %mul3A_175 : i32 to index
      %get3A_179 = tpu.vector_load %arg7[%get3A_177, %get3A_178] {strides = array<i32>} : memref<32x1024xf32, #tpu.memory_space<vmem>>, vector<1x16xf32>,
      %get3A_180 = vector.shape_cast %get3A_179 : vector<1x16xf32> to vector<16xf32>
      %mul3A_181 = arith.constant 16 : i32
      %mul3A_182 = arith.muli %scan3A_106, %mul3A_181 : i32
      %get3A_183 = arith.constant 7 : i32
      %get3A_184 = arith.index_cast %get3A_183 : i32 to index
      %get3A_185 = arith.index_cast %mul3A_182 : i32 to index
      %get3A_186 = tpu.vector_load %arg7[%get3A_184, %get3A_185] {strides = array<i32>} : memref<32x1024xf32, #tpu.memory_space<vmem>>, vector<1x16xf32>,
      %get3A_187 = vector.shape_cast %get3A_186 : vector<1x16xf32> to vector<16xf32>
      %add3A_188 = arith.addf %get3A_180, %get3A_187 : vector<16xf32>
      %mul3A_189 = arith.constant 16 : i32
      %mul3A_190 = arith.muli %scan3A_106, %mul3A_189 : i32
      %swap3A_191 = arith.constant 3 : i32
      %swap3A_192 = arith.index_cast %swap3A_191 : i32 to index
      %swap3A_193 = arith.index_cast %mul3A_190 : i32 to index
      %swap3A_194 = tpu.vector_load %arg9[%swap3A_192, %swap3A_193] {strides = array<i32>} : memref<16x1024xf32, #tpu.memory_space<vmem>>, vector<1x16xf32>,
      %swap3A_195 = vector.shape_cast %swap3A_194 : vector<1x16xf32> to vector<16xf32>
      %swap3A_196 = vector.shape_cast %add3A_188 : vector<16xf32> to vector<1x16xf32>
      tpu.vector_store %arg9[%swap3A_192, %swap3A_193], %swap3A_196 {strides = array<i32>} : memref<16x1024xf32, #tpu.memory_space<vmem>>, vector<1x16xf32>,
      %mul3A_197 = arith.constant 16 : i32
      %mul3A_198 = arith.muli %scan3A_106, %mul3A_197 : i32
      %get3A_199 = arith.constant 8 : i32
      %get3A_200 = arith.index_cast %get3A_199 : i32 to index
      %get3A_201 = arith.index_cast %mul3A_198 : i32 to index
      %get3A_202 = tpu.vector_load %arg7[%get3A_200, %get3A_201] {strides = array<i32>} : memref<32x1024xf32, #tpu.memory_space<vmem>>, vector<1x16xf32>,
      %get3A_203 = vector.shape_cast %get3A_202 : vector<1x16xf32> to vector<16xf32>
      %mul3A_204 = arith.constant 16 : i32
      %mul3A_205 = arith.muli %scan3A_106, %mul3A_204 : i32
      %get3A_206 = arith.constant 9 : i32
      %get3A_207 = arith.index_cast %get3A_206 : i32 to index
      %get3A_208 = arith.index_cast %mul3A_205 : i32 to index
      %get3A_209 = tpu.vector_load %arg7[%get3A_207, %get3A_208] {strides = array<i32>} : memref<32x1024xf32, #tpu.memory_space<vmem>>, vector<1x16xf32>,
      %get3A_210 = vector.shape_cast %get3A_209 : vector<1x16xf32> to vector<16xf32>
      %add3A_211 = arith.addf %get3A_203, %get3A_210 : vector<16xf32>
      %mul3A_212 = arith.constant 16 : i32
      %mul3A_213 = arith.muli %scan3A_106, %mul3A_212 : i32
      %swap3A_214 = arith.constant 4 : i32
      %swap3A_215 = arith.index_cast %swap3A_214 : i32 to index
      %swap3A_216 = arith.index_cast %mul3A_213 : i32 to index
      %swap3A_217 = tpu.vector_load %arg9[%swap3A_215, %swap3A_216] {strides = array<i32>} : memref<16x1024xf32, #tpu.memory_space<vmem>>, vector<1x16xf32>,
      %swap3A_218 = vector.shape_cast %swap3A_217 : vector<1x16xf32> to vector<16xf32>
      %swap3A_219 = vector.shape_cast %add3A_211 : vector<16xf32> to vector<1x16xf32>
      tpu.vector_store %arg9[%swap3A_215, %swap3A_216], %swap3A_219 {strides = array<i32>} : memref<16x1024xf32, #tpu.memory_space<vmem>>, vector<1x16xf32>,
      %mul3A_220 = arith.constant 16 : i32
      %mul3A_221 = arith.muli %scan3A_106, %mul3A_220 : i32
      %get3A_222 = arith.constant 10 : i32
      %get3A_223 = arith.index_cast %get3A_222 : i32 to index
      %get3A_224 = arith.index_cast %mul3A_221 : i32 to index
      %get3A_225 = tpu.vector_load %arg7[%get3A_223, %get3A_224] {strides = array<i32>} : memref<32x1024xf32, #tpu.memory_space<vmem>>, vector<1x16xf32>,
      %get3A_226 = vector.shape_cast %get3A_225 : vector<1x16xf32> to vector<16xf32>
      %mul3A_227 = arith.constant 16 : i32
      %mul3A_228 = arith.muli %scan3A_106, %mul3A_227 : i32
      %get3A_229 = arith.constant 11 : i32
      %get3A_230 = arith.index_cast %get3A_229 : i32 to index
      %get3A_231 = arith.index_cast %mul3A_228 : i32 to index
      %get3A_232 = tpu.vector_load %arg7[%get3A_230, %get3A_231] {strides = array<i32>} : memref<32x1024xf32, #tpu.memory_space<vmem>>, vector<1x16xf32>,
      %get3A_233 = vector.shape_cast %get3A_232 : vector<1x16xf32> to vector<16xf32>
      %add3A_234 = arith.addf %get3A_226, %get3A_233 : vector<16xf32>
      %mul3A_235 = arith.constant 16 : i32
      %mul3A_236 = arith.muli %scan3A_106, %mul3A_235 : i32
      %swap3A_237 = arith.constant 5 : i32
      %swap3A_238 = arith.index_cast %swap3A_237 : i32 to index
      %swap3A_239 = arith.index_cast %mul3A_236 : i32 to index
      %swap3A_240 = tpu.vector_load %arg9[%swap3A_238, %swap3A_239] {strides = array<i32>} : memref<16x1024xf32, #tpu.memory_space<vmem>>, vector<1x16xf32>,
      %swap3A_241 = vector.shape_cast %swap3A_240 : vector<1x16xf32> to vector<16xf32>
      %swap3A_242 = vector.shape_cast %add3A_234 : vector<16xf32> to vector<1x16xf32>
      tpu.vector_store %arg9[%swap3A_238, %swap3A_239], %swap3A_242 {strides = array<i32>} : memref<16x1024xf32, #tpu.memory_space<vmem>>, vector<1x16xf32>,
      %mul3A_243 = arith.constant 16 : i32
      %mul3A_244 = arith.muli %scan3A_106, %mul3A_243 : i32
      %get3A_245 = arith.constant 12 : i32
      %get3A_246 = arith.index_cast %get3A_245 : i32 to index
      %get3A_247 = arith.index_cast %mul3A_244 : i32 to index
      %get3A_248 = tpu.vector_load %arg7[%get3A_246, %get3A_247] {strides = array<i32>} : memref<32x1024xf32, #tpu.memory_space<vmem>>, vector<1x16xf32>,
      %get3A_249 = vector.shape_cast %get3A_248 : vector<1x16xf32> to vector<16xf32>
      %mul3A_250 = arith.constant 16 : i32
      %mul3A_251 = arith.muli %scan3A_106, %mul3A_250 : i32
      %get3A_252 = arith.constant 13 : i32
      %get3A_253 = arith.index_cast %get3A_252 : i32 to index
      %get3A_254 = arith.index_cast %mul3A_251 : i32 to index
      %get3A_255 = tpu.vector_load %arg7[%get3A_253, %get3A_254] {strides = array<i32>} : memref<32x1024xf32, #tpu.memory_space<vmem>>, vector<1x16xf32>,
      %get3A_256 = vector.shape_cast %get3A_255 : vector<1x16xf32> to vector<16xf32>
      %add3A_257 = arith.addf %get3A_249, %get3A_256 : vector<16xf32>
      %mul3A_258 = arith.constant 16 : i32
      %mul3A_259 = arith.muli %scan3A_106, %mul3A_258 : i32
      %swap3A_260 = arith.constant 6 : i32
      %swap3A_261 = arith.index_cast %swap3A_260 : i32 to index
      %swap3A_262 = arith.index_cast %mul3A_259 : i32 to index
      %swap3A_263 = tpu.vector_load %arg9[%swap3A_261, %swap3A_262] {strides = array<i32>} : memref<16x1024xf32, #tpu.memory_space<vmem>>, vector<1x16xf32>,
      %swap3A_264 = vector.shape_cast %swap3A_263 : vector<1x16xf32> to vector<16xf32>
      %swap3A_265 = vector.shape_cast %add3A_257 : vector<16xf32> to vector<1x16xf32>
      tpu.vector_store %arg9[%swap3A_261, %swap3A_262], %swap3A_265 {strides = array<i32>} : memref<16x1024xf32, #tpu.memory_space<vmem>>, vector<1x16xf32>,
      %mul3A_266 = arith.constant 16 : i32
      %mul3A_267 = arith.muli %scan3A_106, %mul3A_266 : i32
      %get3A_268 = arith.constant 14 : i32
      %get3A_269 = arith.index_cast %get3A_268 : i32 to index
      %get3A_270 = arith.index_cast %mul3A_267 : i32 to index
      %get3A_271 = tpu.vector_load %arg7[%get3A_269, %get3A_270] {strides = array<i32>} : memref<32x1024xf32, #tpu.memory_space<vmem>>, vector<1x16xf32>,
      %get3A_272 = vector.shape_cast %get3A_271 : vector<1x16xf32> to vector<16xf32>
      %mul3A_273 = arith.constant 16 : i32
      %mul3A_274 = arith.muli %scan3A_106, %mul3A_273 : i32
      %get3A_275 = arith.constant 15 : i32
      %get3A_276 = arith.index_cast %get3A_275 : i32 to index
      %get3A_277 = arith.index_cast %mul3A_274 : i32 to index
      %get3A_278 = tpu.vector_load %arg7[%get3A_276, %get3A_277] {strides = array<i32>} : memref<32x1024xf32, #tpu.memory_space<vmem>>, vector<1x16xf32>,
      %get3A_279 = vector.shape_cast %get3A_278 : vector<1x16xf32> to vector<16xf32>
      %add3A_280 = arith.addf %get3A_272, %get3A_279 : vector<16xf32>
      %mul3A_281 = arith.constant 16 : i32
      %mul3A_282 = arith.muli %scan3A_106, %mul3A_281 : i32
      %swap3A_283 = arith.constant 7 : i32
      %swap3A_284 = arith.index_cast %swap3A_283 : i32 to index
      %swap3A_285 = arith.index_cast %mul3A_282 : i32 to index
      %swap3A_286 = tpu.vector_load %arg9[%swap3A_284, %swap3A_285] {strides = array<i32>} : memref<16x1024xf32, #tpu.memory_space<vmem>>, vector<1x16xf32>,
      %swap3A_287 = vector.shape_cast %swap3A_286 : vector<1x16xf32> to vector<16xf32>
      %swap3A_288 = vector.shape_cast %add3A_280 : vector<16xf32> to vector<1x16xf32>
      tpu.vector_store %arg9[%swap3A_284, %swap3A_285], %swap3A_288 {strides = array<i32>} : memref<16x1024xf32, #tpu.memory_space<vmem>>, vector<1x16xf32>,
      %mul3A_289 = arith.constant 16 : i32
      %mul3A_290 = arith.muli %scan3A_106, %mul3A_289 : i32
      %get3A_291 = arith.constant 16 : i32
      %get3A_292 = arith.index_cast %get3A_291 : i32 to index
      %get3A_293 = arith.index_cast %mul3A_290 : i32 to index
      %get3A_294 = tpu.vector_load %arg7[%get3A_292, %get3A_293] {strides = array<i32>} : memref<32x1024xf32, #tpu.memory_space<vmem>>, vector<1x16xf32>,
      %get3A_295 = vector.shape_cast %get3A_294 : vector<1x16xf32> to vector<16xf32>
      %mul3A_296 = arith.constant 16 : i32
      %mul3A_297 = arith.muli %scan3A_106, %mul3A_296 : i32
      %get3A_298 = arith.constant 17 : i32
      %get3A_299 = arith.index_cast %get3A_298 : i32 to index
      %get3A_300 = arith.index_cast %mul3A_297 : i32 to index
      %get3A_301 = tpu.vector_load %arg7[%get3A_299, %get3A_300] {strides = array<i32>} : memref<32x1024xf32, #tpu.memory_space<vmem>>, vector<1x16xf32>,
      %get3A_302 = vector.shape_cast %get3A_301 : vector<1x16xf32> to vector<16xf32>
      %add3A_303 = arith.addf %get3A_295, %get3A_302 : vector<16xf32>
      %mul3A_304 = arith.constant 16 : i32
      %mul3A_305 = arith.muli %scan3A_106, %mul3A_304 : i32
      %swap3A_306 = arith.constant 8 : i32
      %swap3A_307 = arith.index_cast %swap3A_306 : i32 to index
      %swap3A_308 = arith.index_cast %mul3A_305 : i32 to index
      %swap3A_309 = tpu.vector_load %arg9[%swap3A_307, %swap3A_308] {strides = array<i32>} : memref<16x1024xf32, #tpu.memory_space<vmem>>, vector<1x16xf32>,
      %swap3A_310 = vector.shape_cast %swap3A_309 : vector<1x16xf32> to vector<16xf32>
      %swap3A_311 = vector.shape_cast %add3A_303 : vector<16xf32> to vector<1x16xf32>
      tpu.vector_store %arg9[%swap3A_307, %swap3A_308], %swap3A_311 {strides = array<i32>} : memref<16x1024xf32, #tpu.memory_space<vmem>>, vector<1x16xf32>,
      %mul3A_312 = arith.constant 16 : i32
      %mul3A_313 = arith.muli %scan3A_106, %mul3A_312 : i32
      %get3A_314 = arith.constant 18 : i32
      %get3A_315 = arith.index_cast %get3A_314 : i32 to index
      %get3A_316 = arith.index_cast %mul3A_313 : i32 to index
      %get3A_317 = tpu.vector_load %arg7[%get3A_315, %get3A_316] {strides = array<i32>} : memref<32x1024xf32, #tpu.memory_space<vmem>>, vector<1x16xf32>,
      %get3A_318 = vector.shape_cast %get3A_317 : vector<1x16xf32> to vector<16xf32>
      %mul3A_319 = arith.constant 16 : i32
      %mul3A_320 = arith.muli %scan3A_106, %mul3A_319 : i32
      %get3A_321 = arith.constant 19 : i32
      %get3A_322 = arith.index_cast %get3A_321 : i32 to index
      %get3A_323 = arith.index_cast %mul3A_320 : i32 to index
      %get3A_324 = tpu.vector_load %arg7[%get3A_322, %get3A_323] {strides = array<i32>} : memref<32x1024xf32, #tpu.memory_space<vmem>>, vector<1x16xf32>,
      %get3A_325 = vector.shape_cast %get3A_324 : vector<1x16xf32> to vector<16xf32>
      %add3A_326 = arith.addf %get3A_318, %get3A_325 : vector<16xf32>
      %mul3A_327 = arith.constant 16 : i32
      %mul3A_328 = arith.muli %scan3A_106, %mul3A_327 : i32
      %swap3A_329 = arith.constant 9 : i32
      %swap3A_330 = arith.index_cast %swap3A_329 : i32 to index
      %swap3A_331 = arith.index_cast %mul3A_328 : i32 to index
      %swap3A_332 = tpu.vector_load %arg9[%swap3A_330, %swap3A_331] {strides = array<i32>} : memref<16x1024xf32, #tpu.memory_space<vmem>>, vector<1x16xf32>,
      %swap3A_333 = vector.shape_cast %swap3A_332 : vector<1x16xf32> to vector<16xf32>
      %swap3A_334 = vector.shape_cast %add3A_326 : vector<16xf32> to vector<1x16xf32>
      tpu.vector_store %arg9[%swap3A_330, %swap3A_331], %swap3A_334 {strides = array<i32>} : memref<16x1024xf32, #tpu.memory_space<vmem>>, vector<1x16xf32>,
      %mul3A_335 = arith.constant 16 : i32
      %mul3A_336 = arith.muli %scan3A_106, %mul3A_335 : i32
      %get3A_337 = arith.constant 20 : i32
      %get3A_338 = arith.index_cast %get3A_337 : i32 to index
      %get3A_339 = arith.index_cast %mul3A_336 : i32 to index
      %get3A_340 = tpu.vector_load %arg7[%get3A_338, %get3A_339] {strides = array<i32>} : memref<32x1024xf32, #tpu.memory_space<vmem>>, vector<1x16xf32>,
      %get3A_341 = vector.shape_cast %get3A_340 : vector<1x16xf32> to vector<16xf32>
      %mul3A_342 = arith.constant 16 : i32
      %mul3A_343 = arith.muli %scan3A_106, %mul3A_342 : i32
      %get3A_344 = arith.constant 21 : i32
      %get3A_345 = arith.index_cast %get3A_344 : i32 to index
      %get3A_346 = arith.index_cast %mul3A_343 : i32 to index
      %get3A_347 = tpu.vector_load %arg7[%get3A_345, %get3A_346] {strides = array<i32>} : memref<32x1024xf32, #tpu.memory_space<vmem>>, vector<1x16xf32>,
      %get3A_348 = vector.shape_cast %get3A_347 : vector<1x16xf32> to vector<16xf32>
      %add3A_349 = arith.addf %get3A_341, %get3A_348 : vector<16xf32>
      %mul3A_350 = arith.constant 16 : i32
      %mul3A_351 = arith.muli %scan3A_106, %mul3A_350 : i32
      %swap3A_352 = arith.constant 10 : i32
      %swap3A_353 = arith.index_cast %swap3A_352 : i32 to index
      %swap3A_354 = arith.index_cast %mul3A_351 : i32 to index
      %swap3A_355 = tpu.vector_load %arg9[%swap3A_353, %swap3A_354] {strides = array<i32>} : memref<16x1024xf32, #tpu.memory_space<vmem>>, vector<1x16xf32>,
      %swap3A_356 = vector.shape_cast %swap3A_355 : vector<1x16xf32> to vector<16xf32>
      %swap3A_357 = vector.shape_cast %add3A_349 : vector<16xf32> to vector<1x16xf32>
      tpu.vector_store %arg9[%swap3A_353, %swap3A_354], %swap3A_357 {strides = array<i32>} : memref<16x1024xf32, #tpu.memory_space<vmem>>, vector<1x16xf32>,
      %mul3A_358 = arith.constant 16 : i32
      %mul3A_359 = arith.muli %scan3A_106, %mul3A_358 : i32
      %get3A_360 = arith.constant 22 : i32
      %get3A_361 = arith.index_cast %get3A_360 : i32 to index
      %get3A_362 = arith.index_cast %mul3A_359 : i32 to index
      %get3A_363 = tpu.vector_load %arg7[%get3A_361, %get3A_362] {strides = array<i32>} : memref<32x1024xf32, #tpu.memory_space<vmem>>, vector<1x16xf32>,
      %get3A_364 = vector.shape_cast %get3A_363 : vector<1x16xf32> to vector<16xf32>
      %mul3A_365 = arith.constant 16 : i32
      %mul3A_366 = arith.muli %scan3A_106, %mul3A_365 : i32
      %get3A_367 = arith.constant 23 : i32
      %get3A_368 = arith.index_cast %get3A_367 : i32 to index
      %get3A_369 = arith.index_cast %mul3A_366 : i32 to index
      %get3A_370 = tpu.vector_load %arg7[%get3A_368, %get3A_369] {strides = array<i32>} : memref<32x1024xf32, #tpu.memory_space<vmem>>, vector<1x16xf32>,
      %get3A_371 = vector.shape_cast %get3A_370 : vector<1x16xf32> to vector<16xf32>
      %add3A_372 = arith.addf %get3A_364, %get3A_371 : vector<16xf32>
      %mul3A_373 = arith.constant 16 : i32
      %mul3A_374 = arith.muli %scan3A_106, %mul3A_373 : i32
      %swap3A_375 = arith.constant 11 : i32
      %swap3A_376 = arith.index_cast %swap3A_375 : i32 to index
      %swap3A_377 = arith.index_cast %mul3A_374 : i32 to index
      %swap3A_378 = tpu.vector_load %arg9[%swap3A_376, %swap3A_377] {strides = array<i32>} : memref<16x1024xf32, #tpu.memory_space<vmem>>, vector<1x16xf32>,
      %swap3A_379 = vector.shape_cast %swap3A_378 : vector<1x16xf32> to vector<16xf32>
      %swap3A_380 = vector.shape_cast %add3A_372 : vector<16xf32> to vector<1x16xf32>
      tpu.vector_store %arg9[%swap3A_376, %swap3A_377], %swap3A_380 {strides = array<i32>} : memref<16x1024xf32, #tpu.memory_space<vmem>>, vector<1x16xf32>,
      %mul3A_381 = arith.constant 16 : i32
      %mul3A_382 = arith.muli %scan3A_106, %mul3A_381 : i32
      %get3A_383 = arith.constant 24 : i32
      %get3A_384 = arith.index_cast %get3A_383 : i32 to index
      %get3A_385 = arith.index_cast %mul3A_382 : i32 to index
      %get3A_386 = tpu.vector_load %arg7[%get3A_384, %get3A_385] {strides = array<i32>} : memref<32x1024xf32, #tpu.memory_space<vmem>>, vector<1x16xf32>,
      %get3A_387 = vector.shape_cast %get3A_386 : vector<1x16xf32> to vector<16xf32>
      %mul3A_388 = arith.constant 16 : i32
      %mul3A_389 = arith.muli %scan3A_106, %mul3A_388 : i32
      %get3A_390 = arith.constant 25 : i32
      %get3A_391 = arith.index_cast %get3A_390 : i32 to index
      %get3A_392 = arith.index_cast %mul3A_389 : i32 to index
      %get3A_393 = tpu.vector_load %arg7[%get3A_391, %get3A_392] {strides = array<i32>} : memref<32x1024xf32, #tpu.memory_space<vmem>>, vector<1x16xf32>,
      %get3A_394 = vector.shape_cast %get3A_393 : vector<1x16xf32> to vector<16xf32>
      %add3A_395 = arith.addf %get3A_387, %get3A_394 : vector<16xf32>
      %mul3A_396 = arith.constant 16 : i32
      %mul3A_397 = arith.muli %scan3A_106, %mul3A_396 : i32
      %swap3A_398 = arith.constant 12 : i32
      %swap3A_399 = arith.index_cast %swap3A_398 : i32 to index
      %swap3A_400 = arith.index_cast %mul3A_397 : i32 to index
      %swap3A_401 = tpu.vector_load %arg9[%swap3A_399, %swap3A_400] {strides = array<i32>} : memref<16x1024xf32, #tpu.memory_space<vmem>>, vector<1x16xf32>,
      %swap3A_402 = vector.shape_cast %swap3A_401 : vector<1x16xf32> to vector<16xf32>
      %swap3A_403 = vector.shape_cast %add3A_395 : vector<16xf32> to vector<1x16xf32>
      tpu.vector_store %arg9[%swap3A_399, %swap3A_400], %swap3A_403 {strides = array<i32>} : memref<16x1024xf32, #tpu.memory_space<vmem>>, vector<1x16xf32>,
      %mul3A_404 = arith.constant 16 : i32
      %mul3A_405 = arith.muli %scan3A_106, %mul3A_404 : i32
      %get3A_406 = arith.constant 26 : i32
      %get3A_407 = arith.index_cast %get3A_406 : i32 to index
      %get3A_408 = arith.index_cast %mul3A_405 : i32 to index
      %get3A_409 = tpu.vector_load %arg7[%get3A_407, %get3A_408] {strides = array<i32>} : memref<32x1024xf32, #tpu.memory_space<vmem>>, vector<1x16xf32>,
      %get3A_410 = vector.shape_cast %get3A_409 : vector<1x16xf32> to vector<16xf32>
      %mul3A_411 = arith.constant 16 : i32
      %mul3A_412 = arith.muli %scan3A_106, %mul3A_411 : i32
      %get3A_413 = arith.constant 27 : i32
      %get3A_414 = arith.index_cast %get3A_413 : i32 to index
      %get3A_415 = arith.index_cast %mul3A_412 : i32 to index
      %get3A_416 = tpu.vector_load %arg7[%get3A_414, %get3A_415] {strides = array<i32>} : memref<32x1024xf32, #tpu.memory_space<vmem>>, vector<1x16xf32>,
      %get3A_417 = vector.shape_cast %get3A_416 : vector<1x16xf32> to vector<16xf32>
      %add3A_418 = arith.addf %get3A_410, %get3A_417 : vector<16xf32>
      %mul3A_419 = arith.constant 16 : i32
      %mul3A_420 = arith.muli %scan3A_106, %mul3A_419 : i32
      %swap3A_421 = arith.constant 13 : i32
      %swap3A_422 = arith.index_cast %swap3A_421 : i32 to index
      %swap3A_423 = arith.index_cast %mul3A_420 : i32 to index
      %swap3A_424 = tpu.vector_load %arg9[%swap3A_422, %swap3A_423] {strides = array<i32>} : memref<16x1024xf32, #tpu.memory_space<vmem>>, vector<1x16xf32>,
      %swap3A_425 = vector.shape_cast %swap3A_424 : vector<1x16xf32> to vector<16xf32>
      %swap3A_426 = vector.shape_cast %add3A_418 : vector<16xf32> to vector<1x16xf32>
      tpu.vector_store %arg9[%swap3A_422, %swap3A_423], %swap3A_426 {strides = array<i32>} : memref<16x1024xf32, #tpu.memory_space<vmem>>, vector<1x16xf32>,
      %mul3A_427 = arith.constant 16 : i32
      %mul3A_428 = arith.muli %scan3A_106, %mul3A_427 : i32
      %get3A_429 = arith.constant 28 : i32
      %get3A_430 = arith.index_cast %get3A_429 : i32 to index
      %get3A_431 = arith.index_cast %mul3A_428 : i32 to index
      %get3A_432 = tpu.vector_load %arg7[%get3A_430, %get3A_431] {strides = array<i32>} : memref<32x1024xf32, #tpu.memory_space<vmem>>, vector<1x16xf32>,
      %get3A_433 = vector.shape_cast %get3A_432 : vector<1x16xf32> to vector<16xf32>
      %mul3A_434 = arith.constant 16 : i32
      %mul3A_435 = arith.muli %scan3A_106, %mul3A_434 : i32
      %get3A_436 = arith.constant 29 : i32
      %get3A_437 = arith.index_cast %get3A_436 : i32 to index
      %get3A_438 = arith.index_cast %mul3A_435 : i32 to index
      %get3A_439 = tpu.vector_load %arg7[%get3A_437, %get3A_438] {strides = array<i32>} : memref<32x1024xf32, #tpu.memory_space<vmem>>, vector<1x16xf32>,
      %get3A_440 = vector.shape_cast %get3A_439 : vector<1x16xf32> to vector<16xf32>
      %add3A_441 = arith.addf %get3A_433, %get3A_440 : vector<16xf32>
      %mul3A_442 = arith.constant 16 : i32
      %mul3A_443 = arith.muli %scan3A_106, %mul3A_442 : i32
      %swap3A_444 = arith.constant 14 : i32
      %swap3A_445 = arith.index_cast %swap3A_444 : i32 to index
      %swap3A_446 = arith.index_cast %mul3A_443 : i32 to index
      %swap3A_447 = tpu.vector_load %arg9[%swap3A_445, %swap3A_446] {strides = array<i32>} : memref<16x1024xf32, #tpu.memory_space<vmem>>, vector<1x16xf32>,
      %swap3A_448 = vector.shape_cast %swap3A_447 : vector<1x16xf32> to vector<16xf32>
      %swap3A_449 = vector.shape_cast %add3A_441 : vector<16xf32> to vector<1x16xf32>
      tpu.vector_store %arg9[%swap3A_445, %swap3A_446], %swap3A_449 {strides = array<i32>} : memref<16x1024xf32, #tpu.memory_space<vmem>>, vector<1x16xf32>,
      %mul3A_450 = arith.constant 16 : i32
      %mul3A_451 = arith.muli %scan3A_106, %mul3A_450 : i32
      %get3A_452 = arith.constant 30 : i32
      %get3A_453 = arith.index_cast %get3A_452 : i32 to index
      %get3A_454 = arith.index_cast %mul3A_451 : i32 to index
      %get3A_455 = tpu.vector_load %arg7[%get3A_453, %get3A_454] {strides = array<i32>} : memref<32x1024xf32, #tpu.memory_space<vmem>>, vector<1x16xf32>,
      %get3A_456 = vector.shape_cast %get3A_455 : vector<1x16xf32> to vector<16xf32>
      %mul3A_457 = arith.constant 16 : i32
      %mul3A_458 = arith.muli %scan3A_106, %mul3A_457 : i32
      %get3A_459 = arith.constant 31 : i32
      %get3A_460 = arith.index_cast %get3A_459 : i32 to index
      %get3A_461 = arith.index_cast %mul3A_458 : i32 to index
      %get3A_462 = tpu.vector_load %arg7[%get3A_460, %get3A_461] {strides = array<i32>} : memref<32x1024xf32, #tpu.memory_space<vmem>>, vector<1x16xf32>,
      %get3A_463 = vector.shape_cast %get3A_462 : vector<1x16xf32> to vector<16xf32>
      %add3A_464 = arith.addf %get3A_456, %get3A_463 : vector<16xf32>
      %mul3A_465 = arith.constant 16 : i32
      %mul3A_466 = arith.muli %scan3A_106, %mul3A_465 : i32
      %swap3A_467 = arith.constant 15 : i32
      %swap3A_468 = arith.index_cast %swap3A_467 : i32 to index
      %swap3A_469 = arith.index_cast %mul3A_466 : i32 to index
      %swap3A_470 = tpu.vector_load %arg9[%swap3A_468, %swap3A_469] {strides = array<i32>} : memref<16x1024xf32, #tpu.memory_space<vmem>>, vector<1x16xf32>,
      %swap3A_471 = vector.shape_cast %swap3A_470 : vector<1x16xf32> to vector<16xf32>
      %swap3A_472 = vector.shape_cast %add3A_464 : vector<16xf32> to vector<1x16xf32>
      tpu.vector_store %arg9[%swap3A_468, %swap3A_469], %swap3A_472 {strides = array<i32>} : memref<16x1024xf32, #tpu.memory_space<vmem>>, vector<1x16xf32>,
    }
    %scan3A_91 = arith.constant 64 : i32
    %add3A_92 = arith.constant 48 : i32
    %add3A_93 = arith.addi %mul3A_2, %add3A_92 : i32
    %dma_start3A_94 = arith.constant 0 : i32
    %dma_start3A_95 = tpu.memref_slice %arg4[%add3A_93, %dma_start3A_94] : memref<2048x1024xf32, #tpu.memory_space<hbm>> -> memref<16x1024xf32, #tpu.memory_space<hbm>>
    %dma_start3A_96 = arith.constant 0 : i32
    %dma_start3A_97 = tpu.memref_slice %arg4[%add3A_93, %dma_start3A_96] : memref<2048x1024xf32, #tpu.memory_space<hbm>> -> memref<16x1024xf32, #tpu.memory_space<hbm>>
    tpu.enqueue_dma source(%arg9 : memref<16x1024xf32, #tpu.memory_space<vmem>>) target(%dma_start3A_97 : memref<16x1024xf32, #tpu.memory_space<hbm>>) target_semaphore(%arg13 : memref<!tpu.dma_semaphore, #tpu.memory_space<semaphore_mem>>)
    %dma_wait3A_98 = arith.constant 0 : i32
    %dma_wait3A_99 = tpu.memref_slice %arg4[%add3A_72, %dma_wait3A_98] : memref<2048x1024xf32, #tpu.memory_space<hbm>> -> memref<16x1024xf32, #tpu.memory_space<hbm>>
    %dma_wait3A_100 = arith.constant 0 : i32
    %dma_wait3A_101 = tpu.memref_slice %arg4[%add3A_72, %dma_wait3A_100] : memref<2048x1024xf32, #tpu.memory_space<hbm>> -> memref<16x1024xf32, #tpu.memory_space<hbm>>
    tpu.wait_dma2 semaphore(%arg12 : memref<!tpu.dma_semaphore, #tpu.memory_space<semaphore_mem>>) src(%arg8 : memref<16x1024xf32, #tpu.memory_space<vmem>>) dst(%dma_wait3A_101 : memref<16x1024xf32, #tpu.memory_space<hbm>>)
    %dma_wait3A_102 = arith.constant 0 : i32
    %dma_wait3A_103 = tpu.memref_slice %arg4[%add3A_93, %dma_wait3A_102] : memref<2048x1024xf32, #tpu.memory_space<hbm>> -> memref<16x1024xf32, #tpu.memory_space<hbm>>
    %dma_wait3A_104 = arith.constant 0 : i32
    %dma_wait3A_105 = tpu.memref_slice %arg4[%add3A_93, %dma_wait3A_104] : memref<2048x1024xf32, #tpu.memory_space<hbm>> -> memref<16x1024xf32, #tpu.memory_space<hbm>>
    tpu.wait_dma2 semaphore(%arg13 : memref<!tpu.dma_semaphore, #tpu.memory_space<semaphore_mem>>) src(%arg9 : memref<16x1024xf32, #tpu.memory_space<vmem>>) dst(%dma_wait3A_105 : memref<16x1024xf32, #tpu.memory_space<hbm>>)
    return
  }
}

#map = affine_map<(d0, d1) -> (0, 0)>
module attributes {stable_mosaic.version = 14 : i64} {
  func.func @gather_k(%arg0: i32, %arg1: i32, %arg2: memref<2048x1024xf32, #tpu.memory_space<hbm>>, %arg3: memref<256x32xi32, #tpu.memory_space<hbm>>, %arg4: memref<8192x1024xf32, #tpu.memory_space<hbm>>, %arg5: memref<8x32xi32, #tpu.memory_space<vmem>>, %arg6: memref<32x1024xf32, #tpu.memory_space<vmem>>, %arg7: memref<32x1024xf32, #tpu.memory_space<vmem>>, %arg8: memref<!tpu.dma_semaphore, #tpu.memory_space<semaphore_mem>>, %arg9: memref<!tpu.dma_semaphore, #tpu.memory_space<semaphore_mem>>, %arg10: memref<!tpu.dma_semaphore, #tpu.memory_space<semaphore_mem>>, %arg11: memref<!tpu.dma_semaphore, #tpu.memory_space<semaphore_mem>>) attributes {dimension_semantics = [#tpu.dimension_semantics<core_parallel>, #tpu.dimension_semantics<subcore_parallel>], iteration_bounds = array<i64: 2, 16>, scalar_prefetch = 0 : i64, scratch_operands = 7 : i64, tpu.core_type = #tpu.core_type<sc_vector_subcore>, window_params = [{transform_indices = #map}, {transform_indices = #map}, {transform_indices = #map}]} {
    %mul3A = arith.constant 2 : i32
    %mul3A_0 = arith.muli %arg1, %mul3A : i32
    %add3A = arith.addi %mul3A_0, %arg0 : i32
    %mul3A_1 = arith.constant 256 : i32
    %mul3A_2 = arith.muli %add3A, %mul3A_1 : i32
    %mul3A_3 = arith.constant 8 : i32
    %mul3A_4 = arith.muli %add3A, %mul3A_3 : i32
    "tpu.region"() ({
      %run_scoped3A = tpu.sem_alloc : memref<!tpu.dma_semaphore, #tpu.memory_space<semaphore_mem>>
      %dma_start3A_195 = arith.constant 0 : i32
      %dma_start3A_196 = tpu.memref_slice %arg3[%mul3A_4, %dma_start3A_195] : memref<256x32xi32, #tpu.memory_space<hbm>> -> memref<8x32xi32, #tpu.memory_space<hbm>>
      %dma_start3A_197 = arith.constant 0 : i32
      %dma_start3A_198 = tpu.memref_slice %arg3[%mul3A_4, %dma_start3A_197] : memref<256x32xi32, #tpu.memory_space<hbm>> -> memref<8x32xi32, #tpu.memory_space<hbm>>
      tpu.enqueue_dma source(%dma_start3A_198 : memref<8x32xi32, #tpu.memory_space<hbm>>) target(%arg5 : memref<8x32xi32, #tpu.memory_space<vmem>>) target_semaphore(%run_scoped3A : memref<!tpu.dma_semaphore, #tpu.memory_space<semaphore_mem>>)
      %dma_wait3A_199 = arith.constant 0 : i32
      %dma_wait3A_200 = tpu.memref_slice %arg3[%mul3A_4, %dma_wait3A_199] : memref<256x32xi32, #tpu.memory_space<hbm>> -> memref<8x32xi32, #tpu.memory_space<hbm>>
      %dma_wait3A_201 = arith.constant 0 : i32
      %dma_wait3A_202 = tpu.memref_slice %arg3[%mul3A_4, %dma_wait3A_201] : memref<256x32xi32, #tpu.memory_space<hbm>> -> memref<8x32xi32, #tpu.memory_space<hbm>>
      tpu.wait_dma2 semaphore(%run_scoped3A : memref<!tpu.dma_semaphore, #tpu.memory_space<semaphore_mem>>) src(%dma_wait3A_202 : memref<8x32xi32, #tpu.memory_space<hbm>>) dst(%arg5 : memref<8x32xi32, #tpu.memory_space<vmem>>)
      tpu.yield
    }) : () -> ()
    %dma_start3A = arith.constant 0 : i32
    %dma_start3A_5 = arith.constant 0 : i32
    %dma_start3A_6 = tpu.memref_slice %arg5[%dma_start3A, %dma_start3A_5] : memref<8x32xi32, #tpu.memory_space<vmem>> -> memref<1x32xi32, #tpu.memory_space<vmem>>
    %dma_start3A_7 = tpu.memref_squeeze %dma_start3A_6 : memref<1x32xi32, #tpu.memory_space<vmem>> -> memref<32xi32, #tpu.memory_space<vmem>>
    %dma_start3A_8 = arith.constant 0 : i32
    %dma_start3A_9 = arith.constant 0 : i32
    %dma_start3A_10 = tpu.memref_slice %arg2[%dma_start3A_8, %dma_start3A_9] : memref<2048x1024xf32, #tpu.memory_space<hbm>> -> memref<2048x1024xf32, #tpu.memory_space<hbm>>
    tpu.enqueue_indirect_dma source(%dma_start3A_10 : memref<2048x1024xf32, #tpu.memory_space<hbm>>) target(%arg6 : memref<32x1024xf32, #tpu.memory_space<vmem>>) offsets(%dma_start3A_7 : memref<32xi32, #tpu.memory_space<vmem>>) semaphore(%arg8 : memref<!tpu.dma_semaphore, #tpu.memory_space<semaphore_mem>>)
    %dma_wait3A = arith.constant 0 : i32
    %dma_wait3A_11 = arith.constant 0 : i32
    %dma_wait3A_12 = tpu.memref_slice %arg5[%dma_wait3A, %dma_wait3A_11] : memref<8x32xi32, #tpu.memory_space<vmem>> -> memref<1x32xi32, #tpu.memory_space<vmem>>
    %dma_wait3A_13 = tpu.memref_squeeze %dma_wait3A_12 : memref<1x32xi32, #tpu.memory_space<vmem>> -> memref<32xi32, #tpu.memory_space<vmem>>
    %dma_wait3A_14 = arith.constant 0 : i32
    %dma_wait3A_15 = arith.constant 0 : i32
    %dma_wait3A_16 = tpu.memref_slice %arg2[%dma_wait3A_14, %dma_wait3A_15] : memref<2048x1024xf32, #tpu.memory_space<hbm>> -> memref<2048x1024xf32, #tpu.memory_space<hbm>>
    tpu.wait_indirect_dma semaphore(%arg8 : memref<!tpu.dma_semaphore, #tpu.memory_space<semaphore_mem>>) src(%dma_wait3A_16 : memref<2048x1024xf32, #tpu.memory_space<hbm>>) dst(%arg6 : memref<32x1024xf32, #tpu.memory_space<vmem>>)
    %add3A_17 = arith.constant 0 : i32
    %add3A_18 = arith.addi %mul3A_2, %add3A_17 : i32
    %dma_start3A_19 = arith.constant 0 : i32
    %dma_start3A_20 = tpu.memref_slice %arg4[%add3A_18, %dma_start3A_19] : memref<8192x1024xf32, #tpu.memory_space<hbm>> -> memref<32x1024xf32, #tpu.memory_space<hbm>>
    %dma_start3A_21 = arith.constant 0 : i32
    %dma_start3A_22 = tpu.memref_slice %arg4[%add3A_18, %dma_start3A_21] : memref<8192x1024xf32, #tpu.memory_space<hbm>> -> memref<32x1024xf32, #tpu.memory_space<hbm>>
    tpu.enqueue_dma source(%arg6 : memref<32x1024xf32, #tpu.memory_space<vmem>>) target(%dma_start3A_22 : memref<32x1024xf32, #tpu.memory_space<hbm>>) target_semaphore(%arg10 : memref<!tpu.dma_semaphore, #tpu.memory_space<semaphore_mem>>)
    %dma_start3A_23 = arith.constant 1 : i32
    %dma_start3A_24 = arith.constant 0 : i32
    %dma_start3A_25 = tpu.memref_slice %arg5[%dma_start3A_23, %dma_start3A_24] : memref<8x32xi32, #tpu.memory_space<vmem>> -> memref<1x32xi32, #tpu.memory_space<vmem>>
    %dma_start3A_26 = tpu.memref_squeeze %dma_start3A_25 : memref<1x32xi32, #tpu.memory_space<vmem>> -> memref<32xi32, #tpu.memory_space<vmem>>
    %dma_start3A_27 = arith.constant 0 : i32
    %dma_start3A_28 = arith.constant 0 : i32
    %dma_start3A_29 = tpu.memref_slice %arg2[%dma_start3A_27, %dma_start3A_28] : memref<2048x1024xf32, #tpu.memory_space<hbm>> -> memref<2048x1024xf32, #tpu.memory_space<hbm>>
    tpu.enqueue_indirect_dma source(%dma_start3A_29 : memref<2048x1024xf32, #tpu.memory_space<hbm>>) target(%arg7 : memref<32x1024xf32, #tpu.memory_space<vmem>>) offsets(%dma_start3A_26 : memref<32xi32, #tpu.memory_space<vmem>>) semaphore(%arg9 : memref<!tpu.dma_semaphore, #tpu.memory_space<semaphore_mem>>)
    %dma_wait3A_30 = arith.constant 1 : i32
    %dma_wait3A_31 = arith.constant 0 : i32
    %dma_wait3A_32 = tpu.memref_slice %arg5[%dma_wait3A_30, %dma_wait3A_31] : memref<8x32xi32, #tpu.memory_space<vmem>> -> memref<1x32xi32, #tpu.memory_space<vmem>>
    %dma_wait3A_33 = tpu.memref_squeeze %dma_wait3A_32 : memref<1x32xi32, #tpu.memory_space<vmem>> -> memref<32xi32, #tpu.memory_space<vmem>>
    %dma_wait3A_34 = arith.constant 0 : i32
    %dma_wait3A_35 = arith.constant 0 : i32
    %dma_wait3A_36 = tpu.memref_slice %arg2[%dma_wait3A_34, %dma_wait3A_35] : memref<2048x1024xf32, #tpu.memory_space<hbm>> -> memref<2048x1024xf32, #tpu.memory_space<hbm>>
    tpu.wait_indirect_dma semaphore(%arg9 : memref<!tpu.dma_semaphore, #tpu.memory_space<semaphore_mem>>) src(%dma_wait3A_36 : memref<2048x1024xf32, #tpu.memory_space<hbm>>) dst(%arg7 : memref<32x1024xf32, #tpu.memory_space<vmem>>)
    %add3A_37 = arith.constant 32 : i32
    %add3A_38 = arith.addi %mul3A_2, %add3A_37 : i32
    %dma_start3A_39 = arith.constant 0 : i32
    %dma_start3A_40 = tpu.memref_slice %arg4[%add3A_38, %dma_start3A_39] : memref<8192x1024xf32, #tpu.memory_space<hbm>> -> memref<32x1024xf32, #tpu.memory_space<hbm>>
    %dma_start3A_41 = arith.constant 0 : i32
    %dma_start3A_42 = tpu.memref_slice %arg4[%add3A_38, %dma_start3A_41] : memref<8192x1024xf32, #tpu.memory_space<hbm>> -> memref<32x1024xf32, #tpu.memory_space<hbm>>
    tpu.enqueue_dma source(%arg7 : memref<32x1024xf32, #tpu.memory_space<vmem>>) target(%dma_start3A_42 : memref<32x1024xf32, #tpu.memory_space<hbm>>) target_semaphore(%arg11 : memref<!tpu.dma_semaphore, #tpu.memory_space<semaphore_mem>>)
    %dma_wait3A_43 = arith.constant 0 : i32
    %dma_wait3A_44 = tpu.memref_slice %arg4[%add3A_18, %dma_wait3A_43] : memref<8192x1024xf32, #tpu.memory_space<hbm>> -> memref<32x1024xf32, #tpu.memory_space<hbm>>
    %dma_wait3A_45 = arith.constant 0 : i32
    %dma_wait3A_46 = tpu.memref_slice %arg4[%add3A_18, %dma_wait3A_45] : memref<8192x1024xf32, #tpu.memory_space<hbm>> -> memref<32x1024xf32, #tpu.memory_space<hbm>>
    tpu.wait_dma2 semaphore(%arg10 : memref<!tpu.dma_semaphore, #tpu.memory_space<semaphore_mem>>) src(%arg6 : memref<32x1024xf32, #tpu.memory_space<vmem>>) dst(%dma_wait3A_46 : memref<32x1024xf32, #tpu.memory_space<hbm>>)
    %dma_start3A_47 = arith.constant 2 : i32
    %dma_start3A_48 = arith.constant 0 : i32
    %dma_start3A_49 = tpu.memref_slice %arg5[%dma_start3A_47, %dma_start3A_48] : memref<8x32xi32, #tpu.memory_space<vmem>> -> memref<1x32xi32, #tpu.memory_space<vmem>>
    %dma_start3A_50 = tpu.memref_squeeze %dma_start3A_49 : memref<1x32xi32, #tpu.memory_space<vmem>> -> memref<32xi32, #tpu.memory_space<vmem>>
    %dma_start3A_51 = arith.constant 0 : i32
    %dma_start3A_52 = arith.constant 0 : i32
    %dma_start3A_53 = tpu.memref_slice %arg2[%dma_start3A_51, %dma_start3A_52] : memref<2048x1024xf32, #tpu.memory_space<hbm>> -> memref<2048x1024xf32, #tpu.memory_space<hbm>>
    tpu.enqueue_indirect_dma source(%dma_start3A_53 : memref<2048x1024xf32, #tpu.memory_space<hbm>>) target(%arg6 : memref<32x1024xf32, #tpu.memory_space<vmem>>) offsets(%dma_start3A_50 : memref<32xi32, #tpu.memory_space<vmem>>) semaphore(%arg8 : memref<!tpu.dma_semaphore, #tpu.memory_space<semaphore_mem>>)
    %dma_wait3A_54 = arith.constant 2 : i32
    %dma_wait3A_55 = arith.constant 0 : i32
    %dma_wait3A_56 = tpu.memref_slice %arg5[%dma_wait3A_54, %dma_wait3A_55] : memref<8x32xi32, #tpu.memory_space<vmem>> -> memref<1x32xi32, #tpu.memory_space<vmem>>
    %dma_wait3A_57 = tpu.memref_squeeze %dma_wait3A_56 : memref<1x32xi32, #tpu.memory_space<vmem>> -> memref<32xi32, #tpu.memory_space<vmem>>
    %dma_wait3A_58 = arith.constant 0 : i32
    %dma_wait3A_59 = arith.constant 0 : i32
    %dma_wait3A_60 = tpu.memref_slice %arg2[%dma_wait3A_58, %dma_wait3A_59] : memref<2048x1024xf32, #tpu.memory_space<hbm>> -> memref<2048x1024xf32, #tpu.memory_space<hbm>>
    tpu.wait_indirect_dma semaphore(%arg8 : memref<!tpu.dma_semaphore, #tpu.memory_space<semaphore_mem>>) src(%dma_wait3A_60 : memref<2048x1024xf32, #tpu.memory_space<hbm>>) dst(%arg6 : memref<32x1024xf32, #tpu.memory_space<vmem>>)
    %add3A_61 = arith.constant 64 : i32
    %add3A_62 = arith.addi %mul3A_2, %add3A_61 : i32
    %dma_start3A_63 = arith.constant 0 : i32
    %dma_start3A_64 = tpu.memref_slice %arg4[%add3A_62, %dma_start3A_63] : memref<8192x1024xf32, #tpu.memory_space<hbm>> -> memref<32x1024xf32, #tpu.memory_space<hbm>>
    %dma_start3A_65 = arith.constant 0 : i32
    %dma_start3A_66 = tpu.memref_slice %arg4[%add3A_62, %dma_start3A_65] : memref<8192x1024xf32, #tpu.memory_space<hbm>> -> memref<32x1024xf32, #tpu.memory_space<hbm>>
    tpu.enqueue_dma source(%arg6 : memref<32x1024xf32, #tpu.memory_space<vmem>>) target(%dma_start3A_66 : memref<32x1024xf32, #tpu.memory_space<hbm>>) target_semaphore(%arg10 : memref<!tpu.dma_semaphore, #tpu.memory_space<semaphore_mem>>)
    %dma_wait3A_67 = arith.constant 0 : i32
    %dma_wait3A_68 = tpu.memref_slice %arg4[%add3A_38, %dma_wait3A_67] : memref<8192x1024xf32, #tpu.memory_space<hbm>> -> memref<32x1024xf32, #tpu.memory_space<hbm>>
    %dma_wait3A_69 = arith.constant 0 : i32
    %dma_wait3A_70 = tpu.memref_slice %arg4[%add3A_38, %dma_wait3A_69] : memref<8192x1024xf32, #tpu.memory_space<hbm>> -> memref<32x1024xf32, #tpu.memory_space<hbm>>
    tpu.wait_dma2 semaphore(%arg11 : memref<!tpu.dma_semaphore, #tpu.memory_space<semaphore_mem>>) src(%arg7 : memref<32x1024xf32, #tpu.memory_space<vmem>>) dst(%dma_wait3A_70 : memref<32x1024xf32, #tpu.memory_space<hbm>>)
    %dma_start3A_71 = arith.constant 3 : i32
    %dma_start3A_72 = arith.constant 0 : i32
    %dma_start3A_73 = tpu.memref_slice %arg5[%dma_start3A_71, %dma_start3A_72] : memref<8x32xi32, #tpu.memory_space<vmem>> -> memref<1x32xi32, #tpu.memory_space<vmem>>
    %dma_start3A_74 = tpu.memref_squeeze %dma_start3A_73 : memref<1x32xi32, #tpu.memory_space<vmem>> -> memref<32xi32, #tpu.memory_space<vmem>>
    %dma_start3A_75 = arith.constant 0 : i32
    %dma_start3A_76 = arith.constant 0 : i32
    %dma_start3A_77 = tpu.memref_slice %arg2[%dma_start3A_75, %dma_start3A_76] : memref<2048x1024xf32, #tpu.memory_space<hbm>> -> memref<2048x1024xf32, #tpu.memory_space<hbm>>
    tpu.enqueue_indirect_dma source(%dma_start3A_77 : memref<2048x1024xf32, #tpu.memory_space<hbm>>) target(%arg7 : memref<32x1024xf32, #tpu.memory_space<vmem>>) offsets(%dma_start3A_74 : memref<32xi32, #tpu.memory_space<vmem>>) semaphore(%arg9 : memref<!tpu.dma_semaphore, #tpu.memory_space<semaphore_mem>>)
    %dma_wait3A_78 = arith.constant 3 : i32
    %dma_wait3A_79 = arith.constant 0 : i32
    %dma_wait3A_80 = tpu.memref_slice %arg5[%dma_wait3A_78, %dma_wait3A_79] : memref<8x32xi32, #tpu.memory_space<vmem>> -> memref<1x32xi32, #tpu.memory_space<vmem>>
    %dma_wait3A_81 = tpu.memref_squeeze %dma_wait3A_80 : memref<1x32xi32, #tpu.memory_space<vmem>> -> memref<32xi32, #tpu.memory_space<vmem>>
    %dma_wait3A_82 = arith.constant 0 : i32
    %dma_wait3A_83 = arith.constant 0 : i32
    %dma_wait3A_84 = tpu.memref_slice %arg2[%dma_wait3A_82, %dma_wait3A_83] : memref<2048x1024xf32, #tpu.memory_space<hbm>> -> memref<2048x1024xf32, #tpu.memory_space<hbm>>
    tpu.wait_indirect_dma semaphore(%arg9 : memref<!tpu.dma_semaphore, #tpu.memory_space<semaphore_mem>>) src(%dma_wait3A_84 : memref<2048x1024xf32, #tpu.memory_space<hbm>>) dst(%arg7 : memref<32x1024xf32, #tpu.memory_space<vmem>>)
    %add3A_85 = arith.constant 96 : i32
    %add3A_86 = arith.addi %mul3A_2, %add3A_85 : i32
    %dma_start3A_87 = arith.constant 0 : i32
    %dma_start3A_88 = tpu.memref_slice %arg4[%add3A_86, %dma_start3A_87] : memref<8192x1024xf32, #tpu.memory_space<hbm>> -> memref<32x1024xf32, #tpu.memory_space<hbm>>
    %dma_start3A_89 = arith.constant 0 : i32
    %dma_start3A_90 = tpu.memref_slice %arg4[%add3A_86, %dma_start3A_89] : memref<8192x1024xf32, #tpu.memory_space<hbm>> -> memref<32x1024xf32, #tpu.memory_space<hbm>>
    tpu.enqueue_dma source(%arg7 : memref<32x1024xf32, #tpu.memory_space<vmem>>) target(%dma_start3A_90 : memref<32x1024xf32, #tpu.memory_space<hbm>>) target_semaphore(%arg11 : memref<!tpu.dma_semaphore, #tpu.memory_space<semaphore_mem>>)
    %dma_wait3A_91 = arith.constant 0 : i32
    %dma_wait3A_92 = tpu.memref_slice %arg4[%add3A_62, %dma_wait3A_91] : memref<8192x1024xf32, #tpu.memory_space<hbm>> -> memref<32x1024xf32, #tpu.memory_space<hbm>>
    %dma_wait3A_93 = arith.constant 0 : i32
    %dma_wait3A_94 = tpu.memref_slice %arg4[%add3A_62, %dma_wait3A_93] : memref<8192x1024xf32, #tpu.memory_space<hbm>> -> memref<32x1024xf32, #tpu.memory_space<hbm>>
    tpu.wait_dma2 semaphore(%arg10 : memref<!tpu.dma_semaphore, #tpu.memory_space<semaphore_mem>>) src(%arg6 : memref<32x1024xf32, #tpu.memory_space<vmem>>) dst(%dma_wait3A_94 : memref<32x1024xf32, #tpu.memory_space<hbm>>)
    %dma_start3A_95 = arith.constant 4 : i32
    %dma_start3A_96 = arith.constant 0 : i32
    %dma_start3A_97 = tpu.memref_slice %arg5[%dma_start3A_95, %dma_start3A_96] : memref<8x32xi32, #tpu.memory_space<vmem>> -> memref<1x32xi32, #tpu.memory_space<vmem>>
    %dma_start3A_98 = tpu.memref_squeeze %dma_start3A_97 : memref<1x32xi32, #tpu.memory_space<vmem>> -> memref<32xi32, #tpu.memory_space<vmem>>
    %dma_start3A_99 = arith.constant 0 : i32
    %dma_start3A_100 = arith.constant 0 : i32
    %dma_start3A_101 = tpu.memref_slice %arg2[%dma_start3A_99, %dma_start3A_100] : memref<2048x1024xf32, #tpu.memory_space<hbm>> -> memref<2048x1024xf32, #tpu.memory_space<hbm>>
    tpu.enqueue_indirect_dma source(%dma_start3A_101 : memref<2048x1024xf32, #tpu.memory_space<hbm>>) target(%arg6 : memref<32x1024xf32, #tpu.memory_space<vmem>>) offsets(%dma_start3A_98 : memref<32xi32, #tpu.memory_space<vmem>>) semaphore(%arg8 : memref<!tpu.dma_semaphore, #tpu.memory_space<semaphore_mem>>)
    %dma_wait3A_102 = arith.constant 4 : i32
    %dma_wait3A_103 = arith.constant 0 : i32
    %dma_wait3A_104 = tpu.memref_slice %arg5[%dma_wait3A_102, %dma_wait3A_103] : memref<8x32xi32, #tpu.memory_space<vmem>> -> memref<1x32xi32, #tpu.memory_space<vmem>>
    %dma_wait3A_105 = tpu.memref_squeeze %dma_wait3A_104 : memref<1x32xi32, #tpu.memory_space<vmem>> -> memref<32xi32, #tpu.memory_space<vmem>>
    %dma_wait3A_106 = arith.constant 0 : i32
    %dma_wait3A_107 = arith.constant 0 : i32
    %dma_wait3A_108 = tpu.memref_slice %arg2[%dma_wait3A_106, %dma_wait3A_107] : memref<2048x1024xf32, #tpu.memory_space<hbm>> -> memref<2048x1024xf32, #tpu.memory_space<hbm>>
    tpu.wait_indirect_dma semaphore(%arg8 : memref<!tpu.dma_semaphore, #tpu.memory_space<semaphore_mem>>) src(%dma_wait3A_108 : memref<2048x1024xf32, #tpu.memory_space<hbm>>) dst(%arg6 : memref<32x1024xf32, #tpu.memory_space<vmem>>)
    %add3A_109 = arith.constant 128 : i32
    %add3A_110 = arith.addi %mul3A_2, %add3A_109 : i32
    %dma_start3A_111 = arith.constant 0 : i32
    %dma_start3A_112 = tpu.memref_slice %arg4[%add3A_110, %dma_start3A_111] : memref<8192x1024xf32, #tpu.memory_space<hbm>> -> memref<32x1024xf32, #tpu.memory_space<hbm>>
    %dma_start3A_113 = arith.constant 0 : i32
    %dma_start3A_114 = tpu.memref_slice %arg4[%add3A_110, %dma_start3A_113] : memref<8192x1024xf32, #tpu.memory_space<hbm>> -> memref<32x1024xf32, #tpu.memory_space<hbm>>
    tpu.enqueue_dma source(%arg6 : memref<32x1024xf32, #tpu.memory_space<vmem>>) target(%dma_start3A_114 : memref<32x1024xf32, #tpu.memory_space<hbm>>) target_semaphore(%arg10 : memref<!tpu.dma_semaphore, #tpu.memory_space<semaphore_mem>>)
    %dma_wait3A_115 = arith.constant 0 : i32
    %dma_wait3A_116 = tpu.memref_slice %arg4[%add3A_86, %dma_wait3A_115] : memref<8192x1024xf32, #tpu.memory_space<hbm>> -> memref<32x1024xf32, #tpu.memory_space<hbm>>
    %dma_wait3A_117 = arith.constant 0 : i32
    %dma_wait3A_118 = tpu.memref_slice %arg4[%add3A_86, %dma_wait3A_117] : memref<8192x1024xf32, #tpu.memory_space<hbm>> -> memref<32x1024xf32, #tpu.memory_space<hbm>>
    tpu.wait_dma2 semaphore(%arg11 : memref<!tpu.dma_semaphore, #tpu.memory_space<semaphore_mem>>) src(%arg7 : memref<32x1024xf32, #tpu.memory_space<vmem>>) dst(%dma_wait3A_118 : memref<32x1024xf32, #tpu.memory_space<hbm>>)
    %dma_start3A_119 = arith.constant 5 : i32
    %dma_start3A_120 = arith.constant 0 : i32
    %dma_start3A_121 = tpu.memref_slice %arg5[%dma_start3A_119, %dma_start3A_120] : memref<8x32xi32, #tpu.memory_space<vmem>> -> memref<1x32xi32, #tpu.memory_space<vmem>>
    %dma_start3A_122 = tpu.memref_squeeze %dma_start3A_121 : memref<1x32xi32, #tpu.memory_space<vmem>> -> memref<32xi32, #tpu.memory_space<vmem>>
    %dma_start3A_123 = arith.constant 0 : i32
    %dma_start3A_124 = arith.constant 0 : i32
    %dma_start3A_125 = tpu.memref_slice %arg2[%dma_start3A_123, %dma_start3A_124] : memref<2048x1024xf32, #tpu.memory_space<hbm>> -> memref<2048x1024xf32, #tpu.memory_space<hbm>>
    tpu.enqueue_indirect_dma source(%dma_start3A_125 : memref<2048x1024xf32, #tpu.memory_space<hbm>>) target(%arg7 : memref<32x1024xf32, #tpu.memory_space<vmem>>) offsets(%dma_start3A_122 : memref<32xi32, #tpu.memory_space<vmem>>) semaphore(%arg9 : memref<!tpu.dma_semaphore, #tpu.memory_space<semaphore_mem>>)
    %dma_wait3A_126 = arith.constant 5 : i32
    %dma_wait3A_127 = arith.constant 0 : i32
    %dma_wait3A_128 = tpu.memref_slice %arg5[%dma_wait3A_126, %dma_wait3A_127] : memref<8x32xi32, #tpu.memory_space<vmem>> -> memref<1x32xi32, #tpu.memory_space<vmem>>
    %dma_wait3A_129 = tpu.memref_squeeze %dma_wait3A_128 : memref<1x32xi32, #tpu.memory_space<vmem>> -> memref<32xi32, #tpu.memory_space<vmem>>
    %dma_wait3A_130 = arith.constant 0 : i32
    %dma_wait3A_131 = arith.constant 0 : i32
    %dma_wait3A_132 = tpu.memref_slice %arg2[%dma_wait3A_130, %dma_wait3A_131] : memref<2048x1024xf32, #tpu.memory_space<hbm>> -> memref<2048x1024xf32, #tpu.memory_space<hbm>>
    tpu.wait_indirect_dma semaphore(%arg9 : memref<!tpu.dma_semaphore, #tpu.memory_space<semaphore_mem>>) src(%dma_wait3A_132 : memref<2048x1024xf32, #tpu.memory_space<hbm>>) dst(%arg7 : memref<32x1024xf32, #tpu.memory_space<vmem>>)
    %add3A_133 = arith.constant 160 : i32
    %add3A_134 = arith.addi %mul3A_2, %add3A_133 : i32
    %dma_start3A_135 = arith.constant 0 : i32
    %dma_start3A_136 = tpu.memref_slice %arg4[%add3A_134, %dma_start3A_135] : memref<8192x1024xf32, #tpu.memory_space<hbm>> -> memref<32x1024xf32, #tpu.memory_space<hbm>>
    %dma_start3A_137 = arith.constant 0 : i32
    %dma_start3A_138 = tpu.memref_slice %arg4[%add3A_134, %dma_start3A_137] : memref<8192x1024xf32, #tpu.memory_space<hbm>> -> memref<32x1024xf32, #tpu.memory_space<hbm>>
    tpu.enqueue_dma source(%arg7 : memref<32x1024xf32, #tpu.memory_space<vmem>>) target(%dma_start3A_138 : memref<32x1024xf32, #tpu.memory_space<hbm>>) target_semaphore(%arg11 : memref<!tpu.dma_semaphore, #tpu.memory_space<semaphore_mem>>)
    %dma_wait3A_139 = arith.constant 0 : i32
    %dma_wait3A_140 = tpu.memref_slice %arg4[%add3A_110, %dma_wait3A_139] : memref<8192x1024xf32, #tpu.memory_space<hbm>> -> memref<32x1024xf32, #tpu.memory_space<hbm>>
    %dma_wait3A_141 = arith.constant 0 : i32
    %dma_wait3A_142 = tpu.memref_slice %arg4[%add3A_110, %dma_wait3A_141] : memref<8192x1024xf32, #tpu.memory_space<hbm>> -> memref<32x1024xf32, #tpu.memory_space<hbm>>
    tpu.wait_dma2 semaphore(%arg10 : memref<!tpu.dma_semaphore, #tpu.memory_space<semaphore_mem>>) src(%arg6 : memref<32x1024xf32, #tpu.memory_space<vmem>>) dst(%dma_wait3A_142 : memref<32x1024xf32, #tpu.memory_space<hbm>>)
    %dma_start3A_143 = arith.constant 6 : i32
    %dma_start3A_144 = arith.constant 0 : i32
    %dma_start3A_145 = tpu.memref_slice %arg5[%dma_start3A_143, %dma_start3A_144] : memref<8x32xi32, #tpu.memory_space<vmem>> -> memref<1x32xi32, #tpu.memory_space<vmem>>
    %dma_start3A_146 = tpu.memref_squeeze %dma_start3A_145 : memref<1x32xi32, #tpu.memory_space<vmem>> -> memref<32xi32, #tpu.memory_space<vmem>>
    %dma_start3A_147 = arith.constant 0 : i32
    %dma_start3A_148 = arith.constant 0 : i32
    %dma_start3A_149 = tpu.memref_slice %arg2[%dma_start3A_147, %dma_start3A_148] : memref<2048x1024xf32, #tpu.memory_space<hbm>> -> memref<2048x1024xf32, #tpu.memory_space<hbm>>
    tpu.enqueue_indirect_dma source(%dma_start3A_149 : memref<2048x1024xf32, #tpu.memory_space<hbm>>) target(%arg6 : memref<32x1024xf32, #tpu.memory_space<vmem>>) offsets(%dma_start3A_146 : memref<32xi32, #tpu.memory_space<vmem>>) semaphore(%arg8 : memref<!tpu.dma_semaphore, #tpu.memory_space<semaphore_mem>>)
    %dma_wait3A_150 = arith.constant 6 : i32
    %dma_wait3A_151 = arith.constant 0 : i32
    %dma_wait3A_152 = tpu.memref_slice %arg5[%dma_wait3A_150, %dma_wait3A_151] : memref<8x32xi32, #tpu.memory_space<vmem>> -> memref<1x32xi32, #tpu.memory_space<vmem>>
    %dma_wait3A_153 = tpu.memref_squeeze %dma_wait3A_152 : memref<1x32xi32, #tpu.memory_space<vmem>> -> memref<32xi32, #tpu.memory_space<vmem>>
    %dma_wait3A_154 = arith.constant 0 : i32
    %dma_wait3A_155 = arith.constant 0 : i32
    %dma_wait3A_156 = tpu.memref_slice %arg2[%dma_wait3A_154, %dma_wait3A_155] : memref<2048x1024xf32, #tpu.memory_space<hbm>> -> memref<2048x1024xf32, #tpu.memory_space<hbm>>
    tpu.wait_indirect_dma semaphore(%arg8 : memref<!tpu.dma_semaphore, #tpu.memory_space<semaphore_mem>>) src(%dma_wait3A_156 : memref<2048x1024xf32, #tpu.memory_space<hbm>>) dst(%arg6 : memref<32x1024xf32, #tpu.memory_space<vmem>>)
    %add3A_157 = arith.constant 192 : i32
    %add3A_158 = arith.addi %mul3A_2, %add3A_157 : i32
    %dma_start3A_159 = arith.constant 0 : i32
    %dma_start3A_160 = tpu.memref_slice %arg4[%add3A_158, %dma_start3A_159] : memref<8192x1024xf32, #tpu.memory_space<hbm>> -> memref<32x1024xf32, #tpu.memory_space<hbm>>
    %dma_start3A_161 = arith.constant 0 : i32
    %dma_start3A_162 = tpu.memref_slice %arg4[%add3A_158, %dma_start3A_161] : memref<8192x1024xf32, #tpu.memory_space<hbm>> -> memref<32x1024xf32, #tpu.memory_space<hbm>>
    tpu.enqueue_dma source(%arg6 : memref<32x1024xf32, #tpu.memory_space<vmem>>) target(%dma_start3A_162 : memref<32x1024xf32, #tpu.memory_space<hbm>>) target_semaphore(%arg10 : memref<!tpu.dma_semaphore, #tpu.memory_space<semaphore_mem>>)
    %dma_wait3A_163 = arith.constant 0 : i32
    %dma_wait3A_164 = tpu.memref_slice %arg4[%add3A_134, %dma_wait3A_163] : memref<8192x1024xf32, #tpu.memory_space<hbm>> -> memref<32x1024xf32, #tpu.memory_space<hbm>>
    %dma_wait3A_165 = arith.constant 0 : i32
    %dma_wait3A_166 = tpu.memref_slice %arg4[%add3A_134, %dma_wait3A_165] : memref<8192x1024xf32, #tpu.memory_space<hbm>> -> memref<32x1024xf32, #tpu.memory_space<hbm>>
    tpu.wait_dma2 semaphore(%arg11 : memref<!tpu.dma_semaphore, #tpu.memory_space<semaphore_mem>>) src(%arg7 : memref<32x1024xf32, #tpu.memory_space<vmem>>) dst(%dma_wait3A_166 : memref<32x1024xf32, #tpu.memory_space<hbm>>)
    %dma_start3A_167 = arith.constant 7 : i32
    %dma_start3A_168 = arith.constant 0 : i32
    %dma_start3A_169 = tpu.memref_slice %arg5[%dma_start3A_167, %dma_start3A_168] : memref<8x32xi32, #tpu.memory_space<vmem>> -> memref<1x32xi32, #tpu.memory_space<vmem>>
    %dma_start3A_170 = tpu.memref_squeeze %dma_start3A_169 : memref<1x32xi32, #tpu.memory_space<vmem>> -> memref<32xi32, #tpu.memory_space<vmem>>
    %dma_start3A_171 = arith.constant 0 : i32
    %dma_start3A_172 = arith.constant 0 : i32
    %dma_start3A_173 = tpu.memref_slice %arg2[%dma_start3A_171, %dma_start3A_172] : memref<2048x1024xf32, #tpu.memory_space<hbm>> -> memref<2048x1024xf32, #tpu.memory_space<hbm>>
    tpu.enqueue_indirect_dma source(%dma_start3A_173 : memref<2048x1024xf32, #tpu.memory_space<hbm>>) target(%arg7 : memref<32x1024xf32, #tpu.memory_space<vmem>>) offsets(%dma_start3A_170 : memref<32xi32, #tpu.memory_space<vmem>>) semaphore(%arg9 : memref<!tpu.dma_semaphore, #tpu.memory_space<semaphore_mem>>)
    %dma_wait3A_174 = arith.constant 7 : i32
    %dma_wait3A_175 = arith.constant 0 : i32
    %dma_wait3A_176 = tpu.memref_slice %arg5[%dma_wait3A_174, %dma_wait3A_175] : memref<8x32xi32, #tpu.memory_space<vmem>> -> memref<1x32xi32, #tpu.memory_space<vmem>>
    %dma_wait3A_177 = tpu.memref_squeeze %dma_wait3A_176 : memref<1x32xi32, #tpu.memory_space<vmem>> -> memref<32xi32, #tpu.memory_space<vmem>>
    %dma_wait3A_178 = arith.constant 0 : i32
    %dma_wait3A_179 = arith.constant 0 : i32
    %dma_wait3A_180 = tpu.memref_slice %arg2[%dma_wait3A_178, %dma_wait3A_179] : memref<2048x1024xf32, #tpu.memory_space<hbm>> -> memref<2048x1024xf32, #tpu.memory_space<hbm>>
    tpu.wait_indirect_dma semaphore(%arg9 : memref<!tpu.dma_semaphore, #tpu.memory_space<semaphore_mem>>) src(%dma_wait3A_180 : memref<2048x1024xf32, #tpu.memory_space<hbm>>) dst(%arg7 : memref<32x1024xf32, #tpu.memory_space<vmem>>)
    %add3A_181 = arith.constant 224 : i32
    %add3A_182 = arith.addi %mul3A_2, %add3A_181 : i32
    %dma_start3A_183 = arith.constant 0 : i32
    %dma_start3A_184 = tpu.memref_slice %arg4[%add3A_182, %dma_start3A_183] : memref<8192x1024xf32, #tpu.memory_space<hbm>> -> memref<32x1024xf32, #tpu.memory_space<hbm>>
    %dma_start3A_185 = arith.constant 0 : i32
    %dma_start3A_186 = tpu.memref_slice %arg4[%add3A_182, %dma_start3A_185] : memref<8192x1024xf32, #tpu.memory_space<hbm>> -> memref<32x1024xf32, #tpu.memory_space<hbm>>
    tpu.enqueue_dma source(%arg7 : memref<32x1024xf32, #tpu.memory_space<vmem>>) target(%dma_start3A_186 : memref<32x1024xf32, #tpu.memory_space<hbm>>) target_semaphore(%arg11 : memref<!tpu.dma_semaphore, #tpu.memory_space<semaphore_mem>>)
    %dma_wait3A_187 = arith.constant 0 : i32
    %dma_wait3A_188 = tpu.memref_slice %arg4[%add3A_158, %dma_wait3A_187] : memref<8192x1024xf32, #tpu.memory_space<hbm>> -> memref<32x1024xf32, #tpu.memory_space<hbm>>
    %dma_wait3A_189 = arith.constant 0 : i32
    %dma_wait3A_190 = tpu.memref_slice %arg4[%add3A_158, %dma_wait3A_189] : memref<8192x1024xf32, #tpu.memory_space<hbm>> -> memref<32x1024xf32, #tpu.memory_space<hbm>>
    tpu.wait_dma2 semaphore(%arg10 : memref<!tpu.dma_semaphore, #tpu.memory_space<semaphore_mem>>) src(%arg6 : memref<32x1024xf32, #tpu.memory_space<vmem>>) dst(%dma_wait3A_190 : memref<32x1024xf32, #tpu.memory_space<hbm>>)
    %dma_wait3A_191 = arith.constant 0 : i32
    %dma_wait3A_192 = tpu.memref_slice %arg4[%add3A_182, %dma_wait3A_191] : memref<8192x1024xf32, #tpu.memory_space<hbm>> -> memref<32x1024xf32, #tpu.memory_space<hbm>>
    %dma_wait3A_193 = arith.constant 0 : i32
    %dma_wait3A_194 = tpu.memref_slice %arg4[%add3A_182, %dma_wait3A_193] : memref<8192x1024xf32, #tpu.memory_space<hbm>> -> memref<32x1024xf32, #tpu.memory_space<hbm>>
    tpu.wait_dma2 semaphore(%arg11 : memref<!tpu.dma_semaphore, #tpu.memory_space<semaphore_mem>>) src(%arg7 : memref<32x1024xf32, #tpu.memory_space<vmem>>) dst(%dma_wait3A_194 : memref<32x1024xf32, #tpu.memory_space<hbm>>)
    return
  }
}

module attributes {stable_mosaic.version = 14 : i64} {
  func.func @_gemm_body(%arg0: i32, %arg1: i32, %arg2: memref<16xi32, #tpu.memory_space<smem>>, %arg3: memref<1xi32, #tpu.memory_space<smem>>, %arg4: memref<512x1024xf32, #tpu.memory_space<vmem>>, %arg5: memref<1x2048x1024xf32, #tpu.memory_space<vmem>>, %arg6: memref<1x2048x1024xf32, #tpu.memory_space<vmem>>, %arg7: memref<1x1024x2048xf32, #tpu.memory_space<vmem>>, %arg8: memref<1x1x512xf32, #tpu.memory_space<vmem>>, %arg9: memref<512x1024xf32, #tpu.memory_space<vmem>>, %arg10: memref<512x1024xf32, #tpu.memory_space<vmem>>) attributes {dimension_semantics = [#tpu.dimension_semantics<arbitrary>, #tpu.dimension_semantics<arbitrary>], iteration_bounds = array<i64: 16, 1>, scalar_prefetch = 2 : i64, scratch_operands = 1 : i64, tpu.core_type = #tpu.core_type<tc>, window_params = [{transform_indices = @transform_0, window_bounds = array<i64: 512, 1024>}, {transform_indices = @transform_1, window_bounds = array<i64: 1, 2048, 1024>}, {transform_indices = @transform_2, window_bounds = array<i64: 1, 2048, 1024>}, {transform_indices = @transform_3, window_bounds = array<i64: 1, 1024, 2048>}, {transform_indices = @transform_4, window_bounds = array<i64: 1, 1, 512>}, {transform_indices = @transform_5, window_bounds = array<i64: 512, 1024>}]} {
    %get3A = arith.constant 0 : index
    %get3A_0 = memref.load %arg3[%get3A] : memref<1xi32, #tpu.memory_space<smem>>
    %lt3A = arith.cmpi slt, %arg0, %get3A_0 : i32
    %convert_element_type3A = arith.extui %lt3A : i1 to i32
    %cond3A = arith.constant 0 : i32
    %cond3A_1 = arith.cmpi ne, %convert_element_type3A, %cond3A : i32
    scf.if %cond3A_1 {
      %get3A_2 = arith.constant 0 : index
      %get3A_3 = arith.constant 0 : index
      %get3A_4 = vector.load %arg4[%get3A_2, %get3A_3] : memref<512x1024xf32, #tpu.memory_space<vmem>>, vector<512x1024xf32>
      %get3A_5 = arith.constant 0 : index
      %get3A_6 = arith.constant 0 : index
      %get3A_7 = arith.constant 0 : index
      %get3A_8 = vector.load %arg5[%get3A_5, %get3A_6, %get3A_7] : memref<1x2048x1024xf32, #tpu.memory_space<vmem>>, vector<1x2048x1024xf32>
      %get3A_9 = vector.shape_cast %get3A_8 : vector<1x2048x1024xf32> to vector<2048x1024xf32>
      %dot_general3A = arith.constant dense<0.000000e+00> : vector<512x2048xf32>
      %dot_general3A_10 = tpu.matmul %get3A_4, %get3A_9, %dot_general3A {dimension_numbers = #tpu.dot_dimension_numbers<[1], [1], [0], [0], [0, 0, 1, 0], [], []>, transpose_lhs_hint = false} : vector<512x1024xf32>, vector<2048x1024xf32>, vector<512x2048xf32> -> vector<512x2048xf32>
      %get3A_11 = arith.constant 0 : index
      %get3A_12 = arith.constant 0 : index
      %get3A_13 = arith.constant 0 : index
      %get3A_14 = vector.load %arg6[%get3A_11, %get3A_12, %get3A_13] : memref<1x2048x1024xf32, #tpu.memory_space<vmem>>, vector<1x2048x1024xf32>
      %get3A_15 = vector.shape_cast %get3A_14 : vector<1x2048x1024xf32> to vector<2048x1024xf32>
      %dot_general3A_16 = arith.constant dense<0.000000e+00> : vector<512x2048xf32>
      %dot_general3A_17 = tpu.matmul %get3A_4, %get3A_15, %dot_general3A_16 {dimension_numbers = #tpu.dot_dimension_numbers<[1], [1], [0], [0], [0, 0, 1, 0], [], []>, transpose_lhs_hint = false} : vector<512x1024xf32>, vector<2048x1024xf32>, vector<512x2048xf32> -> vector<512x2048xf32>
      %logistic3A = arith.negf %dot_general3A_10 : vector<512x2048xf32>
      %logistic3A_18 = math.exp %logistic3A : vector<512x2048xf32>
      %logistic3A_19 = arith.constant 1.000000e+00 : f32
      %logistic3A_20 = vector.broadcast %logistic3A_19 : f32 to vector<512x2048xf32>
      %logistic3A_21 = arith.addf %logistic3A_20, %logistic3A_18 : vector<512x2048xf32>
      %logistic3A_22 = arith.divf %logistic3A_20, %logistic3A_21 : vector<512x2048xf32>
      %mul3A = arith.mulf %dot_general3A_10, %logistic3A_22 : vector<512x2048xf32>
      %mul3A_23 = arith.mulf %mul3A, %dot_general3A_17 : vector<512x2048xf32>
      %get3A_24 = arith.constant 0 : index
      %get3A_25 = arith.constant 0 : index
      %get3A_26 = arith.constant 0 : index
      %get3A_27 = vector.load %arg7[%get3A_24, %get3A_25, %get3A_26] : memref<1x1024x2048xf32, #tpu.memory_space<vmem>>, vector<1x1024x2048xf32>
      %get3A_28 = vector.shape_cast %get3A_27 : vector<1x1024x2048xf32> to vector<1024x2048xf32>
      %dot_general3A_29 = arith.constant dense<0.000000e+00> : vector<512x1024xf32>
      %dot_general3A_30 = tpu.matmul %mul3A_23, %get3A_28, %dot_general3A_29 {dimension_numbers = #tpu.dot_dimension_numbers<[1], [1], [0], [0], [0, 0, 1, 0], [], []>, transpose_lhs_hint = false} : vector<512x2048xf32>, vector<1024x2048xf32>, vector<512x1024xf32> -> vector<512x1024xf32>
      %get3A_31 = arith.constant 0 : index
      %get3A_32 = arith.constant 0 : index
      %get3A_33 = arith.constant 0 : index
      %get3A_34 = vector.load %arg8[%get3A_31, %get3A_32, %get3A_33] : memref<1x1x512xf32, #tpu.memory_space<vmem>>, vector<1x1x512xf32>
      %get3A_35 = vector.shape_cast %get3A_34 : vector<1x1x512xf32> to vector<512xf32>
      %broadcast_in_dim3A = vector.shape_cast %get3A_35 : vector<512xf32> to vector<512x1xf32>
      %mul3A_36 = vector.broadcast %broadcast_in_dim3A : vector<512x1xf32> to vector<512x1024xf32>
      %mul3A_37 = arith.mulf %dot_general3A_30, %mul3A_36 : vector<512x1024xf32>
      %swap3A = arith.constant 0 : index
      %swap3A_38 = arith.constant 0 : index
      %swap3A_39 = vector.load %arg9[%swap3A, %swap3A_38] : memref<512x1024xf32, #tpu.memory_space<vmem>>, vector<512x1024xf32>
      tpu.vector_store %arg9[%swap3A, %swap3A_38], %mul3A_37 {strides = array<i32>} : memref<512x1024xf32, #tpu.memory_space<vmem>>, vector<512x1024xf32>,
    } else {
    }
    return
  }
  func.func @transform_0(%arg0: i32, %arg1: i32, %arg2: memref<16xi32, #tpu.memory_space<smem>>, %arg3: memref<1xi32, #tpu.memory_space<smem>>) -> (i32, i32) {
    %get3A = arith.constant 0 : index
    %get3A_0 = memref.load %arg3[%get3A] : memref<1xi32, #tpu.memory_space<smem>>
    %sub3A = arith.constant 1 : i32
    %sub3A_1 = arith.subi %get3A_0, %sub3A : i32
    %min3A = arith.minsi %arg0, %sub3A_1 : i32
    %c0_i32 = arith.constant 0 : i32
    %c0_i32_2 = arith.constant 0 : i32
    return %min3A, %c0_i32 : i32, i32
  }
  func.func @transform_1(%arg0: i32, %arg1: i32, %arg2: memref<16xi32, #tpu.memory_space<smem>>, %arg3: memref<1xi32, #tpu.memory_space<smem>>) -> (i32, i32, i32) {
    %get3A = arith.constant 0 : index
    %get3A_0 = memref.load %arg3[%get3A] : memref<1xi32, #tpu.memory_space<smem>>
    %sub3A = arith.constant 1 : i32
    %sub3A_1 = arith.subi %get3A_0, %sub3A : i32
    %min3A = arith.minsi %arg0, %sub3A_1 : i32
    %get3A_2 = arith.index_cast %min3A : i32 to index
    %get3A_3 = memref.load %arg2[%get3A_2] : memref<16xi32, #tpu.memory_space<smem>>
    %jit3A = arith.constant 2 : i32
    %eq3A = arith.constant 0 : i32
    %eq3A_4 = arith.cmpi eq, %jit3A, %eq3A : i32
    %jit3A_5 = arith.constant 1 : i32
    %select_n3A = arith.select %eq3A_4, %jit3A_5, %jit3A : i32
    %rem3A = arith.remsi %arg0, %select_n3A : i32
    %ne3A = arith.constant 0 : i32
    %ne3A_6 = arith.cmpi ne, %rem3A, %ne3A : i32
    %lt3A = arith.constant 0 : i32
    %lt3A_7 = arith.cmpi slt, %rem3A, %lt3A : i32
    %lt3A_8 = arith.constant 0 : i32
    %lt3A_9 = arith.cmpi slt, %select_n3A, %lt3A_8 : i32
    %ne3A_10 = arith.xori %lt3A_7, %lt3A_9 : i1
    %and3A = arith.andi %ne3A_10, %ne3A_6 : i1
    %add3A = arith.addi %rem3A, %select_n3A : i32
    %select_n3A_11 = arith.select %and3A, %add3A, %rem3A : i32
    %eq3A_12 = arith.constant 0 : i32
    %eq3A_13 = arith.cmpi eq, %select_n3A_11, %eq3A_12 : i32
    %sub3A_14 = arith.constant 0 : i32
    %sub3A_15 = arith.subi %sub3A_14, %arg1 : i32
    %select_n3A_16 = arith.select %eq3A_13, %arg1, %sub3A_15 : i32
    %get3A_17 = arith.constant 0 : index
    %get3A_18 = memref.load %arg3[%get3A_17] : memref<1xi32, #tpu.memory_space<smem>>
    %sub3A_19 = arith.constant 1 : i32
    %sub3A_20 = arith.subi %get3A_18, %sub3A_19 : i32
    %jit3A_21 = arith.constant 2 : i32
    %eq3A_22 = arith.constant 0 : i32
    %eq3A_23 = arith.cmpi eq, %jit3A_21, %eq3A_22 : i32
    %jit3A_24 = arith.constant 1 : i32
    %select_n3A_25 = arith.select %eq3A_23, %jit3A_24, %jit3A_21 : i32
    %rem3A_26 = arith.remsi %sub3A_20, %select_n3A_25 : i32
    %ne3A_27 = arith.constant 0 : i32
    %ne3A_28 = arith.cmpi ne, %rem3A_26, %ne3A_27 : i32
    %lt3A_29 = arith.constant 0 : i32
    %lt3A_30 = arith.cmpi slt, %rem3A_26, %lt3A_29 : i32
    %lt3A_31 = arith.constant 0 : i32
    %lt3A_32 = arith.cmpi slt, %select_n3A_25, %lt3A_31 : i32
    %ne3A_33 = arith.xori %lt3A_30, %lt3A_32 : i1
    %and3A_34 = arith.andi %ne3A_33, %ne3A_28 : i1
    %add3A_35 = arith.addi %rem3A_26, %select_n3A_25 : i32
    %select_n3A_36 = arith.select %and3A_34, %add3A_35, %rem3A_26 : i32
    %eq3A_37 = arith.constant 0 : i32
    %eq3A_38 = arith.cmpi eq, %select_n3A_36, %eq3A_37 : i32
    %jit3A_39 = arith.constant 0 : i32
    %jit3A_40 = arith.constant 0 : i32
    %select_n3A_41 = arith.select %eq3A_38, %jit3A_39, %jit3A_40 : i32
    %get3A_42 = arith.constant 0 : index
    %get3A_43 = memref.load %arg3[%get3A_42] : memref<1xi32, #tpu.memory_space<smem>>
    %lt3A_44 = arith.cmpi slt, %arg0, %get3A_43 : i32
    %select_n3A_45 = arith.select %lt3A_44, %select_n3A_16, %select_n3A_41 : i32
    %c0_i32 = arith.constant 0 : i32
    %c0_i32_46 = arith.constant 0 : i32
    return %get3A_3, %select_n3A_45, %c0_i32 : i32, i32, i32
  }
  func.func @transform_2(%arg0: i32, %arg1: i32, %arg2: memref<16xi32, #tpu.memory_space<smem>>, %arg3: memref<1xi32, #tpu.memory_space<smem>>) -> (i32, i32, i32) {
    %get3A = arith.constant 0 : index
    %get3A_0 = memref.load %arg3[%get3A] : memref<1xi32, #tpu.memory_space<smem>>
    %sub3A = arith.constant 1 : i32
    %sub3A_1 = arith.subi %get3A_0, %sub3A : i32
    %min3A = arith.minsi %arg0, %sub3A_1 : i32
    %get3A_2 = arith.index_cast %min3A : i32 to index
    %get3A_3 = memref.load %arg2[%get3A_2] : memref<16xi32, #tpu.memory_space<smem>>
    %jit3A = arith.constant 2 : i32
    %eq3A = arith.constant 0 : i32
    %eq3A_4 = arith.cmpi eq, %jit3A, %eq3A : i32
    %jit3A_5 = arith.constant 1 : i32
    %select_n3A = arith.select %eq3A_4, %jit3A_5, %jit3A : i32
    %rem3A = arith.remsi %arg0, %select_n3A : i32
    %ne3A = arith.constant 0 : i32
    %ne3A_6 = arith.cmpi ne, %rem3A, %ne3A : i32
    %lt3A = arith.constant 0 : i32
    %lt3A_7 = arith.cmpi slt, %rem3A, %lt3A : i32
    %lt3A_8 = arith.constant 0 : i32
    %lt3A_9 = arith.cmpi slt, %select_n3A, %lt3A_8 : i32
    %ne3A_10 = arith.xori %lt3A_7, %lt3A_9 : i1
    %and3A = arith.andi %ne3A_10, %ne3A_6 : i1
    %add3A = arith.addi %rem3A, %select_n3A : i32
    %select_n3A_11 = arith.select %and3A, %add3A, %rem3A : i32
    %eq3A_12 = arith.constant 0 : i32
    %eq3A_13 = arith.cmpi eq, %select_n3A_11, %eq3A_12 : i32
    %sub3A_14 = arith.constant 0 : i32
    %sub3A_15 = arith.subi %sub3A_14, %arg1 : i32
    %select_n3A_16 = arith.select %eq3A_13, %arg1, %sub3A_15 : i32
    %get3A_17 = arith.constant 0 : index
    %get3A_18 = memref.load %arg3[%get3A_17] : memref<1xi32, #tpu.memory_space<smem>>
    %sub3A_19 = arith.constant 1 : i32
    %sub3A_20 = arith.subi %get3A_18, %sub3A_19 : i32
    %jit3A_21 = arith.constant 2 : i32
    %eq3A_22 = arith.constant 0 : i32
    %eq3A_23 = arith.cmpi eq, %jit3A_21, %eq3A_22 : i32
    %jit3A_24 = arith.constant 1 : i32
    %select_n3A_25 = arith.select %eq3A_23, %jit3A_24, %jit3A_21 : i32
    %rem3A_26 = arith.remsi %sub3A_20, %select_n3A_25 : i32
    %ne3A_27 = arith.constant 0 : i32
    %ne3A_28 = arith.cmpi ne, %rem3A_26, %ne3A_27 : i32
    %lt3A_29 = arith.constant 0 : i32
    %lt3A_30 = arith.cmpi slt, %rem3A_26, %lt3A_29 : i32
    %lt3A_31 = arith.constant 0 : i32
    %lt3A_32 = arith.cmpi slt, %select_n3A_25, %lt3A_31 : i32
    %ne3A_33 = arith.xori %lt3A_30, %lt3A_32 : i1
    %and3A_34 = arith.andi %ne3A_33, %ne3A_28 : i1
    %add3A_35 = arith.addi %rem3A_26, %select_n3A_25 : i32
    %select_n3A_36 = arith.select %and3A_34, %add3A_35, %rem3A_26 : i32
    %eq3A_37 = arith.constant 0 : i32
    %eq3A_38 = arith.cmpi eq, %select_n3A_36, %eq3A_37 : i32
    %jit3A_39 = arith.constant 0 : i32
    %jit3A_40 = arith.constant 0 : i32
    %select_n3A_41 = arith.select %eq3A_38, %jit3A_39, %jit3A_40 : i32
    %get3A_42 = arith.constant 0 : index
    %get3A_43 = memref.load %arg3[%get3A_42] : memref<1xi32, #tpu.memory_space<smem>>
    %lt3A_44 = arith.cmpi slt, %arg0, %get3A_43 : i32
    %select_n3A_45 = arith.select %lt3A_44, %select_n3A_16, %select_n3A_41 : i32
    %c0_i32 = arith.constant 0 : i32
    %c0_i32_46 = arith.constant 0 : i32
    return %get3A_3, %select_n3A_45, %c0_i32 : i32, i32, i32
  }
  func.func @transform_3(%arg0: i32, %arg1: i32, %arg2: memref<16xi32, #tpu.memory_space<smem>>, %arg3: memref<1xi32, #tpu.memory_space<smem>>) -> (i32, i32, i32) {
    %get3A = arith.constant 0 : index
    %get3A_0 = memref.load %arg3[%get3A] : memref<1xi32, #tpu.memory_space<smem>>
    %sub3A = arith.constant 1 : i32
    %sub3A_1 = arith.subi %get3A_0, %sub3A : i32
    %min3A = arith.minsi %arg0, %sub3A_1 : i32
    %get3A_2 = arith.index_cast %min3A : i32 to index
    %get3A_3 = memref.load %arg2[%get3A_2] : memref<16xi32, #tpu.memory_space<smem>>
    %jit3A = arith.constant 2 : i32
    %eq3A = arith.constant 0 : i32
    %eq3A_4 = arith.cmpi eq, %jit3A, %eq3A : i32
    %jit3A_5 = arith.constant 1 : i32
    %select_n3A = arith.select %eq3A_4, %jit3A_5, %jit3A : i32
    %rem3A = arith.remsi %arg0, %select_n3A : i32
    %ne3A = arith.constant 0 : i32
    %ne3A_6 = arith.cmpi ne, %rem3A, %ne3A : i32
    %lt3A = arith.constant 0 : i32
    %lt3A_7 = arith.cmpi slt, %rem3A, %lt3A : i32
    %lt3A_8 = arith.constant 0 : i32
    %lt3A_9 = arith.cmpi slt, %select_n3A, %lt3A_8 : i32
    %ne3A_10 = arith.xori %lt3A_7, %lt3A_9 : i1
    %and3A = arith.andi %ne3A_10, %ne3A_6 : i1
    %add3A = arith.addi %rem3A, %select_n3A : i32
    %select_n3A_11 = arith.select %and3A, %add3A, %rem3A : i32
    %eq3A_12 = arith.constant 0 : i32
    %eq3A_13 = arith.cmpi eq, %select_n3A_11, %eq3A_12 : i32
    %sub3A_14 = arith.constant 0 : i32
    %sub3A_15 = arith.subi %sub3A_14, %arg1 : i32
    %select_n3A_16 = arith.select %eq3A_13, %arg1, %sub3A_15 : i32
    %get3A_17 = arith.constant 0 : index
    %get3A_18 = memref.load %arg3[%get3A_17] : memref<1xi32, #tpu.memory_space<smem>>
    %sub3A_19 = arith.constant 1 : i32
    %sub3A_20 = arith.subi %get3A_18, %sub3A_19 : i32
    %jit3A_21 = arith.constant 2 : i32
    %eq3A_22 = arith.constant 0 : i32
    %eq3A_23 = arith.cmpi eq, %jit3A_21, %eq3A_22 : i32
    %jit3A_24 = arith.constant 1 : i32
    %select_n3A_25 = arith.select %eq3A_23, %jit3A_24, %jit3A_21 : i32
    %rem3A_26 = arith.remsi %sub3A_20, %select_n3A_25 : i32
    %ne3A_27 = arith.constant 0 : i32
    %ne3A_28 = arith.cmpi ne, %rem3A_26, %ne3A_27 : i32
    %lt3A_29 = arith.constant 0 : i32
    %lt3A_30 = arith.cmpi slt, %rem3A_26, %lt3A_29 : i32
    %lt3A_31 = arith.constant 0 : i32
    %lt3A_32 = arith.cmpi slt, %select_n3A_25, %lt3A_31 : i32
    %ne3A_33 = arith.xori %lt3A_30, %lt3A_32 : i1
    %and3A_34 = arith.andi %ne3A_33, %ne3A_28 : i1
    %add3A_35 = arith.addi %rem3A_26, %select_n3A_25 : i32
    %select_n3A_36 = arith.select %and3A_34, %add3A_35, %rem3A_26 : i32
    %eq3A_37 = arith.constant 0 : i32
    %eq3A_38 = arith.cmpi eq, %select_n3A_36, %eq3A_37 : i32
    %jit3A_39 = arith.constant 0 : i32
    %jit3A_40 = arith.constant 0 : i32
    %select_n3A_41 = arith.select %eq3A_38, %jit3A_39, %jit3A_40 : i32
    %get3A_42 = arith.constant 0 : index
    %get3A_43 = memref.load %arg3[%get3A_42] : memref<1xi32, #tpu.memory_space<smem>>
    %lt3A_44 = arith.cmpi slt, %arg0, %get3A_43 : i32
    %select_n3A_45 = arith.select %lt3A_44, %select_n3A_16, %select_n3A_41 : i32
    %c0_i32 = arith.constant 0 : i32
    %c0_i32_46 = arith.constant 0 : i32
    return %get3A_3, %c0_i32, %select_n3A_45 : i32, i32, i32
  }
  func.func @transform_4(%arg0: i32, %arg1: i32, %arg2: memref<16xi32, #tpu.memory_space<smem>>, %arg3: memref<1xi32, #tpu.memory_space<smem>>) -> (i32, i32, i32) {
    %get3A = arith.constant 0 : index
    %get3A_0 = memref.load %arg3[%get3A] : memref<1xi32, #tpu.memory_space<smem>>
    %sub3A = arith.constant 1 : i32
    %sub3A_1 = arith.subi %get3A_0, %sub3A : i32
    %min3A = arith.minsi %arg0, %sub3A_1 : i32
    %c0_i32 = arith.constant 0 : i32
    %c0_i32_2 = arith.constant 0 : i32
    %c0_i32_3 = arith.constant 0 : i32
    return %min3A, %c0_i32, %c0_i32_2 : i32, i32, i32
  }
  func.func @transform_5(%arg0: i32, %arg1: i32, %arg2: memref<16xi32, #tpu.memory_space<smem>>, %arg3: memref<1xi32, #tpu.memory_space<smem>>) -> (i32, i32) {
    %get3A = arith.constant 0 : index
    %get3A_0 = memref.load %arg3[%get3A] : memref<1xi32, #tpu.memory_space<smem>>
    %sub3A = arith.constant 1 : i32
    %sub3A_1 = arith.subi %get3A_0, %sub3A : i32
    %min3A = arith.minsi %arg0, %sub3A_1 : i32
    %c0_i32 = arith.constant 0 : i32
    %c0_i32_2 = arith.constant 0 : i32
    return %min3A, %c0_i32 : i32, i32
  }
}

</mosaic_0001>

<sc_bundles>
// kernel: kernel.5.cloned.1.call-start
scs
__scs_entry_jumppad:
0x0: {  	(pc) =	sbr.rel $0x88, $3  }
0x1: {  	(tag) =	ssettag $0x0;
	lr =	simm.s32 $0x1  }
0x2: {  	[smem:$0x3F9C] =	sst lr;
	_ =	strace $0xD0000000  }
0x3: {  	_ = 	snop  }
0x4: {  	_ = 	snop  }
0x5: {  	_ = 	snop  }
0x6: {  	_ = 	snop  }
0x7: {  	_ = 	snop  }
__scs_overlays_trampoline_lowered:
0x8: {  	[smem:$0x3FAB] =	sst s0  }
0x9: {  	[smem:$0x3FAC] =	sst s1  }
0xa: {  	[smem:$0x3FAD] =	sst s2  }
0xb: {  	[smem:$0x3FAE] =	sst s3  }
0xc: {  	[smem:$0x3FAF] =	sst s4  }
0xd: {  	[smem:$0x3FB0] =	sst s5  }
0xe: {  	[smem:$0x3FB1] =	sst s6  }
0xf: {  	[smem:$0x3FB2] =	sst s7  }
0x10: {  	[smem:$0x3FB3] =	sst s8  }
0x11: {  	[smem:$0x3FB4] =	sst s9;
	s0 =	simm.s32 @!p0 $0x0  }
0x12: {  	s1 =	sld [smem:$0x3F9A];
	s0 =	simm.s32 @p0 $0x1  }
0x13: {  	[smem:$0x3FB5] =	sst s0;
	s0 =	simm.s32 @!p1 $0x0  }
0x14: {  	s2 =	sld [smem:$0x3F99];
	s0 =	simm.s32 @p1 $0x1  }
0x15: {  	[smem:$0x3FB6] =	sst s0;
	s0 =	simm.s32 @!p2 $0x0  }
0x16: {  	s3 =	sld [smem:$0x3FDB];
	s0 =	simm.s32 @p2 $0x1  }
0x17: {  	s4 =	simm.s32 $0x1BF5;
	[smem:$0x3FB8] =	sst s0  }
0x18: {  	s0 =	sld [smem:$0x3F9B];
	_ =	swait.ge [sflag:s4], $0x0  }
0x19: {  	s7 =	sld [smem:$0x3F9C]  }
0x1a: {  	s8 =	sadd.s32 $0xFFFFE003, lr  }
0x1b: {  	s9 =	sadd.s32 $0xFFFFFEF7, lr;
	s5 =	simm.s32 $0xFFFFFFFF;
	p2 =	slt.u32 s8, $0xFFFFF086  }
0x1c: {  	p1 =	slt.u32 s9, $0xF7A;
	s5 =	simm.s32 @!p2 $0x0  }
0x1d: {  	s5 =	simm.s32 @p1 $0x1;
	p0 =	seq.s32 s7, s2  }
0x1e: {  	s7 =	smul.u32 @!p0 $0xF7A, s2;
	p2 =	seq.s32 @!p0 s5, $0x0  }
0x1f: {  	s9 =	smul.u32 $0xF7A, s1;
	s8 =	simm.s32 @!p0 $0x1BF5;
	p2 =	por !p2, p0  }
0x20: {  	[sflag:s8] =	ssyncset.s32 @!p0 $0xFFFFF086;
	s6 =	sadd.s32 @!p0 s3, s7;
	s7 =	simm.s32 @!p0 $0x108  }
0x21: {  	s3 =	sadd.s32 s3, s9;
	s6 =	sadd.s32 @!p0 $0x88, s6;
	s7 =	simm.s32 @p2 $0x1082  }
0x22: {  	[simem:s7], [sflag:s8] =	dma.local @!p0 [hbm:s6], $0xF7A  }
0x23: {  	s9 =	sor.u32 $0xD0000000, s2;
	s6 =	simm.s32 $0x108;
	_ =	swait.ge @!p0 [sflag:s8], $0x0  }
0x24: {  	s3 =	sadd.s32 $0x88, s3;
	s6 =	simm.s32 @!p1 $0x1082;
	[sflag:s4] =	ssyncset.s32 $0xFFFFF086  }
0x25: {  	[simem:s6], [sflag:s4] =	dma.local [hbm:s3], $0xF7A  }
0x26: {  	[smem:$0x3F9C] =	sst s1;
	(tag) =	ssettag s2;
	_ =	strace s9  }
0x27: {  	s1 =	sld [smem:$0x3FAC]  }
0x28: {  	s2 =	sld [smem:$0x3FAD]  }
0x29: {  	s4 =	sld [smem:$0x3FAF]  }
0x2a: {  	p0 =	seq.s32 s5, $0x0;
	s5 =	sld [smem:$0x3FB0]  }
0x2b: {  	s6 =	sld [smem:$0x3FB1]  }
0x2c: {  	s7 =	sld [smem:$0x3FB2]  }
0x2d: {  	s3 =	simm.s32 $0x108;
	s8 =	sld [smem:$0x3FB3]  }
0x2e: {  	s3 =	simm.s32 @!p0 $0x1082;
	s9 =	sld [smem:$0x3FB4]  }
0x2f: {  	lr =	sadd.s32 s0, s3;
	s0 =	sld [smem:$0x3FAB]  }
0x30: {  	s3 =	sld [smem:$0x3FAE]  }
0x31: {  	[smem:$0x3FB7] =	sst s10  }
0x32: {  	s10 =	sld [smem:$0x3FB5];
	_ =	sdelay $0x3  }
0x33: {  	p0 =	seq.s32 s10, $0x1;
	s10 =	sld [smem:$0x3FB7];
	_ =	sdelay $0x3  }
0x34: {  	[smem:$0x3FB7] =	sst s10  }
0x35: {  	s10 =	sld [smem:$0x3FB6];
	_ =	sdelay $0x3  }
0x36: {  	p1 =	seq.s32 s10, $0x1;
	s10 =	sld [smem:$0x3FB7];
	_ =	sdelay $0x3  }
0x37: {  	[smem:$0x3FB7] =	sst s10  }
0x38: {  	s10 =	sld [smem:$0x3FB8]  }
0x39: {  	_ = 	snop;
	(pc) =	sbr.ind lr, $3  }
0x3a: {  	_ = 	snop  }
0x3b: {  	_ = 	snop  }
0x3c: {  	p2 =	seq.s32 s10, $0x1;
	s10 =	sld [smem:$0x3FB7]  }
0x3d: {  	_ =	shalt  }
0x3e: {  	_ =	shalt  }
0x3f: {  	_ =	shalt  }
0x40: {  	_ =	shalt  }
0x41: {  	_ =	shalt  }
0x42: {  	_ =	shalt  }
0x43: {  	_ =	shalt  }
0x44: {  	_ =	shalt  }
0x45: {  	_ =	shalt  }
0x46: {  	_ =	shalt  }
0x47: {  	_ =	shalt  }
0x48: {  	_ =	shalt  }
0x49: {  	_ =	shalt  }
0x4a: {  	_ =	shalt  }
0x4b: {  	_ =	shalt  }
0x4c: {  	_ =	shalt  }
0x4d: {  	_ =	shalt  }
0x4e: {  	_ =	shalt  }
0x4f: {  	_ =	shalt  }
0x50: {  	_ =	shalt  }
0x51: {  	_ =	shalt  }
0x52: {  	_ =	shalt  }
0x53: {  	_ =	shalt  }
0x54: {  	_ =	shalt  }
0x55: {  	_ =	shalt  }
0x56: {  	_ =	shalt  }
0x57: {  	_ =	shalt  }
0x58: {  	_ =	shalt  }
0x59: {  	_ =	shalt  }
0x5a: {  	_ =	shalt  }
0x5b: {  	_ =	shalt  }
0x5c: {  	_ =	shalt  }
0x5d: {  	_ =	shalt  }
0x5e: {  	_ =	shalt  }
0x5f: {  	_ =	shalt  }
0x60: {  	_ =	shalt  }
0x61: {  	_ =	shalt  }
0x62: {  	_ =	shalt  }
0x63: {  	_ =	shalt  }
0x64: {  	_ =	shalt  }
0x65: {  	_ =	shalt  }
0x66: {  	_ =	shalt  }
0x67: {  	_ =	shalt  }
0x68: {  	_ =	shalt  }
0x69: {  	_ =	shalt  }
0x6a: {  	_ =	shalt  }
0x6b: {  	_ =	shalt  }
0x6c: {  	_ =	shalt  }
0x6d: {  	_ =	shalt  }
0x6e: {  	_ =	shalt  }
0x6f: {  	_ =	shalt  }
0x70: {  	_ =	shalt  }
0x71: {  	_ =	shalt  }
0x72: {  	_ =	shalt  }
0x73: {  	_ =	shalt  }
0x74: {  	_ =	shalt  }
0x75: {  	_ =	shalt  }
0x76: {  	_ =	shalt  }
0x77: {  	_ =	shalt  }
0x78: {  	_ =	shalt  }
0x79: {  	_ =	shalt  }
0x7a: {  	_ =	shalt  }
0x7b: {  	_ =	shalt  }
0x7c: {  	_ =	shalt  }
0x7d: {  	_ =	shalt  }
0x7e: {  	_ =	shalt  }
0x7f: {  	_ =	shalt  }
0x80: {  	_ =	shalt  }
0x81: {  	_ =	shalt  }
0x82: {  	_ =	shalt  }
0x83: {  	_ =	shalt  }
0x84: {  	_ =	shalt  }
0x85: {  	_ =	shalt  }
0x86: {  	_ =	shalt  }
0x87: {  	_ =	shalt  }
.Lfunc_end0:
.L_simem_size_0:
called_computation_lowered:
.L_overlay_start_0:
0x88: {  	s2 =	sld [smem:$0x3FD9]  }
0x89: {  	s3 =	sld [smem:$0x3FFE];
	_ =	sdelay $0x1  }
0x8a: {  	s1 =	srdreg.scid  }
0x8b: {  	s0 =	sand.u32 $0x1, s1  }
0x8c: {  	s17 =	sshll.u32 s0, $0xA;
	s2 =	sadd.s32 s3, s2  }
0x8d: {  	s2 =	sadd.s32 s2, s17  }
0x8e: {  	[smem:$0x3FC3] =	sst s2  }
0x8f: {  	_ = 	snop  }
0x90: {  	s2 =	sld [smem:$0x3FC9]  }
0x91: {  	s18 =	sld [smem:$0x3FD0];
	(tm) =	ssettm $0x1  }
0x92: {  	s4 =	sld [smem:$0x3FFB];
	_ =	sdelay $0x3  }
0x93: {  	_ =	strace s4  }
0x94: {  	s4 =	sld [smem:$0x3FFC];
	_ =	sdelay $0x3  }
0x95: {  	_ =	strace s4  }
0x96: {  	s4 =	sld [smem:$0x3FFD];
	_ =	sdelay $0x3  }
0x97: {  	_ =	strace s4  }
0x98: {  	_ =	strace $0x8FFFFFFF  }
0x99: {  	s19 =	sld [smem:$0x3FDB];
	_ =	sdelay $0x1  }
0x9a: {  	s5 =	simm.s32 $_scs_section_size  }
0x9b: {  	s6 =	simm.s32 $_size__tile_overlayer_lowered;
	s7 =	simm.s32 $_tile_overlayer_lowered  }
0x9c: {  	s22 =	simm.s32 $0x1BFF;
	s21 =	sshll.u32 s7, $0x1;
	s4 =	sadd.s32 s5, s19  }
0x9d: {  	s8 =	simm.s32 $0x0;
	s20 =	sshll.u32 s6, $0x1;
	s6 =	sadd.s32 s21, s4  }
0x9e: {  	[timem:s8], [sflag:s22] =	dma.local [hbm:s6], s20  }
0x9f: {  	_ =	swait.ge [sflag:s22], s20  }
0xa0: {  	s5 =	ssub.s32 $0x0, s20;
	[sflag:s22] =	ssyncset.done $0x0  }
0xa1: {  	[sflag:s22] =	ssyncadd.s32 s5;
	_ =	sdelay $0x1  }
0xa2: {  	s23 =	simm.s32 $0x1B8B  }
0xa3: {  	_ =	swait.ge [sflag:s23], $0x1  }
0xa4: {  	[sflag:s23] =	ssyncset.done $0x0  }
0xa5: {  	s25 =	simm.s32 $0x1B8E;
	s24 =	sld [smem:$0x3FFE];
	[sflag:s23] =	ssyncadd.s32 $0xFFFFFFFF  }
0xa6: {  	s26 =	simm.s32 $execute0_lowered;
	[smem:$0x3FD2] =	sst s25  }
0xa7: {  	s6 =	sshll.u32 s26, $0x1;
	_ =	strace $0x80000046;
	[dreg:$0x1] =	wrdreg $0xFFFFFFFF  }
0xa8: {  	s28 =	simm.s32 $_size_execute0_lowered;
	s4 =	sadd.s32 s4, s6;
	[dreg:$0x0] =	wrdreg $0x0  }
0xa9: {  	s6 =	sshll.u32 s28, $0x1;
	[dreg:$0x2] =	wrdreg s4  }
0xaa: {  	[dreg:$0x3] =	wrdreg s6  }
0xab: {  	[dreg:$0x4] =	wrdreg $0xC0  }
0xac: {  	_ =	task [dreg:s8], $0x5FFFF  }
0xad: {  	[dreg:$0x1] =	wrdreg $0xFFFFFFFF  }
0xae: {  	[dreg:$0x0] =	wrdreg $0x60  }
0xaf: {  	[dreg:$0x2] =	wrdreg s2  }
0xb0: {  	[dreg:$0x3] =	wrdreg s18  }
0xb1: {  	[dreg:$0x4] =	wrdreg s24  }
0xb2: {  	[dreg:$0x5] =	wrdreg $0x9  }
0xb3: {  	_ =	task.clear_ibuf [dreg:s8], $0x6FFFF;
	_ =	strace $0x90000046  }
0xb4: {  	s29 =	simm.s32 $0x9;
	_ =	strace $0x80000048  }
0xb5: {  	_ =	swait.ge [sflag:s29], $0x1  }
0xb6: {  	[sflag:s29] =	ssyncadd.s32 $0xFFFFFFFF  }
0xb7: {  	_ =	strace $0x90000048  }
0xb8: {  	_ =	sfence  }
0xb9: {  	s30 =	sld [smem:$0x0];
	_ =	sdelay $0x2  }
0xba: {  	s31 =	sshll.u32 s1, $0xD;
	s1 =	sshrl.u32 s1, $0x2  }
0xbb: {  	s3 =	sand.u32 $0x4000, s31;
	s1 =	sadd.s32 s1, s30  }
0xbc: {  	s0 =	sor.u32 s3, s0;
	s1 =	sshll.u32 s1, $0x11  }
0xbd: {  	s0 =	sor.u32 s1, s0  }
0xbe: {  	s0 =	sadd.s32 $0x8F2B, s0  }
0xbf: {  	[sflag:s0] =	ssyncadd.remote.s32 $0x1  }
0xc0: {  	_ =	sfence.sel $0xFFFF  }
0xc1: {  	[dreg:$0x0] =	wrdreg $0xFFFFFFFF;
	(pc) =	sbr.abs _section_cstart, $3  }
0xc2: {  	[dreg:$0x1] =	wrdreg $0xFFFFFFFF  }
0xc3: {  	_ =	task.clear_ibuf [dreg:s8], $0x2FFFF;
	_ =	strace $0x9FFFFFFF  }
0xc4: {  	(tm) =	ssettm $0x7FFFFFFF  }
0xc5: {  	_ =	shalt  }
tec
execute0_lowered:
.L_overlay_start_1:
0x0: {  	(tag) =	ssettag $0x1  }
0x1: {  	s1 =	rddreg [dreg:$0x0]  }
0x2: {  	s0 =	rddreg [dreg:$0x1];
	s2 =	srdreg.scid  }
0x3: {  	s3 =	stileid.u32;
	s4 =	rddreg [dreg:$0x2];
	s29 =	simm.s32 $0x400  }
0x4: {  	s18 =	simm.s32 $0x2;
	s2 =	sand.u32 $0x1, s2;
	s5 =	sshll.u32 s3, $0x1  }
0x5: {  	s19 =	simm.s32 $0x3;
	s20 =	simm.s32 $0x4;
	s5 =	sor.u32 s2, s5  }
0x6: {  	s3 =	simm.s32 $0x0;
	s6 =	sshll.u32 s5, $0xF;
	s5 =	sshll.u32 s5, $0x7  }
0x7: {  	[smem:$0x7FF] =	sst s3;
	s7 =	sadd.s32 s6, s4;
	s0 =	sadd.s32 s0, s5  }
0x8: {  	_ =	strace $0x80000047;
	[dreg:$0x4] =	wrdreg s0;
	s21 =	sadd.s32 $0x200, s7  }
0x9: {  	s2 =	ssub.s32 $0x2, s2;
	s22 =	sadd.s32 $0x1200, s7;
	[dreg:$0x5] =	wrdreg s21  }
0xa: {  	s24 =	sshrl.u32 s2, $0x1;
	s23 =	sadd.s32 $0x2200, s7;
	[dreg:$0x6] =	wrdreg s22  }
0xb: {  	s2 =	ssub.s32 s2, s24;
	s25 =	sadd.s32 $0x3200, s7;
	[dreg:$0x7] =	wrdreg s23  }
0xc: {  	s4 =	sadd.s32 $0x100, s1;
	s26 =	sadd.s32 $0x4200, s7;
	[dreg:$0x8] =	wrdreg s25  }
0xd: {  	s5 =	sadd.s32 $0x200, s1;
	s28 =	sadd.s32 $0x5200, s7;
	[dreg:$0x9] =	wrdreg s26  }
0xe: {  	v2 =	vlaneseq.u32;
	s6 =	sadd.s32 $0x300, s1;
	s30 =	sadd.s32 $0x6200, s7;
	[dreg:$0xa] =	wrdreg s28  }
0xf: {  	vm0 =	vmmov $0xffff;
	v1 =	vshrl.u32 v2, $0x3;
	s31 =	sadd.s32 $0x7200, s7;
	s7 =	smax.u32 s2, $0x1;
	[dreg:$0xb] =	wrdreg s30  }
0x10: {  	v0 =	vand.u32 $0x7, v2;
	v2 =	vor.u32 $0x8, v2;
	v1 =	vmul.u32 $0x8, v1;
	[dreg:$0xc] =	wrdreg s31;
	s25 =	simm.s32 $0x1;
	s26 =	simm.s32 $0x8400  }
.LBB2_1:
0x11: {  	s21 =	rddreg [dreg:$0x4];
	s13 =	simm.s32 $0x5  }
0x12: {  	[tilespmem:s3], [sflag:$0x5] =	stream.linear.gather [hbm4b:s21+s3], $0x400, $0x38;
	[tilespmem:$0x10400] =	vst v63  }
0x13: {  	_ =	swait.ge [sflag:s13], $0x400  }
0x14: {  	[sflag:s13] =	ssyncset.done $0x0  }
0x15: {  	[sflag:s13] =	ssyncadd.s32 $0xFFFFFC00  }
0x16: {  	v3 =	vld [tilespmem:$0x0];
	_ =	sdelay $0x4  }
0x17: {  	v4 =	vshll.u32 v3, $0x3  }
0x18: {  	v3 =	vand.u32 $0x7, v3;
	v4 =	vand.u32 $0xFFFFFFC0, v4  }
0x19: {  	v3 =	vor.u32 v3, v4  }
0x1a: {  	v4 =	vperm.xlane v3, v0;
	_ =	sdelay $0x1  }
0x1b: {  	v4 =	vadd.s32 v1, v4;
	_ =	sdelay $0x4  }
0x1c: {  	[tilespmem:s29], [sflag:$0x1] =	stream.indirect_vreg.gather [hbm4b:s1+s3], $0x80, v4, vm0, $0xb8;
	[tilespmem:$0x10400] =	vst v63  }
0x1d: {  	s0 =	simm.s32 $0xC00;
	v3 =	vperm.xlane v3, v2  }
0x1e: {  	[tilespmem:s0], [sflag:$0x1] =	stream.indirect_vreg.gather [hbm4b:s4+s3], $0x80, v4, vm0, $0xb8;
	[tilespmem:$0x10400] =	vst v63  }
0x1f: {  	s14 =	simm.s32 $0x1400;
	v3 =	vadd.s32 v1, v3  }
0x20: {  	[tilespmem:s14], [sflag:$0x1] =	stream.indirect_vreg.gather [hbm4b:s5+s3], $0x80, v4, vm0, $0xb8;
	[tilespmem:$0x10400] =	vst v63  }
0x21: {  	s15 =	simm.s32 $0x1C00  }
0x22: {  	[tilespmem:s15], [sflag:$0x1] =	stream.indirect_vreg.gather [hbm4b:s6+s3], $0x80, v4, vm0, $0xb8;
	[tilespmem:$0x10400] =	vst v63  }
0x23: {  	s16 =	simm.s32 $0x2400  }
0x24: {  	[tilespmem:s16], [sflag:$0x1] =	stream.indirect_vreg.gather [hbm4b:s1+s3], $0x80, v3, vm0, $0xb8;
	[tilespmem:$0x10400] =	vst v63  }
0x25: {  	s17 =	simm.s32 $0x2C00  }
0x26: {  	[tilespmem:s17], [sflag:$0x1] =	stream.indirect_vreg.gather [hbm4b:s4+s3], $0x80, v3, vm0, $0xb8;
	[tilespmem:$0x10400] =	vst v63  }
0x27: {  	s21 =	simm.s32 $0x3400  }
0x28: {  	[tilespmem:s21], [sflag:$0x1] =	stream.indirect_vreg.gather [hbm4b:s5+s3], $0x80, v3, vm0, $0xb8;
	[tilespmem:$0x10400] =	vst v63  }
0x29: {  	s22 =	simm.s32 $0x3C00  }
0x2a: {  	[tilespmem:s22], [sflag:$0x1] =	stream.indirect_vreg.gather [hbm4b:s6+s3], $0x80, v3, vm0, $0xb8;
	[tilespmem:$0x10400] =	vst v63  }
0x2b: {  	v3 =	vld [tilespmem:$0x10];
	_ =	sdelay $0x4  }
0x2c: {  	v49 =	vshll.u32 v3, $0x3  }
0x2d: {  	v3 =	vand.u32 $0x7, v3;
	v4 =	vand.u32 $0xFFFFFFC0, v49  }
0x2e: {  	v3 =	vor.u32 v3, v4  }
0x2f: {  	v4 =	vperm.xlane v3, v0;
	_ =	sdelay $0x1  }
0x30: {  	v4 =	vadd.s32 v1, v4;
	_ =	sdelay $0x3  }
0x31: {  	s23 =	simm.s32 $0x4400  }
0x32: {  	[tilespmem:s23], [sflag:$0x1] =	stream.indirect_vreg.gather [hbm4b:s1+s3], $0x80, v4, vm0, $0xb8;
	[tilespmem:$0x10400] =	vst v63  }
0x33: {  	s24 =	simm.s32 $0x4C00;
	v3 =	vperm.xlane v3, v2  }
0x34: {  	[tilespmem:s24], [sflag:$0x1] =	stream.indirect_vreg.gather [hbm4b:s4+s3], $0x80, v4, vm0, $0xb8;
	[tilespmem:$0x10400] =	vst v63  }
0x35: {  	s28 =	simm.s32 $0x5400;
	v3 =	vadd.s32 v1, v3  }
0x36: {  	[tilespmem:s28], [sflag:$0x1] =	stream.indirect_vreg.gather [hbm4b:s5+s3], $0x80, v4, vm0, $0xb8;
	[tilespmem:$0x10400] =	vst v63  }
0x37: {  	s30 =	simm.s32 $0x5C00  }
0x38: {  	[tilespmem:s30], [sflag:$0x1] =	stream.indirect_vreg.gather [hbm4b:s6+s3], $0x80, v4, vm0, $0xb8;
	[tilespmem:$0x10400] =	vst v63  }
0x39: {  	s31 =	simm.s32 $0x6400  }
0x3a: {  	[tilespmem:s31], [sflag:$0x1] =	stream.indirect_vreg.gather [hbm4b:s1+s3], $0x80, v3, vm0, $0xb8;
	[tilespmem:$0x10400] =	vst v63  }
0x3b: {  	s9 =	simm.s32 $0x6C00  }
0x3c: {  	[tilespmem:s9], [sflag:$0x1] =	stream.indirect_vreg.gather [hbm4b:s4+s3], $0x80, v3, vm0, $0xb8;
	[tilespmem:$0x10400] =	vst v63  }
0x3d: {  	s15 =	simm.s32 $0x7400  }
0x3e: {  	[tilespmem:s15], [sflag:$0x1] =	stream.indirect_vreg.gather [hbm4b:s5+s3], $0x80, v3, vm0, $0xb8;
	[tilespmem:$0x10400] =	vst v63  }
0x3f: {  	s16 =	simm.s32 $0x7C00  }
0x40: {  	[tilespmem:s16], [sflag:$0x1] =	stream.indirect_vreg.gather [hbm4b:s6+s3], $0x80, v3, vm0, $0xb8;
	[tilespmem:$0x10400] =	vst v63  }
0x41: {  	_ =	swait.ge [sflag:s25], $0x8000  }
0x42: {  	[sflag:s25] =	ssyncset.done $0x0  }
0x43: {  	s17 =	rddreg [dreg:$0x5];
	[sflag:s25] =	ssyncadd.s32 $0xFFFF8000  }
0x44: {  	[hbm4b:s17+s3] =	stream.linear.scatter [tilespmem:s29], [sflag:$0x3], $0x8000, $0x38;
	[tilespmem:$0x10400] =	vst v63  }
0x45: {  	v3 =	vld [tilespmem:$0x80];
	_ =	sdelay $0x4  }
0x46: {  	v50 =	vshll.u32 v3, $0x3  }
0x47: {  	v3 =	vand.u32 $0x7, v3;
	v4 =	vand.u32 $0xFFFFFFC0, v50  }
0x48: {  	v3 =	vor.u32 v3, v4  }
0x49: {  	v4 =	vperm.xlane v3, v0;
	_ =	sdelay $0x1  }
0x4a: {  	v4 =	vadd.s32 v1, v4;
	_ =	sdelay $0x4  }
0x4b: {  	[tilespmem:s26], [sflag:$0x2] =	stream.indirect_vreg.gather [hbm4b:s1+s3], $0x80, v4, vm0, $0xb8;
	[tilespmem:$0x10400] =	vst v63  }
0x4c: {  	s21 =	simm.s32 $0x8C00;
	v3 =	vperm.xlane v3, v2  }
0x4d: {  	[tilespmem:s21], [sflag:$0x2] =	stream.indirect_vreg.gather [hbm4b:s4+s3], $0x80, v4, vm0, $0xb8;
	[tilespmem:$0x10400] =	vst v63  }
0x4e: {  	s22 =	simm.s32 $0x9400;
	v3 =	vadd.s32 v1, v3  }
0x4f: {  	[tilespmem:s22], [sflag:$0x2] =	stream.indirect_vreg.gather [hbm4b:s5+s3], $0x80, v4, vm0, $0xb8;
	[tilespmem:$0x10400] =	vst v63  }
0x50: {  	s23 =	simm.s32 $0x9C00  }
0x51: {  	[tilespmem:s23], [sflag:$0x2] =	stream.indirect_vreg.gather [hbm4b:s6+s3], $0x80, v4, vm0, $0xb8;
	[tilespmem:$0x10400] =	vst v63  }
0x52: {  	s24 =	simm.s32 $0xA400  }
0x53: {  	[tilespmem:s24], [sflag:$0x2] =	stream.indirect_vreg.gather [hbm4b:s1+s3], $0x80, v3, vm0, $0xb8;
	[tilespmem:$0x10400] =	vst v63  }
0x54: {  	s28 =	simm.s32 $0xAC00  }
0x55: {  	[tilespmem:s28], [sflag:$0x2] =	stream.indirect_vreg.gather [hbm4b:s4+s3], $0x80, v3, vm0, $0xb8;
	[tilespmem:$0x10400] =	vst v63  }
0x56: {  	s30 =	simm.s32 $0xB400  }
0x57: {  	[tilespmem:s30], [sflag:$0x2] =	stream.indirect_vreg.gather [hbm4b:s5+s3], $0x80, v3, vm0, $0xb8;
	[tilespmem:$0x10400] =	vst v63  }
0x58: {  	s31 =	simm.s32 $0xBC00  }
0x59: {  	[tilespmem:s31], [sflag:$0x2] =	stream.indirect_vreg.gather [hbm4b:s6+s3], $0x80, v3, vm0, $0xb8;
	[tilespmem:$0x10400] =	vst v63  }
0x5a: {  	v3 =	vld [tilespmem:$0x90];
	_ =	sdelay $0x4  }
0x5b: {  	v51 =	vshll.u32 v3, $0x3  }
0x5c: {  	v3 =	vand.u32 $0x7, v3;
	v4 =	vand.u32 $0xFFFFFFC0, v51  }
0x5d: {  	v3 =	vor.u32 v3, v4  }
0x5e: {  	v4 =	vperm.xlane v3, v0;
	_ =	sdelay $0x1  }
0x5f: {  	v4 =	vadd.s32 v1, v4;
	_ =	sdelay $0x3  }
0x60: {  	s0 =	simm.s32 $0xC400  }
0x61: {  	[tilespmem:s0], [sflag:$0x2] =	stream.indirect_vreg.gather [hbm4b:s1+s3], $0x80, v4, vm0, $0xb8;
	[tilespmem:$0x10400] =	vst v63  }
0x62: {  	s9 =	simm.s32 $0xCC00;
	v3 =	vperm.xlane v3, v2  }
0x63: {  	[tilespmem:s9], [sflag:$0x2] =	stream.indirect_vreg.gather [hbm4b:s4+s3], $0x80, v4, vm0, $0xb8;
	[tilespmem:$0x10400] =	vst v63  }
0x64: {  	s15 =	simm.s32 $0xD400;
	v3 =	vadd.s32 v1, v3  }
0x65: {  	[tilespmem:s15], [sflag:$0x2] =	stream.indirect_vreg.gather [hbm4b:s5+s3], $0x80, v4, vm0, $0xb8;
	[tilespmem:$0x10400] =	vst v63  }
0x66: {  	s23 =	simm.s32 $0xDC00  }
0x67: {  	[tilespmem:s23], [sflag:$0x2] =	stream.indirect_vreg.gather [hbm4b:s6+s3], $0x80, v4, vm0, $0xb8;
	[tilespmem:$0x10400] =	vst v63  }
0x68: {  	s0 =	simm.s32 $0xE400  }
0x69: {  	[tilespmem:s0], [sflag:$0x2] =	stream.indirect_vreg.gather [hbm4b:s1+s3], $0x80, v3, vm0, $0xb8;
	[tilespmem:$0x10400] =	vst v63  }
0x6a: {  	s9 =	simm.s32 $0xEC00  }
0x6b: {  	[tilespmem:s9], [sflag:$0x2] =	stream.indirect_vreg.gather [hbm4b:s4+s3], $0x80, v3, vm0, $0xb8;
	[tilespmem:$0x10400] =	vst v63  }
0x6c: {  	s15 =	simm.s32 $0xF400  }
0x6d: {  	[tilespmem:s15], [sflag:$0x2] =	stream.indirect_vreg.gather [hbm4b:s5+s3], $0x80, v3, vm0, $0xb8;
	[tilespmem:$0x10400] =	vst v63  }
0x6e: {  	s23 =	simm.s32 $0xFC00  }
0x6f: {  	[tilespmem:s23], [sflag:$0x2] =	stream.indirect_vreg.gather [hbm4b:s6+s3], $0x80, v3, vm0, $0xb8;
	[tilespmem:$0x10400] =	vst v63  }
0x70: {  	_ =	swait.ge [sflag:s18], $0x8000  }
0x71: {  	[sflag:s18] =	ssyncset.done $0x0  }
0x72: {  	s0 =	rddreg [dreg:$0x6];
	[sflag:s18] =	ssyncadd.s32 $0xFFFF8000  }
0x73: {  	[hbm4b:s0+s3] =	stream.linear.scatter [tilespmem:s26], [sflag:$0x4], $0x8000, $0x38;
	[tilespmem:$0x10400] =	vst v63  }
0x74: {  	_ =	swait.ge [sflag:s19], $0x8000  }
0x75: {  	[sflag:s19] =	ssyncset.done $0x0  }
0x76: {  	[sflag:s19] =	ssyncadd.s32 $0xFFFF8000  }
0x77: {  	v3 =	vld [tilespmem:$0x100];
	_ =	sdelay $0x4  }
0x78: {  	v52 =	vshll.u32 v3, $0x3  }
0x79: {  	v3 =	vand.u32 $0x7, v3;
	v4 =	vand.u32 $0xFFFFFFC0, v52  }
0x7a: {  	v3 =	vor.u32 v3, v4  }
0x7b: {  	v4 =	vperm.xlane v3, v0;
	_ =	sdelay $0x1  }
0x7c: {  	v4 =	vadd.s32 v1, v4;
	_ =	sdelay $0x4  }
0x7d: {  	[tilespmem:s29], [sflag:$0x1] =	stream.indirect_vreg.gather [hbm4b:s1+s3], $0x80, v4, vm0, $0xb8;
	[tilespmem:$0x10400] =	vst v63  }
0x7e: {  	s8 =	simm.s32 $0xC00;
	v3 =	vperm.xlane v3, v2  }
0x7f: {  	[tilespmem:s8], [sflag:$0x1] =	stream.indirect_vreg.gather [hbm4b:s4+s3], $0x80, v4, vm0, $0xb8;
	[tilespmem:$0x10400] =	vst v63  }
0x80: {  	s2 =	simm.s32 $0x1400;
	v3 =	vadd.s32 v1, v3  }
0x81: {  	[tilespmem:s2], [sflag:$0x1] =	stream.indirect_vreg.gather [hbm4b:s5+s3], $0x80, v4, vm0, $0xb8;
	[tilespmem:$0x10400] =	vst v63  }
0x82: {  	s9 =	simm.s32 $0x1C00  }
0x83: {  	[tilespmem:s9], [sflag:$0x1] =	stream.indirect_vreg.gather [hbm4b:s6+s3], $0x80, v4, vm0, $0xb8;
	[tilespmem:$0x10400] =	vst v63  }
0x84: {  	s8 =	simm.s32 $0x2400  }
0x85: {  	[tilespmem:s8], [sflag:$0x1] =	stream.indirect_vreg.gather [hbm4b:s1+s3], $0x80, v3, vm0, $0xb8;
	[tilespmem:$0x10400] =	vst v63  }
0x86: {  	s10 =	simm.s32 $0x2C00  }
0x87: {  	[tilespmem:s10], [sflag:$0x1] =	stream.indirect_vreg.gather [hbm4b:s4+s3], $0x80, v3, vm0, $0xb8;
	[tilespmem:$0x10400] =	vst v63  }
0x88: {  	s11 =	simm.s32 $0x3400  }
0x89: {  	[tilespmem:s11], [sflag:$0x1] =	stream.indirect_vreg.gather [hbm4b:s5+s3], $0x80, v3, vm0, $0xb8;
	[tilespmem:$0x10400] =	vst v63  }
0x8a: {  	s14 =	simm.s32 $0x3C00  }
0x8b: {  	[tilespmem:s14], [sflag:$0x1] =	stream.indirect_vreg.gather [hbm4b:s6+s3], $0x80, v3, vm0, $0xb8;
	[tilespmem:$0x10400] =	vst v63  }
0x8c: {  	v3 =	vld [tilespmem:$0x110];
	_ =	sdelay $0x4  }
0x8d: {  	v53 =	vshll.u32 v3, $0x3  }
0x8e: {  	v3 =	vand.u32 $0x7, v3;
	v4 =	vand.u32 $0xFFFFFFC0, v53  }
0x8f: {  	v3 =	vor.u32 v3, v4  }
0x90: {  	v4 =	vperm.xlane v3, v0;
	_ =	sdelay $0x1  }
0x91: {  	v4 =	vadd.s32 v1, v4;
	_ =	sdelay $0x3  }
0x92: {  	s12 =	simm.s32 $0x4400  }
0x93: {  	[tilespmem:s12], [sflag:$0x1] =	stream.indirect_vreg.gather [hbm4b:s1+s3], $0x80, v4, vm0, $0xb8;
	[tilespmem:$0x10400] =	vst v63  }
0x94: {  	s13 =	simm.s32 $0x4C00;
	v3 =	vperm.xlane v3, v2  }
0x95: {  	[tilespmem:s13], [sflag:$0x1] =	stream.indirect_vreg.gather [hbm4b:s4+s3], $0x80, v4, vm0, $0xb8;
	[tilespmem:$0x10400] =	vst v63  }
0x96: {  	s10 =	simm.s32 $0x5400;
	v3 =	vadd.s32 v1, v3  }
0x97: {  	[tilespmem:s10], [sflag:$0x1] =	stream.indirect_vreg.gather [hbm4b:s5+s3], $0x80, v4, vm0, $0xb8;
	[tilespmem:$0x10400] =	vst v63  }
0x98: {  	s11 =	simm.s32 $0x5C00  }
0x99: {  	[tilespmem:s11], [sflag:$0x1] =	stream.indirect_vreg.gather [hbm4b:s6+s3], $0x80, v4, vm0, $0xb8;
	[tilespmem:$0x10400] =	vst v63  }
0x9a: {  	s12 =	simm.s32 $0x6400  }
0x9b: {  	[tilespmem:s12], [sflag:$0x1] =	stream.indirect_vreg.gather [hbm4b:s1+s3], $0x80, v3, vm0, $0xb8;
	[tilespmem:$0x10400] =	vst v63  }
0x9c: {  	s13 =	simm.s32 $0x6C00  }
0x9d: {  	[tilespmem:s13], [sflag:$0x1] =	stream.indirect_vreg.gather [hbm4b:s4+s3], $0x80, v3, vm0, $0xb8;
	[tilespmem:$0x10400] =	vst v63  }
0x9e: {  	s14 =	simm.s32 $0x7400  }
0x9f: {  	[tilespmem:s14], [sflag:$0x1] =	stream.indirect_vreg.gather [hbm4b:s5+s3], $0x80, v3, vm0, $0xb8;
	[tilespmem:$0x10400] =	vst v63  }
0xa0: {  	s15 =	simm.s32 $0x7C00  }
0xa1: {  	[tilespmem:s15], [sflag:$0x1] =	stream.indirect_vreg.gather [hbm4b:s6+s3], $0x80, v3, vm0, $0xb8;
	[tilespmem:$0x10400] =	vst v63  }
0xa2: {  	_ =	swait.ge [sflag:s25], $0x8000  }
0xa3: {  	[sflag:s25] =	ssyncset.done $0x0  }
0xa4: {  	s2 =	rddreg [dreg:$0x7];
	[sflag:s25] =	ssyncadd.s32 $0xFFFF8000  }
0xa5: {  	[hbm4b:s2+s3] =	stream.linear.scatter [tilespmem:s29], [sflag:$0x3], $0x8000, $0x38;
	[tilespmem:$0x10400] =	vst v63  }
0xa6: {  	_ =	swait.ge [sflag:s20], $0x8000  }
0xa7: {  	[sflag:s20] =	ssyncset.done $0x0  }
0xa8: {  	[sflag:s20] =	ssyncadd.s32 $0xFFFF8000  }
0xa9: {  	v3 =	vld [tilespmem:$0x180];
	_ =	sdelay $0x4  }
0xaa: {  	v54 =	vshll.u32 v3, $0x3  }
0xab: {  	v3 =	vand.u32 $0x7, v3;
	v4 =	vand.u32 $0xFFFFFFC0, v54  }
0xac: {  	v3 =	vor.u32 v3, v4  }
0xad: {  	v4 =	vperm.xlane v3, v0;
	_ =	sdelay $0x1  }
0xae: {  	v4 =	vadd.s32 v1, v4;
	_ =	sdelay $0x4  }
0xaf: {  	[tilespmem:s26], [sflag:$0x2] =	stream.indirect_vreg.gather [hbm4b:s1+s3], $0x80, v4, vm0, $0xb8;
	[tilespmem:$0x10400] =	vst v63  }
0xb0: {  	s2 =	simm.s32 $0x8C00;
	v3 =	vperm.xlane v3, v2  }
0xb1: {  	[tilespmem:s2], [sflag:$0x2] =	stream.indirect_vreg.gather [hbm4b:s4+s3], $0x80, v4, vm0, $0xb8;
	[tilespmem:$0x10400] =	vst v63  }
0xb2: {  	s0 =	simm.s32 $0x9400;
	v3 =	vadd.s32 v1, v3  }
0xb3: {  	[tilespmem:s0], [sflag:$0x2] =	stream.indirect_vreg.gather [hbm4b:s5+s3], $0x80, v4, vm0, $0xb8;
	[tilespmem:$0x10400] =	vst v63  }
0xb4: {  	s21 =	simm.s32 $0x9C00  }
0xb5: {  	[tilespmem:s21], [sflag:$0x2] =	stream.indirect_vreg.gather [hbm4b:s6+s3], $0x80, v4, vm0, $0xb8;
	[tilespmem:$0x10400] =	vst v63  }
0xb6: {  	s24 =	simm.s32 $0xA400  }
0xb7: {  	[tilespmem:s24], [sflag:$0x2] =	stream.indirect_vreg.gather [hbm4b:s1+s3], $0x80, v3, vm0, $0xb8;
	[tilespmem:$0x10400] =	vst v63  }
0xb8: {  	s28 =	simm.s32 $0xAC00  }
0xb9: {  	[tilespmem:s28], [sflag:$0x2] =	stream.indirect_vreg.gather [hbm4b:s4+s3], $0x80, v3, vm0, $0xb8;
	[tilespmem:$0x10400] =	vst v63  }
0xba: {  	s30 =	simm.s32 $0xB400  }
0xbb: {  	[tilespmem:s30], [sflag:$0x2] =	stream.indirect_vreg.gather [hbm4b:s5+s3], $0x80, v3, vm0, $0xb8;
	[tilespmem:$0x10400] =	vst v63  }
0xbc: {  	s16 =	simm.s32 $0xBC00  }
0xbd: {  	[tilespmem:s16], [sflag:$0x2] =	stream.indirect_vreg.gather [hbm4b:s6+s3], $0x80, v3, vm0, $0xb8;
	[tilespmem:$0x10400] =	vst v63  }
0xbe: {  	v3 =	vld [tilespmem:$0x190];
	_ =	sdelay $0x4  }
0xbf: {  	v55 =	vshll.u32 v3, $0x3  }
0xc0: {  	v3 =	vand.u32 $0x7, v3;
	v4 =	vand.u32 $0xFFFFFFC0, v55  }
0xc1: {  	v3 =	vor.u32 v3, v4  }
0xc2: {  	v4 =	vperm.xlane v3, v0;
	_ =	sdelay $0x1  }
0xc3: {  	v4 =	vadd.s32 v1, v4;
	_ =	sdelay $0x3  }
0xc4: {  	s17 =	simm.s32 $0xC400  }
0xc5: {  	[tilespmem:s17], [sflag:$0x2] =	stream.indirect_vreg.gather [hbm4b:s1+s3], $0x80, v4, vm0, $0xb8;
	[tilespmem:$0x10400] =	vst v63  }
0xc6: {  	s22 =	simm.s32 $0xCC00;
	v3 =	vperm.xlane v3, v2  }
0xc7: {  	[tilespmem:s22], [sflag:$0x2] =	stream.indirect_vreg.gather [hbm4b:s4+s3], $0x80, v4, vm0, $0xb8;
	[tilespmem:$0x10400] =	vst v63  }
0xc8: {  	s31 =	simm.s32 $0xD400;
	v3 =	vadd.s32 v1, v3  }
0xc9: {  	[tilespmem:s31], [sflag:$0x2] =	stream.indirect_vreg.gather [hbm4b:s5+s3], $0x80, v4, vm0, $0xb8;
	[tilespmem:$0x10400] =	vst v63  }
0xca: {  	s22 =	simm.s32 $0xDC00  }
0xcb: {  	[tilespmem:s22], [sflag:$0x2] =	stream.indirect_vreg.gather [hbm4b:s6+s3], $0x80, v4, vm0, $0xb8;
	[tilespmem:$0x10400] =	vst v63  }
0xcc: {  	s31 =	simm.s32 $0xE400  }
0xcd: {  	[tilespmem:s31], [sflag:$0x2] =	stream.indirect_vreg.gather [hbm4b:s1+s3], $0x80, v3, vm0, $0xb8;
	[tilespmem:$0x10400] =	vst v63  }
0xce: {  	s22 =	simm.s32 $0xEC00  }
0xcf: {  	[tilespmem:s22], [sflag:$0x2] =	stream.indirect_vreg.gather [hbm4b:s4+s3], $0x80, v3, vm0, $0xb8;
	[tilespmem:$0x10400] =	vst v63  }
0xd0: {  	s21 =	simm.s32 $0xF400  }
0xd1: {  	[tilespmem:s21], [sflag:$0x2] =	stream.indirect_vreg.gather [hbm4b:s5+s3], $0x80, v3, vm0, $0xb8;
	[tilespmem:$0x10400] =	vst v63  }
0xd2: {  	s23 =	simm.s32 $0xFC00  }
0xd3: {  	[tilespmem:s23], [sflag:$0x2] =	stream.indirect_vreg.gather [hbm4b:s6+s3], $0x80, v3, vm0, $0xb8;
	[tilespmem:$0x10400] =	vst v63  }
0xd4: {  	_ =	swait.ge [sflag:s18], $0x8000  }
0xd5: {  	[sflag:s18] =	ssyncset.done $0x0  }
0xd6: {  	s23 =	rddreg [dreg:$0x8];
	[sflag:s18] =	ssyncadd.s32 $0xFFFF8000  }
0xd7: {  	[hbm4b:s23+s3] =	stream.linear.scatter [tilespmem:s26], [sflag:$0x4], $0x8000, $0x38;
	[tilespmem:$0x10400] =	vst v63  }
0xd8: {  	_ =	swait.ge [sflag:s19], $0x8000  }
0xd9: {  	[sflag:s19] =	ssyncset.done $0x0  }
0xda: {  	[sflag:s19] =	ssyncadd.s32 $0xFFFF8000  }
0xdb: {  	v3 =	vld [tilespmem:$0x200];
	_ =	sdelay $0x4  }
0xdc: {  	v56 =	vshll.u32 v3, $0x3  }
0xdd: {  	v3 =	vand.u32 $0x7, v3;
	v4 =	vand.u32 $0xFFFFFFC0, v56  }
0xde: {  	v3 =	vor.u32 v3, v4  }
0xdf: {  	v4 =	vperm.xlane v3, v0;
	_ =	sdelay $0x1  }
0xe0: {  	v4 =	vadd.s32 v1, v4;
	_ =	sdelay $0x4  }
0xe1: {  	[tilespmem:s29], [sflag:$0x1] =	stream.indirect_vreg.gather [hbm4b:s1+s3], $0x80, v4, vm0, $0xb8;
	[tilespmem:$0x10400] =	vst v63  }
0xe2: {  	s23 =	simm.s32 $0xC00;
	v3 =	vperm.xlane v3, v2  }
0xe3: {  	[tilespmem:s23], [sflag:$0x1] =	stream.indirect_vreg.gather [hbm4b:s4+s3], $0x80, v4, vm0, $0xb8;
	[tilespmem:$0x10400] =	vst v63  }
0xe4: {  	v3 =	vadd.s32 v1, v3;
	s23 =	simm.s32 $0x1400  }
0xe5: {  	[tilespmem:s23], [sflag:$0x1] =	stream.indirect_vreg.gather [hbm4b:s5+s3], $0x80, v4, vm0, $0xb8;
	[tilespmem:$0x10400] =	vst v63  }
0xe6: {  	_ = 	snop  }
0xe7: {  	[tilespmem:s9], [sflag:$0x1] =	stream.indirect_vreg.gather [hbm4b:s6+s3], $0x80, v4, vm0, $0xb8;
	[tilespmem:$0x10400] =	vst v63  }
0xe8: {  	_ = 	snop  }
0xe9: {  	[tilespmem:s8], [sflag:$0x1] =	stream.indirect_vreg.gather [hbm4b:s1+s3], $0x80, v3, vm0, $0xb8;
	[tilespmem:$0x10400] =	vst v63  }
0xea: {  	s23 =	simm.s32 $0x2C00  }
0xeb: {  	[tilespmem:s23], [sflag:$0x1] =	stream.indirect_vreg.gather [hbm4b:s4+s3], $0x80, v3, vm0, $0xb8;
	[tilespmem:$0x10400] =	vst v63  }
0xec: {  	s23 =	simm.s32 $0x3400  }
0xed: {  	[tilespmem:s23], [sflag:$0x1] =	stream.indirect_vreg.gather [hbm4b:s5+s3], $0x80, v3, vm0, $0xb8;
	[tilespmem:$0x10400] =	vst v63  }
0xee: {  	s23 =	simm.s32 $0x3C00  }
0xef: {  	[tilespmem:s23], [sflag:$0x1] =	stream.indirect_vreg.gather [hbm4b:s6+s3], $0x80, v3, vm0, $0xb8;
	[tilespmem:$0x10400] =	vst v63  }
0xf0: {  	v3 =	vld [tilespmem:$0x210];
	_ =	sdelay $0x4  }
0xf1: {  	v57 =	vshll.u32 v3, $0x3  }
0xf2: {  	v3 =	vand.u32 $0x7, v3;
	v4 =	vand.u32 $0xFFFFFFC0, v57  }
0xf3: {  	v3 =	vor.u32 v3, v4  }
0xf4: {  	v4 =	vperm.xlane v3, v0;
	_ =	sdelay $0x1  }
0xf5: {  	v4 =	vadd.s32 v1, v4;
	_ =	sdelay $0x3  }
0xf6: {  	s23 =	simm.s32 $0x4400  }
0xf7: {  	[tilespmem:s23], [sflag:$0x1] =	stream.indirect_vreg.gather [hbm4b:s1+s3], $0x80, v4, vm0, $0xb8;
	[tilespmem:$0x10400] =	vst v63  }
0xf8: {  	v3 =	vperm.xlane v3, v2;
	s23 =	simm.s32 $0x4C00  }
0xf9: {  	[tilespmem:s23], [sflag:$0x1] =	stream.indirect_vreg.gather [hbm4b:s4+s3], $0x80, v4, vm0, $0xb8;
	[tilespmem:$0x10400] =	vst v63  }
0xfa: {  	v3 =	vadd.s32 v1, v3  }
0xfb: {  	[tilespmem:s10], [sflag:$0x1] =	stream.indirect_vreg.gather [hbm4b:s5+s3], $0x80, v4, vm0, $0xb8;
	[tilespmem:$0x10400] =	vst v63  }
0xfc: {  	_ = 	snop  }
0xfd: {  	[tilespmem:s11], [sflag:$0x1] =	stream.indirect_vreg.gather [hbm4b:s6+s3], $0x80, v4, vm0, $0xb8;
	[tilespmem:$0x10400] =	vst v63  }
0xfe: {  	_ = 	snop  }
0xff: {  	[tilespmem:s12], [sflag:$0x1] =	stream.indirect_vreg.gather [hbm4b:s1+s3], $0x80, v3, vm0, $0xb8;
	[tilespmem:$0x10400] =	vst v63  }
0x100: {  	_ = 	snop  }
0x101: {  	[tilespmem:s13], [sflag:$0x1] =	stream.indirect_vreg.gather [hbm4b:s4+s3], $0x80, v3, vm0, $0xb8;
	[tilespmem:$0x10400] =	vst v63  }
0x102: {  	_ = 	snop  }
0x103: {  	[tilespmem:s14], [sflag:$0x1] =	stream.indirect_vreg.gather [hbm4b:s5+s3], $0x80, v3, vm0, $0xb8;
	[tilespmem:$0x10400] =	vst v63  }
0x104: {  	_ = 	snop  }
0x105: {  	[tilespmem:s15], [sflag:$0x1] =	stream.indirect_vreg.gather [hbm4b:s6+s3], $0x80, v3, vm0, $0xb8;
	[tilespmem:$0x10400] =	vst v63  }
0x106: {  	_ =	swait.ge [sflag:s25], $0x8000  }
0x107: {  	[sflag:s25] =	ssyncset.done $0x0  }
0x108: {  	s23 =	rddreg [dreg:$0x9];
	[sflag:s25] =	ssyncadd.s32 $0xFFFF8000  }
0x109: {  	[hbm4b:s23+s3] =	stream.linear.scatter [tilespmem:s29], [sflag:$0x3], $0x8000, $0x38;
	[tilespmem:$0x10400] =	vst v63  }
0x10a: {  	_ =	swait.ge [sflag:s20], $0x8000  }
0x10b: {  	[sflag:s20] =	ssyncset.done $0x0  }
0x10c: {  	[sflag:s20] =	ssyncadd.s32 $0xFFFF8000  }
0x10d: {  	v3 =	vld [tilespmem:$0x280];
	_ =	sdelay $0x4  }
0x10e: {  	v58 =	vshll.u32 v3, $0x3  }
0x10f: {  	v3 =	vand.u32 $0x7, v3;
	v4 =	vand.u32 $0xFFFFFFC0, v58  }
0x110: {  	v3 =	vor.u32 v3, v4  }
0x111: {  	v4 =	vperm.xlane v3, v0;
	_ =	sdelay $0x1  }
0x112: {  	v4 =	vadd.s32 v1, v4;
	_ =	sdelay $0x4  }
0x113: {  	[tilespmem:s26], [sflag:$0x2] =	stream.indirect_vreg.gather [hbm4b:s1+s3], $0x80, v4, vm0, $0xb8;
	[tilespmem:$0x10400] =	vst v63  }
0x114: {  	v3 =	vperm.xlane v3, v2  }
0x115: {  	[tilespmem:s2], [sflag:$0x2] =	stream.indirect_vreg.gather [hbm4b:s4+s3], $0x80, v4, vm0, $0xb8;
	[tilespmem:$0x10400] =	vst v63  }
0x116: {  	v3 =	vadd.s32 v1, v3  }
0x117: {  	[tilespmem:s0], [sflag:$0x2] =	stream.indirect_vreg.gather [hbm4b:s5+s3], $0x80, v4, vm0, $0xb8;
	[tilespmem:$0x10400] =	vst v63  }
0x118: {  	s23 =	simm.s32 $0x9C00  }
0x119: {  	[tilespmem:s23], [sflag:$0x2] =	stream.indirect_vreg.gather [hbm4b:s6+s3], $0x80, v4, vm0, $0xb8;
	[tilespmem:$0x10400] =	vst v63  }
0x11a: {  	s24 =	simm.s32 $0xA400  }
0x11b: {  	[tilespmem:s24], [sflag:$0x2] =	stream.indirect_vreg.gather [hbm4b:s1+s3], $0x80, v3, vm0, $0xb8;
	[tilespmem:$0x10400] =	vst v63  }
0x11c: {  	s28 =	simm.s32 $0xAC00  }
0x11d: {  	[tilespmem:s28], [sflag:$0x2] =	stream.indirect_vreg.gather [hbm4b:s4+s3], $0x80, v3, vm0, $0xb8;
	[tilespmem:$0x10400] =	vst v63  }
0x11e: {  	s30 =	simm.s32 $0xB400  }
0x11f: {  	[tilespmem:s30], [sflag:$0x2] =	stream.indirect_vreg.gather [hbm4b:s5+s3], $0x80, v3, vm0, $0xb8;
	[tilespmem:$0x10400] =	vst v63  }
0x120: {  	s30 =	simm.s32 $0xBC00  }
0x121: {  	[tilespmem:s30], [sflag:$0x2] =	stream.indirect_vreg.gather [hbm4b:s6+s3], $0x80, v3, vm0, $0xb8;
	[tilespmem:$0x10400] =	vst v63  }
0x122: {  	v3 =	vld [tilespmem:$0x290];
	_ =	sdelay $0x4  }
0x123: {  	v59 =	vshll.u32 v3, $0x3  }
0x124: {  	v3 =	vand.u32 $0x7, v3;
	v4 =	vand.u32 $0xFFFFFFC0, v59  }
0x125: {  	v3 =	vor.u32 v3, v4  }
0x126: {  	v4 =	vperm.xlane v3, v0;
	_ =	sdelay $0x1  }
0x127: {  	v4 =	vadd.s32 v1, v4;
	_ =	sdelay $0x3  }
0x128: {  	s30 =	simm.s32 $0xC400  }
0x129: {  	[tilespmem:s30], [sflag:$0x2] =	stream.indirect_vreg.gather [hbm4b:s1+s3], $0x80, v4, vm0, $0xb8;
	[tilespmem:$0x10400] =	vst v63  }
0x12a: {  	v3 =	vperm.xlane v3, v2;
	s30 =	simm.s32 $0xCC00  }
0x12b: {  	[tilespmem:s30], [sflag:$0x2] =	stream.indirect_vreg.gather [hbm4b:s4+s3], $0x80, v4, vm0, $0xb8;
	[tilespmem:$0x10400] =	vst v63  }
0x12c: {  	s16 =	simm.s32 $0xD400;
	v3 =	vadd.s32 v1, v3  }
0x12d: {  	[tilespmem:s16], [sflag:$0x2] =	stream.indirect_vreg.gather [hbm4b:s5+s3], $0x80, v4, vm0, $0xb8;
	[tilespmem:$0x10400] =	vst v63  }
0x12e: {  	s17 =	simm.s32 $0xDC00  }
0x12f: {  	[tilespmem:s17], [sflag:$0x2] =	stream.indirect_vreg.gather [hbm4b:s6+s3], $0x80, v4, vm0, $0xb8;
	[tilespmem:$0x10400] =	vst v63  }
0x130: {  	s31 =	simm.s32 $0xE400  }
0x131: {  	[tilespmem:s31], [sflag:$0x2] =	stream.indirect_vreg.gather [hbm4b:s1+s3], $0x80, v3, vm0, $0xb8;
	[tilespmem:$0x10400] =	vst v63  }
0x132: {  	s22 =	simm.s32 $0xEC00  }
0x133: {  	[tilespmem:s22], [sflag:$0x2] =	stream.indirect_vreg.gather [hbm4b:s4+s3], $0x80, v3, vm0, $0xb8;
	[tilespmem:$0x10400] =	vst v63  }
0x134: {  	s22 =	simm.s32 $0xF400  }
0x135: {  	[tilespmem:s22], [sflag:$0x2] =	stream.indirect_vreg.gather [hbm4b:s5+s3], $0x80, v3, vm0, $0xb8;
	[tilespmem:$0x10400] =	vst v63  }
0x136: {  	s21 =	simm.s32 $0xFC00  }
0x137: {  	[tilespmem:s21], [sflag:$0x2] =	stream.indirect_vreg.gather [hbm4b:s6+s3], $0x80, v3, vm0, $0xb8;
	[tilespmem:$0x10400] =	vst v63  }
0x138: {  	_ =	swait.ge [sflag:s18], $0x8000  }
0x139: {  	[sflag:s18] =	ssyncset.done $0x0  }
0x13a: {  	s21 =	rddreg [dreg:$0xa];
	[sflag:s18] =	ssyncadd.s32 $0xFFFF8000  }
0x13b: {  	[hbm4b:s21+s3] =	stream.linear.scatter [tilespmem:s26], [sflag:$0x4], $0x8000, $0x38;
	[tilespmem:$0x10400] =	vst v63  }
0x13c: {  	_ =	swait.ge [sflag:s19], $0x8000  }
0x13d: {  	[sflag:s19] =	ssyncset.done $0x0  }
0x13e: {  	[sflag:s19] =	ssyncadd.s32 $0xFFFF8000  }
0x13f: {  	v3 =	vld [tilespmem:$0x300];
	_ =	sdelay $0x4  }
0x140: {  	v60 =	vshll.u32 v3, $0x3  }
0x141: {  	v3 =	vand.u32 $0x7, v3;
	v4 =	vand.u32 $0xFFFFFFC0, v60  }
0x142: {  	v3 =	vor.u32 v3, v4  }
0x143: {  	v4 =	vperm.xlane v3, v0;
	_ =	sdelay $0x1  }
0x144: {  	v4 =	vadd.s32 v1, v4;
	_ =	sdelay $0x4  }
0x145: {  	[tilespmem:s29], [sflag:$0x1] =	stream.indirect_vreg.gather [hbm4b:s1+s3], $0x80, v4, vm0, $0xb8;
	[tilespmem:$0x10400] =	vst v63  }
0x146: {  	s21 =	simm.s32 $0xC00;
	v3 =	vperm.xlane v3, v2  }
0x147: {  	[tilespmem:s21], [sflag:$0x1] =	stream.indirect_vreg.gather [hbm4b:s4+s3], $0x80, v4, vm0, $0xb8;
	[tilespmem:$0x10400] =	vst v63  }
0x148: {  	v3 =	vadd.s32 v1, v3;
	s21 =	simm.s32 $0x1400  }
0x149: {  	[tilespmem:s21], [sflag:$0x1] =	stream.indirect_vreg.gather [hbm4b:s5+s3], $0x80, v4, vm0, $0xb8;
	[tilespmem:$0x10400] =	vst v63  }
0x14a: {  	s9 =	simm.s32 $0x1C00  }
0x14b: {  	[tilespmem:s9], [sflag:$0x1] =	stream.indirect_vreg.gather [hbm4b:s6+s3], $0x80, v4, vm0, $0xb8;
	[tilespmem:$0x10400] =	vst v63  }
0x14c: {  	s8 =	simm.s32 $0x2400  }
0x14d: {  	[tilespmem:s8], [sflag:$0x1] =	stream.indirect_vreg.gather [hbm4b:s1+s3], $0x80, v3, vm0, $0xb8;
	[tilespmem:$0x10400] =	vst v63  }
0x14e: {  	s9 =	simm.s32 $0x2C00  }
0x14f: {  	[tilespmem:s9], [sflag:$0x1] =	stream.indirect_vreg.gather [hbm4b:s4+s3], $0x80, v3, vm0, $0xb8;
	[tilespmem:$0x10400] =	vst v63  }
0x150: {  	s21 =	simm.s32 $0x3400  }
0x151: {  	[tilespmem:s21], [sflag:$0x1] =	stream.indirect_vreg.gather [hbm4b:s5+s3], $0x80, v3, vm0, $0xb8;
	[tilespmem:$0x10400] =	vst v63  }
0x152: {  	s9 =	simm.s32 $0x3C00  }
0x153: {  	[tilespmem:s9], [sflag:$0x1] =	stream.indirect_vreg.gather [hbm4b:s6+s3], $0x80, v3, vm0, $0xb8;
	[tilespmem:$0x10400] =	vst v63  }
0x154: {  	v3 =	vld [tilespmem:$0x310];
	_ =	sdelay $0x4  }
0x155: {  	v61 =	vshll.u32 v3, $0x3  }
0x156: {  	v3 =	vand.u32 $0x7, v3;
	v4 =	vand.u32 $0xFFFFFFC0, v61  }
0x157: {  	v3 =	vor.u32 v3, v4  }
0x158: {  	v4 =	vperm.xlane v3, v0;
	_ =	sdelay $0x1  }
0x159: {  	v4 =	vadd.s32 v1, v4;
	_ =	sdelay $0x3  }
0x15a: {  	s21 =	simm.s32 $0x4400  }
0x15b: {  	[tilespmem:s21], [sflag:$0x1] =	stream.indirect_vreg.gather [hbm4b:s1+s3], $0x80, v4, vm0, $0xb8;
	[tilespmem:$0x10400] =	vst v63  }
0x15c: {  	s9 =	simm.s32 $0x4C00;
	v3 =	vperm.xlane v3, v2  }
0x15d: {  	[tilespmem:s9], [sflag:$0x1] =	stream.indirect_vreg.gather [hbm4b:s4+s3], $0x80, v4, vm0, $0xb8;
	[tilespmem:$0x10400] =	vst v63  }
0x15e: {  	s10 =	simm.s32 $0x5400;
	v3 =	vadd.s32 v1, v3  }
0x15f: {  	[tilespmem:s10], [sflag:$0x1] =	stream.indirect_vreg.gather [hbm4b:s5+s3], $0x80, v4, vm0, $0xb8;
	[tilespmem:$0x10400] =	vst v63  }
0x160: {  	s11 =	simm.s32 $0x5C00  }
0x161: {  	[tilespmem:s11], [sflag:$0x1] =	stream.indirect_vreg.gather [hbm4b:s6+s3], $0x80, v4, vm0, $0xb8;
	[tilespmem:$0x10400] =	vst v63  }
0x162: {  	s12 =	simm.s32 $0x6400  }
0x163: {  	[tilespmem:s12], [sflag:$0x1] =	stream.indirect_vreg.gather [hbm4b:s1+s3], $0x80, v3, vm0, $0xb8;
	[tilespmem:$0x10400] =	vst v63  }
0x164: {  	s13 =	simm.s32 $0x6C00  }
0x165: {  	[tilespmem:s13], [sflag:$0x1] =	stream.indirect_vreg.gather [hbm4b:s4+s3], $0x80, v3, vm0, $0xb8;
	[tilespmem:$0x10400] =	vst v63  }
0x166: {  	s14 =	simm.s32 $0x7400  }
0x167: {  	[tilespmem:s14], [sflag:$0x1] =	stream.indirect_vreg.gather [hbm4b:s5+s3], $0x80, v3, vm0, $0xb8;
	[tilespmem:$0x10400] =	vst v63  }
0x168: {  	s15 =	simm.s32 $0x7C00  }
0x169: {  	[tilespmem:s15], [sflag:$0x1] =	stream.indirect_vreg.gather [hbm4b:s6+s3], $0x80, v3, vm0, $0xb8;
	[tilespmem:$0x10400] =	vst v63  }
0x16a: {  	_ =	swait.ge [sflag:s25], $0x8000  }
0x16b: {  	[sflag:s25] =	ssyncset.done $0x0  }
0x16c: {  	s15 =	rddreg [dreg:$0xb];
	[sflag:s25] =	ssyncadd.s32 $0xFFFF8000  }
0x16d: {  	[hbm4b:s15+s3] =	stream.linear.scatter [tilespmem:s29], [sflag:$0x3], $0x8000, $0x38;
	[tilespmem:$0x10400] =	vst v63  }
0x16e: {  	_ =	swait.ge [sflag:s20], $0x8000  }
0x16f: {  	[sflag:s20] =	ssyncset.done $0x0  }
0x170: {  	[sflag:s20] =	ssyncadd.s32 $0xFFFF8000  }
0x171: {  	v3 =	vld [tilespmem:$0x380];
	_ =	sdelay $0x4  }
0x172: {  	v62 =	vshll.u32 v3, $0x3  }
0x173: {  	v3 =	vand.u32 $0x7, v3;
	v4 =	vand.u32 $0xFFFFFFC0, v62  }
0x174: {  	v3 =	vor.u32 v3, v4  }
0x175: {  	v4 =	vperm.xlane v3, v0;
	_ =	sdelay $0x1  }
0x176: {  	v4 =	vadd.s32 v1, v4;
	_ =	sdelay $0x4  }
0x177: {  	[tilespmem:s26], [sflag:$0x2] =	stream.indirect_vreg.gather [hbm4b:s1+s3], $0x80, v4, vm0, $0xb8;
	[tilespmem:$0x10400] =	vst v63  }
0x178: {  	s2 =	simm.s32 $0x8C00;
	v3 =	vperm.xlane v3, v2  }
0x179: {  	[tilespmem:s2], [sflag:$0x2] =	stream.indirect_vreg.gather [hbm4b:s4+s3], $0x80, v4, vm0, $0xb8;
	[tilespmem:$0x10400] =	vst v63  }
0x17a: {  	s0 =	simm.s32 $0x9400;
	v3 =	vadd.s32 v1, v3  }
0x17b: {  	[tilespmem:s0], [sflag:$0x2] =	stream.indirect_vreg.gather [hbm4b:s5+s3], $0x80, v4, vm0, $0xb8;
	[tilespmem:$0x10400] =	vst v63  }
0x17c: {  	s21 =	simm.s32 $0x9C00  }
0x17d: {  	[tilespmem:s21], [sflag:$0x2] =	stream.indirect_vreg.gather [hbm4b:s6+s3], $0x80, v4, vm0, $0xb8;
	[tilespmem:$0x10400] =	vst v63  }
0x17e: {  	s23 =	simm.s32 $0xA400  }
0x17f: {  	[tilespmem:s23], [sflag:$0x2] =	stream.indirect_vreg.gather [hbm4b:s1+s3], $0x80, v3, vm0, $0xb8;
	[tilespmem:$0x10400] =	vst v63  }
0x180: {  	s24 =	simm.s32 $0xAC00  }
0x181: {  	[tilespmem:s24], [sflag:$0x2] =	stream.indirect_vreg.gather [hbm4b:s4+s3], $0x80, v3, vm0, $0xb8;
	[tilespmem:$0x10400] =	vst v63  }
0x182: {  	s28 =	simm.s32 $0xB400  }
0x183: {  	[tilespmem:s28], [sflag:$0x2] =	stream.indirect_vreg.gather [hbm4b:s5+s3], $0x80, v3, vm0, $0xb8;
	[tilespmem:$0x10400] =	vst v63  }
0x184: {  	s23 =	simm.s32 $0xBC00  }
0x185: {  	[tilespmem:s23], [sflag:$0x2] =	stream.indirect_vreg.gather [hbm4b:s6+s3], $0x80, v3, vm0, $0xb8;
	[tilespmem:$0x10400] =	vst v63  }
0x186: {  	v3 =	vld [tilespmem:$0x390];
	_ =	sdelay $0x4  }
0x187: {  	v63 =	vshll.u32 v3, $0x3  }
0x188: {  	v3 =	vand.u32 $0x7, v3;
	v4 =	vand.u32 $0xFFFFFFC0, v63  }
0x189: {  	v3 =	vor.u32 v3, v4  }
0x18a: {  	v4 =	vperm.xlane v3, v0;
	_ =	sdelay $0x1  }
0x18b: {  	v4 =	vadd.s32 v1, v4;
	_ =	sdelay $0x3  }
0x18c: {  	s24 =	simm.s32 $0xC400  }
0x18d: {  	[tilespmem:s24], [sflag:$0x2] =	stream.indirect_vreg.gather [hbm4b:s1+s3], $0x80, v4, vm0, $0xb8;
	[tilespmem:$0x10400] =	vst v63  }
0x18e: {  	s28 =	simm.s32 $0xCC00;
	v3 =	vperm.xlane v3, v2  }
0x18f: {  	[tilespmem:s28], [sflag:$0x2] =	stream.indirect_vreg.gather [hbm4b:s4+s3], $0x80, v4, vm0, $0xb8;
	[tilespmem:$0x10400] =	vst v63  }
0x190: {  	s30 =	simm.s32 $0xD400;
	v3 =	vadd.s32 v1, v3  }
0x191: {  	[tilespmem:s30], [sflag:$0x2] =	stream.indirect_vreg.gather [hbm4b:s5+s3], $0x80, v4, vm0, $0xb8;
	[tilespmem:$0x10400] =	vst v63  }
0x192: {  	s16 =	simm.s32 $0xDC00  }
0x193: {  	[tilespmem:s16], [sflag:$0x2] =	stream.indirect_vreg.gather [hbm4b:s6+s3], $0x80, v4, vm0, $0xb8;
	[tilespmem:$0x10400] =	vst v63  }
0x194: {  	s31 =	simm.s32 $0xE400  }
0x195: {  	[tilespmem:s31], [sflag:$0x2] =	stream.indirect_vreg.gather [hbm4b:s1+s3], $0x80, v3, vm0, $0xb8;
	[tilespmem:$0x10400] =	vst v63  }
0x196: {  	s17 =	simm.s32 $0xEC00  }
0x197: {  	[tilespmem:s17], [sflag:$0x2] =	stream.indirect_vreg.gather [hbm4b:s4+s3], $0x80, v3, vm0, $0xb8;
	[tilespmem:$0x10400] =	vst v63  }
0x198: {  	s22 =	simm.s32 $0xF400  }
0x199: {  	[tilespmem:s22], [sflag:$0x2] =	stream.indirect_vreg.gather [hbm4b:s5+s3], $0x80, v3, vm0, $0xb8;
	[tilespmem:$0x10400] =	vst v63  }
0x19a: {  	s30 =	simm.s32 $0xFC00  }
0x19b: {  	[tilespmem:s30], [sflag:$0x2] =	stream.indirect_vreg.gather [hbm4b:s6+s3], $0x80, v3, vm0, $0xb8;
	[tilespmem:$0x10400] =	vst v63  }
0x19c: {  	_ =	swait.ge [sflag:s18], $0x8000  }
0x19d: {  	[sflag:s18] =	ssyncset.done $0x0  }
0x19e: {  	s31 =	rddreg [dreg:$0xc];
	[sflag:s18] =	ssyncadd.s32 $0xFFFF8000  }
0x19f: {  	[hbm4b:s31+s3] =	stream.linear.scatter [tilespmem:s26], [sflag:$0x4], $0x8000, $0x38;
	[tilespmem:$0x10400] =	vst v63  }
0x1a0: {  	p0 =	sne.s32 s7, $0x1;
	_ =	swait.ge [sflag:s19], $0x8000  }
.Ltmp0:
0x1a1: {  	[sflag:s19] =	ssyncset.done $0x0;
	(pc) =	sbr.rel @p0 .LBB2_1-.Ltmp0, $4  }
0x1a2: {  	[sflag:s19] =	ssyncadd.s32 $0xFFFF8000  }
0x1a3: {  	_ =	swait.ge [sflag:s20], $0x8000  }
0x1a4: {  	[sflag:s20] =	ssyncset.done $0x0  }
0x1a5: {  	s7 =	sadd.s32 $0xFFFFFFFF, s7;
	[sflag:s20] =	ssyncadd.s32 $0xFFFF8000  }
0x1a6: {  	_ =	sfence.sel $0x180000  }
0x1a7: {  	[bflag:$0x0] =	sbarrier.arrive $0xFFFF  }
0x1a8: {  	_ =	strace $0x90000047  }
0x1a9: {  	s0 =	stileid.u32;
	[bflag:$0x2] =	sbarrier.arrive $0xFFFF  }
0x1aa: {  	p0 =	sne.s32 s0, $0x0;
	s0 =	rddreg [dreg:$0x3]  }
0x1ab: {  	s0 =	sadd.s32 @!p0 $0x100000, s0  }
0x1ac: {  	[sflag:s0] =	ssyncadd.tile.s32 @!p0 $0x1;
	_ =	shalt  }
.Lfunc_end2:
_tile_overlayer_lowered:
.L_overlay_start_2:
0x1ad: {  	(tag) =	ssettag $0x2  }
0x1ae: {  	s0 =	rddreg [dreg:$0x0];
	s2 =	stileid.u32  }
0x1af: {  	s1 =	rddreg [dreg:$0x1];
	p0 =	sne.s32 s2, $0x0  }
0x1b0: {  	s3 =	rddreg [dreg:$0x2];
	[bflag:$0x3] =	sbarrier.arrive $0xFFFF;
	s2 =	simm.s32 @!p0 $0x1C05  }
0x1b1: {  	[timem:s3], [sflag:s2] =	dma.local @!p0 [hbm:s0], s1  }
0x1b2: {  	s0 =	simm.s32 @!p0 $0x5  }
0x1b3: {  	_ =	swait.ge @!p0 [sflag:s0], s1  }
0x1b4: {  	s1 =	ssub.s32 @!p0 $0x0, s1;
	[sflag:s0] =	ssyncset.done @!p0 $0x0  }
0x1b5: {  	[sflag:s0] =	ssyncadd.s32 @!p0 s1  }
0x1b6: {  	[bflag:$0x3] =	sbarrier.arrive $0xFFFF  }
0x1b7: {  	_ =	shalt  }

// kernel: kernel.8.cloned.1.call-start
scs
__scs_entry_jumppad:
0x0: {  	(pc) =	sbr.rel $0x88, $3  }
0x1: {  	(tag) =	ssettag $0x0;
	lr =	simm.s32 $0x1  }
0x2: {  	[smem:$0x3F9C] =	sst lr;
	_ =	strace $0xD0000000  }
0x3: {  	_ = 	snop  }
0x4: {  	_ = 	snop  }
0x5: {  	_ = 	snop  }
0x6: {  	_ = 	snop  }
0x7: {  	_ = 	snop  }
__scs_overlays_trampoline_lowered:
0x8: {  	[smem:$0x3FAB] =	sst s0  }
0x9: {  	[smem:$0x3FAC] =	sst s1  }
0xa: {  	[smem:$0x3FAD] =	sst s2  }
0xb: {  	[smem:$0x3FAE] =	sst s3  }
0xc: {  	[smem:$0x3FAF] =	sst s4  }
0xd: {  	[smem:$0x3FB0] =	sst s5  }
0xe: {  	[smem:$0x3FB1] =	sst s6  }
0xf: {  	[smem:$0x3FB2] =	sst s7  }
0x10: {  	[smem:$0x3FB3] =	sst s8  }
0x11: {  	[smem:$0x3FB4] =	sst s9;
	s0 =	simm.s32 @!p0 $0x0  }
0x12: {  	s1 =	sld [smem:$0x3F9A];
	s0 =	simm.s32 @p0 $0x1  }
0x13: {  	[smem:$0x3FB5] =	sst s0;
	s0 =	simm.s32 @!p1 $0x0  }
0x14: {  	s2 =	sld [smem:$0x3F99];
	s0 =	simm.s32 @p1 $0x1  }
0x15: {  	[smem:$0x3FB6] =	sst s0;
	s0 =	simm.s32 @!p2 $0x0  }
0x16: {  	s3 =	sld [smem:$0x3FDB];
	s0 =	simm.s32 @p2 $0x1  }
0x17: {  	s4 =	simm.s32 $0x1BF5;
	[smem:$0x3FB8] =	sst s0  }
0x18: {  	s0 =	sld [smem:$0x3F9B];
	_ =	swait.ge [sflag:s4], $0x0  }
0x19: {  	s7 =	sld [smem:$0x3F9C]  }
0x1a: {  	s8 =	sadd.s32 $0xFFFFE003, lr  }
0x1b: {  	s9 =	sadd.s32 $0xFFFFFEF7, lr;
	s5 =	simm.s32 $0xFFFFFFFF;
	p2 =	slt.u32 s8, $0xFFFFF086  }
0x1c: {  	p1 =	slt.u32 s9, $0xF7A;
	s5 =	simm.s32 @!p2 $0x0  }
0x1d: {  	s5 =	simm.s32 @p1 $0x1;
	p0 =	seq.s32 s7, s2  }
0x1e: {  	s7 =	smul.u32 @!p0 $0xF7A, s2;
	p2 =	seq.s32 @!p0 s5, $0x0  }
0x1f: {  	s9 =	smul.u32 $0xF7A, s1;
	s8 =	simm.s32 @!p0 $0x1BF5;
	p2 =	por !p2, p0  }
0x20: {  	[sflag:s8] =	ssyncset.s32 @!p0 $0xFFFFF086;
	s6 =	sadd.s32 @!p0 s3, s7;
	s7 =	simm.s32 @!p0 $0x108  }
0x21: {  	s3 =	sadd.s32 s3, s9;
	s6 =	sadd.s32 @!p0 $0x88, s6;
	s7 =	simm.s32 @p2 $0x1082  }
0x22: {  	[simem:s7], [sflag:s8] =	dma.local @!p0 [hbm:s6], $0xF7A  }
0x23: {  	s9 =	sor.u32 $0xD0000000, s2;
	s6 =	simm.s32 $0x108;
	_ =	swait.ge @!p0 [sflag:s8], $0x0  }
0x24: {  	s3 =	sadd.s32 $0x88, s3;
	s6 =	simm.s32 @!p1 $0x1082;
	[sflag:s4] =	ssyncset.s32 $0xFFFFF086  }
0x25: {  	[simem:s6], [sflag:s4] =	dma.local [hbm:s3], $0xF7A  }
0x26: {  	[smem:$0x3F9C] =	sst s1;
	(tag) =	ssettag s2;
	_ =	strace s9  }
0x27: {  	s1 =	sld [smem:$0x3FAC]  }
0x28: {  	s2 =	sld [smem:$0x3FAD]  }
0x29: {  	s4 =	sld [smem:$0x3FAF]  }
0x2a: {  	p0 =	seq.s32 s5, $0x0;
	s5 =	sld [smem:$0x3FB0]  }
0x2b: {  	s6 =	sld [smem:$0x3FB1]  }
0x2c: {  	s7 =	sld [smem:$0x3FB2]  }
0x2d: {  	s3 =	simm.s32 $0x108;
	s8 =	sld [smem:$0x3FB3]  }
0x2e: {  	s3 =	simm.s32 @!p0 $0x1082;
	s9 =	sld [smem:$0x3FB4]  }
0x2f: {  	lr =	sadd.s32 s0, s3;
	s0 =	sld [smem:$0x3FAB]  }
0x30: {  	s3 =	sld [smem:$0x3FAE]  }
0x31: {  	[smem:$0x3FB7] =	sst s10  }
0x32: {  	s10 =	sld [smem:$0x3FB5];
	_ =	sdelay $0x3  }
0x33: {  	p0 =	seq.s32 s10, $0x1;
	s10 =	sld [smem:$0x3FB7];
	_ =	sdelay $0x3  }
0x34: {  	[smem:$0x3FB7] =	sst s10  }
0x35: {  	s10 =	sld [smem:$0x3FB6];
	_ =	sdelay $0x3  }
0x36: {  	p1 =	seq.s32 s10, $0x1;
	s10 =	sld [smem:$0x3FB7];
	_ =	sdelay $0x3  }
0x37: {  	[smem:$0x3FB7] =	sst s10  }
0x38: {  	s10 =	sld [smem:$0x3FB8]  }
0x39: {  	_ = 	snop;
	(pc) =	sbr.ind lr, $3  }
0x3a: {  	_ = 	snop  }
0x3b: {  	_ = 	snop  }
0x3c: {  	p2 =	seq.s32 s10, $0x1;
	s10 =	sld [smem:$0x3FB7]  }
0x3d: {  	_ =	shalt  }
0x3e: {  	_ =	shalt  }
0x3f: {  	_ =	shalt  }
0x40: {  	_ =	shalt  }
0x41: {  	_ =	shalt  }
0x42: {  	_ =	shalt  }
0x43: {  	_ =	shalt  }
0x44: {  	_ =	shalt  }
0x45: {  	_ =	shalt  }
0x46: {  	_ =	shalt  }
0x47: {  	_ =	shalt  }
0x48: {  	_ =	shalt  }
0x49: {  	_ =	shalt  }
0x4a: {  	_ =	shalt  }
0x4b: {  	_ =	shalt  }
0x4c: {  	_ =	shalt  }
0x4d: {  	_ =	shalt  }
0x4e: {  	_ =	shalt  }
0x4f: {  	_ =	shalt  }
0x50: {  	_ =	shalt  }
0x51: {  	_ =	shalt  }
0x52: {  	_ =	shalt  }
0x53: {  	_ =	shalt  }
0x54: {  	_ =	shalt  }
0x55: {  	_ =	shalt  }
0x56: {  	_ =	shalt  }
0x57: {  	_ =	shalt  }
0x58: {  	_ =	shalt  }
0x59: {  	_ =	shalt  }
0x5a: {  	_ =	shalt  }
0x5b: {  	_ =	shalt  }
0x5c: {  	_ =	shalt  }
0x5d: {  	_ =	shalt  }
0x5e: {  	_ =	shalt  }
0x5f: {  	_ =	shalt  }
0x60: {  	_ =	shalt  }
0x61: {  	_ =	shalt  }
0x62: {  	_ =	shalt  }
0x63: {  	_ =	shalt  }
0x64: {  	_ =	shalt  }
0x65: {  	_ =	shalt  }
0x66: {  	_ =	shalt  }
0x67: {  	_ =	shalt  }
0x68: {  	_ =	shalt  }
0x69: {  	_ =	shalt  }
0x6a: {  	_ =	shalt  }
0x6b: {  	_ =	shalt  }
0x6c: {  	_ =	shalt  }
0x6d: {  	_ =	shalt  }
0x6e: {  	_ =	shalt  }
0x6f: {  	_ =	shalt  }
0x70: {  	_ =	shalt  }
0x71: {  	_ =	shalt  }
0x72: {  	_ =	shalt  }
0x73: {  	_ =	shalt  }
0x74: {  	_ =	shalt  }
0x75: {  	_ =	shalt  }
0x76: {  	_ =	shalt  }
0x77: {  	_ =	shalt  }
0x78: {  	_ =	shalt  }
0x79: {  	_ =	shalt  }
0x7a: {  	_ =	shalt  }
0x7b: {  	_ =	shalt  }
0x7c: {  	_ =	shalt  }
0x7d: {  	_ =	shalt  }
0x7e: {  	_ =	shalt  }
0x7f: {  	_ =	shalt  }
0x80: {  	_ =	shalt  }
0x81: {  	_ =	shalt  }
0x82: {  	_ =	shalt  }
0x83: {  	_ =	shalt  }
0x84: {  	_ =	shalt  }
0x85: {  	_ =	shalt  }
0x86: {  	_ =	shalt  }
0x87: {  	_ =	shalt  }
.Lfunc_end0:
.L_simem_size_0:
called_computation.1_lowered:
.L_overlay_start_0:
0x88: {  	s2 =	sld [smem:$0x3FD9]  }
0x89: {  	s3 =	sld [smem:$0x3FFE];
	_ =	sdelay $0x1  }
0x8a: {  	s1 =	srdreg.scid  }
0x8b: {  	s0 =	sand.u32 $0x1, s1  }
0x8c: {  	s17 =	sshll.u32 s0, $0xA;
	s2 =	sadd.s32 s3, s2  }
0x8d: {  	s2 =	sadd.s32 s2, s17  }
0x8e: {  	[smem:$0x3FC3] =	sst s2  }
0x8f: {  	_ = 	snop  }
0x90: {  	s2 =	sld [smem:$0x3FD0];
	(tm) =	ssettm $0x1  }
0x91: {  	s18 =	sld [smem:$0x3FFB];
	_ =	sdelay $0x3  }
0x92: {  	_ =	strace s18  }
0x93: {  	s3 =	sld [smem:$0x3FFC];
	_ =	sdelay $0x3  }
0x94: {  	_ =	strace s3  }
0x95: {  	s3 =	sld [smem:$0x3FFD];
	_ =	sdelay $0x3  }
0x96: {  	_ =	strace s3  }
0x97: {  	_ =	strace $0x8FFFFFFF  }
0x98: {  	s19 =	sld [smem:$0x3FDB];
	_ =	sdelay $0x1  }
0x99: {  	s4 =	simm.s32 $_scs_section_size  }
0x9a: {  	s5 =	simm.s32 $_size__tile_overlayer_lowered;
	s6 =	simm.s32 $_tile_overlayer_lowered  }
0x9b: {  	s22 =	simm.s32 $0x1BFF;
	s21 =	sshll.u32 s6, $0x1;
	s3 =	sadd.s32 s4, s19  }
0x9c: {  	s7 =	simm.s32 $0x0;
	s20 =	sshll.u32 s5, $0x1;
	s5 =	sadd.s32 s21, s3  }
0x9d: {  	[timem:s7], [sflag:s22] =	dma.local [hbm:s5], s20  }
0x9e: {  	_ =	swait.ge [sflag:s22], s20  }
0x9f: {  	s4 =	ssub.s32 $0x0, s20;
	[sflag:s22] =	ssyncset.done $0x0  }
0xa0: {  	[sflag:s22] =	ssyncadd.s32 s4;
	_ =	sdelay $0x1  }
0xa1: {  	s23 =	simm.s32 $0x1B8B  }
0xa2: {  	_ =	swait.ge [sflag:s23], $0x1  }
0xa3: {  	[sflag:s23] =	ssyncset.done $0x0  }
0xa4: {  	s25 =	simm.s32 $0x1B8E;
	s24 =	sld [smem:$0x3FFE];
	[sflag:s23] =	ssyncadd.s32 $0xFFFFFFFF  }
0xa5: {  	s26 =	simm.s32 $execute0_lowered;
	[smem:$0x3FD2] =	sst s25  }
0xa6: {  	s5 =	sshll.u32 s26, $0x1;
	_ =	strace $0x80000049;
	[dreg:$0x1] =	wrdreg $0xFFFFFFFF  }
0xa7: {  	s28 =	simm.s32 $_size_execute0_lowered;
	s3 =	sadd.s32 s3, s5;
	[dreg:$0x0] =	wrdreg $0x0  }
0xa8: {  	s5 =	sshll.u32 s28, $0x1;
	[dreg:$0x2] =	wrdreg s3  }
0xa9: {  	[dreg:$0x3] =	wrdreg s5  }
0xaa: {  	[dreg:$0x4] =	wrdreg $0xC0  }
0xab: {  	_ =	task [dreg:s7], $0x5FFFF  }
0xac: {  	[dreg:$0x1] =	wrdreg $0xFFFFFFFF  }
0xad: {  	[dreg:$0x0] =	wrdreg $0x60  }
0xae: {  	[dreg:$0x2] =	wrdreg s24  }
0xaf: {  	[dreg:$0x3] =	wrdreg s2  }
0xb0: {  	[dreg:$0x4] =	wrdreg $0x9  }
0xb1: {  	_ =	task.clear_ibuf [dreg:s7], $0x5FFFF;
	_ =	strace $0x90000049  }
0xb2: {  	s29 =	simm.s32 $0x9;
	_ =	strace $0x8000004B  }
0xb3: {  	_ =	swait.ge [sflag:s29], $0x1  }
0xb4: {  	[sflag:s29] =	ssyncadd.s32 $0xFFFFFFFF  }
0xb5: {  	_ =	strace $0x9000004B  }
0xb6: {  	_ =	sfence  }
0xb7: {  	s30 =	sld [smem:$0x0];
	_ =	sdelay $0x2  }
0xb8: {  	s31 =	sshll.u32 s1, $0xD;
	s1 =	sshrl.u32 s1, $0x2  }
0xb9: {  	s3 =	sand.u32 $0x4000, s31;
	s1 =	sadd.s32 s1, s30  }
0xba: {  	s0 =	sor.u32 s3, s0;
	s1 =	sshll.u32 s1, $0x11  }
0xbb: {  	s0 =	sor.u32 s1, s0  }
0xbc: {  	s0 =	sadd.s32 $0x8F2B, s0  }
0xbd: {  	[sflag:s0] =	ssyncadd.remote.s32 $0x1  }
0xbe: {  	_ =	sfence.sel $0xFFFF  }
0xbf: {  	[dreg:$0x0] =	wrdreg $0xFFFFFFFF;
	(pc) =	sbr.abs _section_cstart, $3  }
0xc0: {  	[dreg:$0x1] =	wrdreg $0xFFFFFFFF  }
0xc1: {  	_ =	task.clear_ibuf [dreg:s7], $0x2FFFF;
	_ =	strace $0x9FFFFFFF  }
0xc2: {  	(tm) =	ssettm $0x7FFFFFFF  }
0xc3: {  	_ =	shalt  }
tec
execute0_lowered:
.L_overlay_start_1:
0x0: {  	(tag) =	ssettag $0x1  }
0x1: {  	s0 =	rddreg [dreg:$0x0]  }
0x2: {  	s1 =	rddreg [dreg:$0x1];
	s2 =	simm.s32 $0x0;
	s3 =	srdreg.scid  }
0x3: {  	s4 =	stileid.u32;
	s13 =	simm.s32 $0x5;
	s31 =	simm.s32 $0x1  }
0x4: {  	s20 =	simm.s32 $0xC080;
	s21 =	simm.s32 $0xC880;
	s28 =	simm.s32 $0x10080  }
0x5: {  	s29 =	simm.s32 $0x2;
	s30 =	simm.s32 $0x14080;
	s10 =	simm.s32 $0x4  }
0x6: {  	[smem:$0x7FF] =	sst s2;
	s3 =	sand.u32 $0x1, s3;
	s4 =	sshll.u32 s4, $0x1  }
0x7: {  	s8 =	sadd.s32 $0x100F00, s0;
	_ =	strace $0x8000004A;
	s5 =	ssub.s32 $0x2, s3  }
0x8: {  	s4 =	sor.u32 s3, s4;
	s3 =	sadd.s32 $0x100C00, s0;
	s6 =	sshrl.u32 s5, $0x1  }
0x9: {  	s7 =	sshll.u32 s4, $0x4;
	s4 =	sshll.u32 s4, $0xD;
	s9 =	ssub.s32 s5, s6  }
0xa: {  	s22 =	sadd.s32 s0, s7;
	s5 =	sadd.s32 $0x100D00, s0;
	s7 =	sadd.s32 s1, s4  }
0xb: {  	s6 =	sadd.s32 $0x100E00, s0;
	[dreg:$0x3] =	wrdreg s22;
	s23 =	sadd.s32 $0x800, s7  }
0xc: {  	s4 =	simm.s32 $0xE080;
	s24 =	sadd.s32 $0x1000, s7;
	[dreg:$0x4] =	wrdreg s23  }
0xd: {  	s0 =	simm.s32 $0x0;
	s25 =	sadd.s32 $0x1800, s7;
	[dreg:$0x5] =	wrdreg s24  }
0xe: {  	v2 =	vlaneseq.u32;
	s26 =	smax.u32 s9, $0x1;
	s22 =	simm.s32 $0xD080;
	[dreg:$0x6] =	wrdreg s25  }
0xf: {  	vm0 =	vmmov $0xffff;
	v1 =	vshrl.u32 v2, $0x3;
	s9 =	simm.s32 $0x3;
	[dreg:$0x7] =	wrdreg s26;
	s23 =	simm.s32 $0xD880  }
0x10: {  	v0 =	vand.u32 $0x7, v2;
	v2 =	vor.u32 $0x8, v2;
	v1 =	vmul.u32 $0x8, v1;
	s24 =	simm.s32 $0xE880;
	s25 =	simm.s32 $0xF080;
	s26 =	simm.s32 $0xF880  }
.LBB2_1:
0x11: {  	s1 =	rddreg [dreg:$0x3]  }
0x12: {  	[tilespmem:s2], [sflag:$0x5] =	stream.linear.gather [hbm4b:s1+s2], $0x80, $0x38;
	[tilespmem:$0x18080] =	vst v63  }
0x13: {  	_ =	swait.ge [sflag:s13], $0x80  }
0x14: {  	[sflag:s13] =	ssyncset.done $0x0  }
0x15: {  	[sflag:s13] =	ssyncadd.s32 $0xFFFFFF80  }
0x16: {  	v3 =	vld [tilespmem:$0x0];
	_ =	sdelay $0x4  }
0x17: {  	v4 =	vshll.u32 v3, $0x3  }
0x18: {  	v3 =	vand.u32 $0x7, v3;
	v4 =	vand.u32 $0xFFFFFFC0, v4  }
0x19: {  	v3 =	vor.u32 v3, v4  }
0x1a: {  	v4 =	vperm.xlane v3, v0;
	_ =	sdelay $0x1  }
0x1b: {  	v4 =	vadd.s32 v1, v4;
	_ =	sdelay $0x3  }
0x1c: {  	s16 =	simm.s32 $0x80  }
0x1d: {  	[tilespmem:s16], [sflag:$0x1] =	stream.indirect_vreg.gather [hbm4b:s3+s2], $0x80, v4, vm0, $0xb8;
	[tilespmem:$0x18080] =	vst v63  }
0x1e: {  	s17 =	simm.s32 $0x880;
	v3 =	vperm.xlane v3, v2  }
0x1f: {  	[tilespmem:s17], [sflag:$0x1] =	stream.indirect_vreg.gather [hbm4b:s5+s2], $0x80, v4, vm0, $0xb8;
	[tilespmem:$0x18080] =	vst v63  }
0x20: {  	s18 =	simm.s32 $0x1080;
	v3 =	vadd.s32 v1, v3  }
0x21: {  	[tilespmem:s18], [sflag:$0x1] =	stream.indirect_vreg.gather [hbm4b:s6+s2], $0x80, v4, vm0, $0xb8;
	[tilespmem:$0x18080] =	vst v63  }
0x22: {  	s19 =	simm.s32 $0x1880  }
0x23: {  	[tilespmem:s19], [sflag:$0x1] =	stream.indirect_vreg.gather [hbm4b:s8+s2], $0x80, v4, vm0, $0xb8;
	[tilespmem:$0x18080] =	vst v63  }
0x24: {  	s11 =	simm.s32 $0x2080  }
0x25: {  	[tilespmem:s11], [sflag:$0x1] =	stream.indirect_vreg.gather [hbm4b:s3+s2], $0x80, v3, vm0, $0xb8;
	[tilespmem:$0x18080] =	vst v63  }
0x26: {  	s12 =	simm.s32 $0x2880  }
0x27: {  	[tilespmem:s12], [sflag:$0x1] =	stream.indirect_vreg.gather [hbm4b:s5+s2], $0x80, v3, vm0, $0xb8;
	[tilespmem:$0x18080] =	vst v63  }
0x28: {  	s14 =	simm.s32 $0x3080  }
0x29: {  	[tilespmem:s14], [sflag:$0x1] =	stream.indirect_vreg.gather [hbm4b:s6+s2], $0x80, v3, vm0, $0xb8;
	[tilespmem:$0x18080] =	vst v63  }
0x2a: {  	s15 =	simm.s32 $0x3880  }
0x2b: {  	[tilespmem:s15], [sflag:$0x1] =	stream.indirect_vreg.gather [hbm4b:s8+s2], $0x80, v3, vm0, $0xb8;
	[tilespmem:$0x18080] =	vst v63  }
0x2c: {  	v3 =	vld [tilespmem:$0x10];
	_ =	sdelay $0x4  }
0x2d: {  	v4 =	vshll.u32 v3, $0x3  }
0x2e: {  	v3 =	vand.u32 $0x7, v3;
	v4 =	vand.u32 $0xFFFFFFC0, v4  }
0x2f: {  	v3 =	vor.u32 v3, v4  }
0x30: {  	v4 =	vperm.xlane v3, v0;
	_ =	sdelay $0x1  }
0x31: {  	v4 =	vadd.s32 v1, v4;
	_ =	sdelay $0x3  }
0x32: {  	s16 =	simm.s32 $0x4080  }
0x33: {  	[tilespmem:s16], [sflag:$0x1] =	stream.indirect_vreg.gather [hbm4b:s3+s2], $0x80, v4, vm0, $0xb8;
	[tilespmem:$0x18080] =	vst v63  }
0x34: {  	s17 =	simm.s32 $0x4880;
	v3 =	vperm.xlane v3, v2  }
0x35: {  	[tilespmem:s17], [sflag:$0x1] =	stream.indirect_vreg.gather [hbm4b:s5+s2], $0x80, v4, vm0, $0xb8;
	[tilespmem:$0x18080] =	vst v63  }
0x36: {  	s18 =	simm.s32 $0x5080;
	v3 =	vadd.s32 v1, v3  }
0x37: {  	[tilespmem:s18], [sflag:$0x1] =	stream.indirect_vreg.gather [hbm4b:s6+s2], $0x80, v4, vm0, $0xb8;
	[tilespmem:$0x18080] =	vst v63  }
0x38: {  	s19 =	simm.s32 $0x5880  }
0x39: {  	[tilespmem:s19], [sflag:$0x1] =	stream.indirect_vreg.gather [hbm4b:s8+s2], $0x80, v4, vm0, $0xb8;
	[tilespmem:$0x18080] =	vst v63  }
0x3a: {  	s11 =	simm.s32 $0x6080  }
0x3b: {  	[tilespmem:s11], [sflag:$0x1] =	stream.indirect_vreg.gather [hbm4b:s3+s2], $0x80, v3, vm0, $0xb8;
	[tilespmem:$0x18080] =	vst v63  }
0x3c: {  	s12 =	simm.s32 $0x6880  }
0x3d: {  	[tilespmem:s12], [sflag:$0x1] =	stream.indirect_vreg.gather [hbm4b:s5+s2], $0x80, v3, vm0, $0xb8;
	[tilespmem:$0x18080] =	vst v63  }
0x3e: {  	s14 =	simm.s32 $0x7080  }
0x3f: {  	[tilespmem:s14], [sflag:$0x1] =	stream.indirect_vreg.gather [hbm4b:s6+s2], $0x80, v3, vm0, $0xb8;
	[tilespmem:$0x18080] =	vst v63  }
0x40: {  	s15 =	simm.s32 $0x7880  }
0x41: {  	[tilespmem:s15], [sflag:$0x1] =	stream.indirect_vreg.gather [hbm4b:s8+s2], $0x80, v3, vm0, $0xb8;
	[tilespmem:$0x18080] =	vst v63  }
0x42: {  	_ =	swait.ge [sflag:s31], $0x8000  }
0x43: {  	[sflag:s31] =	ssyncset.done $0x0  }
0x44: {  	[sflag:s31] =	ssyncadd.s32 $0xFFFF8000  }
0x45: {  	v3 =	vld [tilespmem:$0x20];
	_ =	sdelay $0x4  }
0x46: {  	v4 =	vshll.u32 v3, $0x3  }
0x47: {  	v3 =	vand.u32 $0x7, v3;
	v4 =	vand.u32 $0xFFFFFFC0, v4  }
0x48: {  	v3 =	vor.u32 v3, v4  }
0x49: {  	v4 =	vperm.xlane v3, v0;
	_ =	sdelay $0x1  }
0x4a: {  	v4 =	vadd.s32 v1, v4;
	_ =	sdelay $0x3  }
0x4b: {  	s16 =	simm.s32 $0x8080  }
0x4c: {  	[tilespmem:s16], [sflag:$0x2] =	stream.indirect_vreg.gather [hbm4b:s3+s2], $0x80, v4, vm0, $0xb8;
	[tilespmem:$0x18080] =	vst v63  }
0x4d: {  	s17 =	simm.s32 $0x8880;
	v3 =	vperm.xlane v3, v2  }
0x4e: {  	[tilespmem:s17], [sflag:$0x2] =	stream.indirect_vreg.gather [hbm4b:s5+s2], $0x80, v4, vm0, $0xb8;
	[tilespmem:$0x18080] =	vst v63  }
0x4f: {  	s18 =	simm.s32 $0x9080;
	v3 =	vadd.s32 v1, v3  }
0x50: {  	[tilespmem:s18], [sflag:$0x2] =	stream.indirect_vreg.gather [hbm4b:s6+s2], $0x80, v4, vm0, $0xb8;
	[tilespmem:$0x18080] =	vst v63  }
0x51: {  	s19 =	simm.s32 $0x9880  }
0x52: {  	[tilespmem:s19], [sflag:$0x2] =	stream.indirect_vreg.gather [hbm4b:s8+s2], $0x80, v4, vm0, $0xb8;
	[tilespmem:$0x18080] =	vst v63  }
0x53: {  	s11 =	simm.s32 $0xA080  }
0x54: {  	[tilespmem:s11], [sflag:$0x2] =	stream.indirect_vreg.gather [hbm4b:s3+s2], $0x80, v3, vm0, $0xb8;
	[tilespmem:$0x18080] =	vst v63  }
0x55: {  	s12 =	simm.s32 $0xA880  }
0x56: {  	[tilespmem:s12], [sflag:$0x2] =	stream.indirect_vreg.gather [hbm4b:s5+s2], $0x80, v3, vm0, $0xb8;
	[tilespmem:$0x18080] =	vst v63  }
0x57: {  	s14 =	simm.s32 $0xB080  }
0x58: {  	[tilespmem:s14], [sflag:$0x2] =	stream.indirect_vreg.gather [hbm4b:s6+s2], $0x80, v3, vm0, $0xb8;
	[tilespmem:$0x18080] =	vst v63  }
0x59: {  	s15 =	simm.s32 $0xB880  }
0x5a: {  	[tilespmem:s15], [sflag:$0x2] =	stream.indirect_vreg.gather [hbm4b:s8+s2], $0x80, v3, vm0, $0xb8;
	[tilespmem:$0x18080] =	vst v63  }
0x5b: {  	v3 =	vld [tilespmem:$0x30];
	_ =	sdelay $0x4  }
0x5c: {  	v4 =	vshll.u32 v3, $0x3  }
0x5d: {  	v3 =	vand.u32 $0x7, v3;
	v4 =	vand.u32 $0xFFFFFFC0, v4  }
0x5e: {  	v3 =	vor.u32 v3, v4  }
0x5f: {  	v4 =	vperm.xlane v3, v0;
	_ =	sdelay $0x1  }
0x60: {  	v4 =	vadd.s32 v1, v4;
	_ =	sdelay $0x4  }
0x61: {  	[tilespmem:s20], [sflag:$0x2] =	stream.indirect_vreg.gather [hbm4b:s3+s2], $0x80, v4, vm0, $0xb8;
	[tilespmem:$0x18080] =	vst v63  }
0x62: {  	v3 =	vperm.xlane v3, v2  }
0x63: {  	[tilespmem:s21], [sflag:$0x2] =	stream.indirect_vreg.gather [hbm4b:s5+s2], $0x80, v4, vm0, $0xb8;
	[tilespmem:$0x18080] =	vst v63  }
0x64: {  	v3 =	vadd.s32 v1, v3  }
0x65: {  	[tilespmem:s22], [sflag:$0x2] =	stream.indirect_vreg.gather [hbm4b:s6+s2], $0x80, v4, vm0, $0xb8;
	[tilespmem:$0x18080] =	vst v63  }
0x66: {  	_ = 	snop  }
0x67: {  	[tilespmem:s23], [sflag:$0x2] =	stream.indirect_vreg.gather [hbm4b:s8+s2], $0x80, v4, vm0, $0xb8;
	[tilespmem:$0x18080] =	vst v63  }
0x68: {  	_ = 	snop  }
0x69: {  	[tilespmem:s4], [sflag:$0x2] =	stream.indirect_vreg.gather [hbm4b:s3+s2], $0x80, v3, vm0, $0xb8;
	[tilespmem:$0x18080] =	vst v63  }
0x6a: {  	_ = 	snop  }
0x6b: {  	[tilespmem:s24], [sflag:$0x2] =	stream.indirect_vreg.gather [hbm4b:s5+s2], $0x80, v3, vm0, $0xb8;
	[tilespmem:$0x18080] =	vst v63  }
0x6c: {  	s16 =	sand.u32 $0x70, s2;
	s11 =	sand.u32 $0x1C00, s2  }
0x6d: {  	[tilespmem:s25], [sflag:$0x2] =	stream.indirect_vreg.gather [hbm4b:s6+s2], $0x80, v3, vm0, $0xb8;
	[tilespmem:$0x18080] =	vst v63  }
0x6e: {  	s11 =	sor.u32 s16, s11  }
0x6f: {  	[tilespmem:s26], [sflag:$0x2] =	stream.indirect_vreg.gather [hbm4b:s8+s2], $0x80, v3, vm0, $0xb8;
	[tilespmem:$0x18080] =	vst v63  }
0x70: {  	v3 =	vld [tilespmem:s11+$0x100]  }
0x71: {  	v4 =	vld [tilespmem:s11+$0x180]  }
0x72: {  	v5 =	vld [tilespmem:s11+$0x200]  }
0x73: {  	v6 =	vld [tilespmem:s11+$0x280]  }
0x74: {  	v7 =	vld [tilespmem:s11+$0x300]  }
0x75: {  	v8 =	vld [tilespmem:s11+$0x80]  }
0x76: {  	v9 =	vld [tilespmem:s11+$0x2100]  }
0x77: {  	v10 =	vld [tilespmem:s11+$0x2080]  }
0x78: {  	v11 =	vld [tilespmem:s11+$0x2200];
	v4 =	vadd.f32 v5, v4  }
0x79: {  	v5 =	vld [tilespmem:s11+$0x2300];
	v6 =	vadd.f32 v7, v6  }
0x7a: {  	v3 =	vadd.f32 v3, v8;
	[tilespmem:s11+$0x10100] =	vst v4;
	v4 =	vld [tilespmem:s11+$0x2180]  }
0x7b: {  	s17 =	sor.u32 s2, s2;
	[tilespmem:s11+$0x10180] =	vst v6;
	v6 =	vld [tilespmem:s11+$0x2280]  }
0x7c: {  	s12 =	sor.u32 $0x380, s17;
	[tilespmem:s11+$0x10080] =	vst v3;
	v3 =	vld [tilespmem:s11+$0x380]  }
0x7d: {  	v7 =	vld [tilespmem:s12+$0x80];
	_ =	sdelay $0x1  }
0x7e: {  	v4 =	vadd.f32 v11, v4  }
0x7f: {  	v5 =	vadd.f32 v5, v6  }
0x80: {  	v6 =	vadd.f32 v9, v10;
	[tilespmem:s11+$0x10300] =	vst v4  }
0x81: {  	v3 =	vadd.f32 v7, v3;
	[tilespmem:s11+$0x10380] =	vst v5  }
0x82: {  	[tilespmem:s11+$0x10280] =	vst v6  }
0x83: {  	s16 =	sor.u32 $0x2380, s17;
	[tilespmem:s11+$0x10200] =	vst v3;
	v3 =	vld [tilespmem:s11+$0x2380]  }
0x84: {  	v4 =	vld [tilespmem:s16+$0x80];
	_ =	sdelay $0x4  }
0x85: {  	v3 =	vadd.f32 v4, v3;
	_ =	sdelay $0x1  }
0x86: {  	[tilespmem:s12+$0x10080] =	vst v3  }
0x87: {  	v3 =	vld [tilespmem:s11+$0x4080]  }
0x88: {  	v4 =	vld [tilespmem:s11+$0x4100]  }
0x89: {  	v5 =	vld [tilespmem:s11+$0x4180]  }
0x8a: {  	v6 =	vld [tilespmem:s11+$0x4200]  }
0x8b: {  	v7 =	vld [tilespmem:s11+$0x4280]  }
0x8c: {  	v8 =	vld [tilespmem:s11+$0x6200]  }
0x8d: {  	v3 =	vadd.f32 v4, v3;
	v4 =	vld [tilespmem:s11+$0x6180]  }
0x8e: {  	v60 =	vld [tilespmem:s11+$0x6100]  }
0x8f: {  	[tilespmem:s11+$0x12080] =	vst v3;
	v3 =	vadd.f32 v6, v5;
	v5 =	vld [tilespmem:s11+$0x6080]  }
0x90: {  	v6 =	vld [tilespmem:s11+$0x4300]  }
0x91: {  	v61 =	vld [tilespmem:s11+$0x6280]  }
0x92: {  	v62 =	vld [tilespmem:s11+$0x6300];
	v8 =	vadd.f32 v8, v4  }
0x93: {  	[tilespmem:s11+$0x12100] =	vst v3;
	v3 =	vld [tilespmem:s11+$0x6380]  }
0x94: {  	v4 =	vld [tilespmem:s11+$0x4400];
	[tilespmem:s11+$0x12300] =	vst v8;
	v8 =	vadd.f32 v60, v5  }
0x95: {  	s18 =	simm.s32 $0x10;
	s14 =	simm.s32 $0x80;
	v5 =	vld [tilespmem:s11+$0x4380];
	v63 =	vadd.f32 v6, v7  }
0x96: {  	s19 =	sand.u32 $0x70, s18;
	s15 =	sand.u32 $0x1C00, s14;
	v6 =	vld [tilespmem:s11+$0x6400];
	[tilespmem:s11+$0x12280] =	vst v8  }
0x97: {  	s1 =	sor.u32 s18, s14;
	s12 =	sor.u32 s19, s15;
	s15 =	simm.s32 $0x20;
	v7 =	vadd.f32 v62, v61;
	[tilespmem:s11+$0x12180] =	vst v63  }
.LBB2_2:
0x98: {  	p0 =	sne.s32 s15, $0x3F0  }
0x99: {  	s14 =	sadd.s32 $0x80, s14;
	[tilespmem:s11+$0x12380] =	vst v7;
	s18 =	smov.u32 s15;
	s15 =	sadd.s32 $0x10, s15  }
0x9a: {  	s17 =	sor.u32 s18, s14;
	v4 =	vadd.f32 v4, v5  }
0x9b: {  	v3 =	vadd.f32 v6, v3  }
0x9c: {  	[tilespmem:s11+$0x12200] =	vst v4;
	s11 =	smov.u32 s12  }
0x9d: {  	[tilespmem:s16+$0x10080] =	vst v3  }
0x9e: {  	v3 =	vld [tilespmem:s11+$0x100]  }
0x9f: {  	v4 =	vld [tilespmem:s11+$0x180]  }
0xa0: {  	v5 =	vld [tilespmem:s11+$0x200]  }
0xa1: {  	v6 =	vld [tilespmem:s11+$0x280]  }
0xa2: {  	v7 =	vld [tilespmem:s11+$0x300]  }
0xa3: {  	v8 =	vld [tilespmem:s11+$0x80]  }
0xa4: {  	v9 =	vld [tilespmem:s11+$0x2100]  }
0xa5: {  	v10 =	vld [tilespmem:s11+$0x2080]  }
0xa6: {  	v4 =	vadd.f32 v5, v4;
	v5 =	vld [tilespmem:s11+$0x2300]  }
0xa7: {  	v6 =	vadd.f32 v7, v6;
	v7 =	vld [tilespmem:s11+$0x2200]  }
0xa8: {  	v3 =	vadd.f32 v3, v8;
	[tilespmem:s11+$0x10100] =	vst v4;
	v4 =	vld [tilespmem:s11+$0x2180]  }
0xa9: {  	[tilespmem:s11+$0x10180] =	vst v6;
	v6 =	vld [tilespmem:s11+$0x2280]  }
0xaa: {  	s19 =	sor.u32 $0x380, s1;
	[tilespmem:s11+$0x10080] =	vst v3;
	v3 =	vld [tilespmem:s11+$0x380]  }
0xab: {  	s12 =	sand.u32 $0x70, s18;
	s16 =	sand.u32 $0x1C00, s14;
	v8 =	vld [tilespmem:s19+$0x80]  }
0xac: {  	s12 =	sor.u32 s12, s16  }
0xad: {  	v4 =	vadd.f32 v7, v4  }
0xae: {  	v5 =	vadd.f32 v5, v6  }
0xaf: {  	v6 =	vadd.f32 v9, v10;
	[tilespmem:s11+$0x10300] =	vst v4  }
0xb0: {  	v3 =	vadd.f32 v8, v3;
	[tilespmem:s11+$0x10380] =	vst v5  }
0xb1: {  	[tilespmem:s11+$0x10280] =	vst v6  }
0xb2: {  	s16 =	sor.u32 $0x2380, s1;
	s1 =	smov.u32 s17;
	[tilespmem:s11+$0x10200] =	vst v3;
	v3 =	vld [tilespmem:s11+$0x2380]  }
0xb3: {  	v4 =	vld [tilespmem:s16+$0x80];
	_ =	sdelay $0x4  }
0xb4: {  	v3 =	vadd.f32 v4, v3;
	_ =	sdelay $0x1  }
0xb5: {  	[tilespmem:s19+$0x10080] =	vst v3  }
0xb6: {  	v3 =	vld [tilespmem:s11+$0x4080]  }
0xb7: {  	v4 =	vld [tilespmem:s11+$0x4100]  }
0xb8: {  	v5 =	vld [tilespmem:s11+$0x4180]  }
0xb9: {  	v6 =	vld [tilespmem:s11+$0x4200]  }
0xba: {  	v7 =	vld [tilespmem:s11+$0x4280]  }
0xbb: {  	v8 =	vld [tilespmem:s11+$0x6200]  }
0xbc: {  	v3 =	vadd.f32 v4, v3;
	v4 =	vld [tilespmem:s11+$0x6180]  }
0xbd: {  	v9 =	vld [tilespmem:s11+$0x6100]  }
0xbe: {  	[tilespmem:s11+$0x12080] =	vst v3;
	v3 =	vadd.f32 v6, v5;
	v5 =	vld [tilespmem:s11+$0x6080]  }
0xbf: {  	v6 =	vld [tilespmem:s11+$0x4300]  }
0xc0: {  	[tilespmem:s11+$0x12100] =	vst v3;
	v10 =	vld [tilespmem:s11+$0x6280]  }
0xc1: {  	v8 =	vadd.f32 v8, v4;
	v11 =	vld [tilespmem:s11+$0x6300]  }
0xc2: {  	v3 =	vld [tilespmem:s11+$0x6380]  }
.Ltmp0:
0xc3: {  	v4 =	vld [tilespmem:s11+$0x4400];
	v9 =	vadd.f32 v9, v5;
	[tilespmem:s11+$0x12300] =	vst v8;
	(pc) =	sbr.rel @p0 .LBB2_2-.Ltmp0, $4  }
0xc4: {  	v8 =	vadd.f32 v6, v7;
	v5 =	vld [tilespmem:s11+$0x4380]  }
0xc5: {  	v6 =	vld [tilespmem:s11+$0x6400]  }
0xc6: {  	[tilespmem:s11+$0x12280] =	vst v9;
	v7 =	vadd.f32 v11, v10  }
0xc7: {  	[tilespmem:s11+$0x12180] =	vst v8  }
0xc8: {  	_ = 	snop  }
0xc9: {  	v4 =	vadd.f32 v4, v5  }
0xca: {  	[tilespmem:s11+$0x12380] =	vst v7;
	v3 =	vadd.f32 v6, v3  }
0xcb: {  	[tilespmem:s11+$0x12200] =	vst v4  }
0xcc: {  	[tilespmem:s16+$0x10080] =	vst v3  }
0xcd: {  	v3 =	vld [tilespmem:s12+$0x100]  }
0xce: {  	v4 =	vld [tilespmem:s12+$0x180]  }
0xcf: {  	v5 =	vld [tilespmem:s12+$0x200]  }
0xd0: {  	v6 =	vld [tilespmem:s12+$0x280]  }
0xd1: {  	v7 =	vld [tilespmem:s12+$0x300]  }
0xd2: {  	v8 =	vld [tilespmem:s12+$0x80]  }
0xd3: {  	v9 =	vld [tilespmem:s12+$0x2100]  }
0xd4: {  	v10 =	vld [tilespmem:s12+$0x2080]  }
0xd5: {  	v11 =	vld [tilespmem:s12+$0x2200];
	v4 =	vadd.f32 v5, v4  }
0xd6: {  	v5 =	vld [tilespmem:s12+$0x2300];
	v6 =	vadd.f32 v7, v6  }
0xd7: {  	v3 =	vadd.f32 v3, v8;
	[tilespmem:s12+$0x10100] =	vst v4;
	v4 =	vld [tilespmem:s12+$0x2180]  }
0xd8: {  	[tilespmem:s12+$0x10180] =	vst v6;
	v6 =	vld [tilespmem:s12+$0x2280]  }
0xd9: {  	s18 =	sor.u32 $0x380, s1;
	[tilespmem:s12+$0x10080] =	vst v3;
	v3 =	vld [tilespmem:s12+$0x380]  }
0xda: {  	v7 =	vld [tilespmem:s18+$0x80];
	_ =	sdelay $0x1  }
0xdb: {  	v4 =	vadd.f32 v11, v4  }
0xdc: {  	v5 =	vadd.f32 v5, v6  }
0xdd: {  	v6 =	vadd.f32 v9, v10;
	[tilespmem:s12+$0x10300] =	vst v4  }
0xde: {  	v3 =	vadd.f32 v7, v3;
	[tilespmem:s12+$0x10380] =	vst v5  }
0xdf: {  	[tilespmem:s12+$0x10280] =	vst v6  }
0xe0: {  	s19 =	sor.u32 $0x2380, s1;
	[tilespmem:s12+$0x10200] =	vst v3;
	v3 =	vld [tilespmem:s12+$0x2380]  }
0xe1: {  	v4 =	vld [tilespmem:s19+$0x80];
	_ =	sdelay $0x4  }
0xe2: {  	v3 =	vadd.f32 v4, v3;
	_ =	sdelay $0x1  }
0xe3: {  	[tilespmem:s18+$0x10080] =	vst v3  }
0xe4: {  	v3 =	vld [tilespmem:s12+$0x4080]  }
0xe5: {  	v4 =	vld [tilespmem:s12+$0x4100]  }
0xe6: {  	v5 =	vld [tilespmem:s12+$0x4180]  }
0xe7: {  	v6 =	vld [tilespmem:s12+$0x4200]  }
0xe8: {  	v7 =	vld [tilespmem:s12+$0x4280]  }
0xe9: {  	v8 =	vld [tilespmem:s12+$0x6200]  }
0xea: {  	v54 =	vld [tilespmem:s12+$0x6100]  }
0xeb: {  	v3 =	vadd.f32 v4, v3;
	v4 =	vld [tilespmem:s12+$0x6180]  }
0xec: {  	v55 =	vld [tilespmem:s12+$0x6300]  }
0xed: {  	v56 =	vld [tilespmem:s12+$0x4400]  }
0xee: {  	v12 =	vld [tilespmem:s12+$0x6400]  }
0xef: {  	[tilespmem:s12+$0x12080] =	vst v3;
	v3 =	vadd.f32 v6, v5;
	v5 =	vld [tilespmem:s12+$0x6080]  }
0xf0: {  	v6 =	vld [tilespmem:s12+$0x4300];
	v4 =	vadd.f32 v8, v4  }
0xf1: {  	[tilespmem:s12+$0x12100] =	vst v3;
	v3 =	vld [tilespmem:s12+$0x6280]  }
0xf2: {  	[tilespmem:s12+$0x12300] =	vst v4;
	v4 =	vld [tilespmem:s12+$0x4380]  }
0xf3: {  	v8 =	vld [tilespmem:s12+$0x6380]  }
0xf4: {  	v5 =	vadd.f32 v54, v5  }
0xf5: {  	v6 =	vadd.f32 v6, v7  }
0xf6: {  	[tilespmem:s12+$0x12280] =	vst v5;
	v3 =	vadd.f32 v55, v3  }
0xf7: {  	[tilespmem:s12+$0x12180] =	vst v6;
	v4 =	vadd.f32 v56, v4  }
0xf8: {  	[tilespmem:s12+$0x12380] =	vst v3;
	v3 =	vadd.f32 v12, v8  }
0xf9: {  	[tilespmem:s12+$0x12200] =	vst v4  }
0xfa: {  	s1 =	simm.s32 $0x0;
	[tilespmem:s19+$0x10080] =	vst v3  }
0xfb: {  	[hbm4b:s7+s1] =	stream.linear.scatter [tilespmem:s28], [sflag:$0x3], $0x4000, $0x38;
	[tilespmem:$0x18080] =	vst v63  }
0xfc: {  	_ =	swait.ge [sflag:s29], $0x8000  }
0xfd: {  	[sflag:s29] =	ssyncset.done $0x0  }
0xfe: {  	[sflag:s29] =	ssyncadd.s32 $0xFFFF8000  }
0xff: {  	v3 =	vld [tilespmem:$0x40];
	_ =	sdelay $0x4  }
0x100: {  	v4 =	vshll.u32 v3, $0x3  }
0x101: {  	v3 =	vand.u32 $0x7, v3;
	v4 =	vand.u32 $0xFFFFFFC0, v4  }
0x102: {  	v3 =	vor.u32 v3, v4  }
0x103: {  	v4 =	vperm.xlane v3, v0;
	_ =	sdelay $0x1  }
0x104: {  	v4 =	vadd.s32 v1, v4;
	_ =	sdelay $0x3  }
0x105: {  	s12 =	simm.s32 $0x80  }
0x106: {  	[tilespmem:s12], [sflag:$0x1] =	stream.indirect_vreg.gather [hbm4b:s3+s1], $0x80, v4, vm0, $0xb8;
	[tilespmem:$0x18080] =	vst v63  }
0x107: {  	s14 =	simm.s32 $0x880;
	v3 =	vperm.xlane v3, v2  }
0x108: {  	[tilespmem:s14], [sflag:$0x1] =	stream.indirect_vreg.gather [hbm4b:s5+s1], $0x80, v4, vm0, $0xb8;
	[tilespmem:$0x18080] =	vst v63  }
0x109: {  	s15 =	simm.s32 $0x1080;
	v3 =	vadd.s32 v1, v3  }
0x10a: {  	[tilespmem:s15], [sflag:$0x1] =	stream.indirect_vreg.gather [hbm4b:s6+s1], $0x80, v4, vm0, $0xb8;
	[tilespmem:$0x18080] =	vst v63  }
0x10b: {  	s16 =	simm.s32 $0x1880  }
0x10c: {  	[tilespmem:s16], [sflag:$0x1] =	stream.indirect_vreg.gather [hbm4b:s8+s1], $0x80, v4, vm0, $0xb8;
	[tilespmem:$0x18080] =	vst v63  }
0x10d: {  	s17 =	simm.s32 $0x2080  }
0x10e: {  	[tilespmem:s17], [sflag:$0x1] =	stream.indirect_vreg.gather [hbm4b:s3+s1], $0x80, v3, vm0, $0xb8;
	[tilespmem:$0x18080] =	vst v63  }
0x10f: {  	s18 =	simm.s32 $0x2880  }
0x110: {  	[tilespmem:s18], [sflag:$0x1] =	stream.indirect_vreg.gather [hbm4b:s5+s1], $0x80, v3, vm0, $0xb8;
	[tilespmem:$0x18080] =	vst v63  }
0x111: {  	s19 =	simm.s32 $0x3080  }
0x112: {  	[tilespmem:s19], [sflag:$0x1] =	stream.indirect_vreg.gather [hbm4b:s6+s1], $0x80, v3, vm0, $0xb8;
	[tilespmem:$0x18080] =	vst v63  }
0x113: {  	s12 =	simm.s32 $0x3880  }
0x114: {  	[tilespmem:s12], [sflag:$0x1] =	stream.indirect_vreg.gather [hbm4b:s8+s1], $0x80, v3, vm0, $0xb8;
	[tilespmem:$0x18080] =	vst v63  }
0x115: {  	v3 =	vld [tilespmem:$0x50];
	_ =	sdelay $0x4  }
0x116: {  	v4 =	vshll.u32 v3, $0x3  }
0x117: {  	v3 =	vand.u32 $0x7, v3;
	v4 =	vand.u32 $0xFFFFFFC0, v4  }
0x118: {  	v3 =	vor.u32 v3, v4  }
0x119: {  	v4 =	vperm.xlane v3, v0;
	_ =	sdelay $0x1  }
0x11a: {  	v4 =	vadd.s32 v1, v4;
	_ =	sdelay $0x3  }
0x11b: {  	s14 =	simm.s32 $0x4080  }
0x11c: {  	[tilespmem:s14], [sflag:$0x1] =	stream.indirect_vreg.gather [hbm4b:s3+s1], $0x80, v4, vm0, $0xb8;
	[tilespmem:$0x18080] =	vst v63  }
0x11d: {  	s15 =	simm.s32 $0x4880;
	v3 =	vperm.xlane v3, v2  }
0x11e: {  	[tilespmem:s15], [sflag:$0x1] =	stream.indirect_vreg.gather [hbm4b:s5+s1], $0x80, v4, vm0, $0xb8;
	[tilespmem:$0x18080] =	vst v63  }
0x11f: {  	s16 =	simm.s32 $0x5080;
	v3 =	vadd.s32 v1, v3  }
0x120: {  	[tilespmem:s16], [sflag:$0x1] =	stream.indirect_vreg.gather [hbm4b:s6+s1], $0x80, v4, vm0, $0xb8;
	[tilespmem:$0x18080] =	vst v63  }
0x121: {  	s17 =	simm.s32 $0x5880  }
0x122: {  	[tilespmem:s17], [sflag:$0x1] =	stream.indirect_vreg.gather [hbm4b:s8+s1], $0x80, v4, vm0, $0xb8;
	[tilespmem:$0x18080] =	vst v63  }
0x123: {  	s18 =	simm.s32 $0x6080  }
0x124: {  	[tilespmem:s18], [sflag:$0x1] =	stream.indirect_vreg.gather [hbm4b:s3+s1], $0x80, v3, vm0, $0xb8;
	[tilespmem:$0x18080] =	vst v63  }
0x125: {  	s19 =	simm.s32 $0x6880  }
0x126: {  	[tilespmem:s19], [sflag:$0x1] =	stream.indirect_vreg.gather [hbm4b:s5+s1], $0x80, v3, vm0, $0xb8;
	[tilespmem:$0x18080] =	vst v63  }
0x127: {  	s12 =	simm.s32 $0x7080;
	s15 =	sand.u32 $0x70, s1;
	s16 =	sand.u32 $0x1C00, s1  }
0x128: {  	[tilespmem:s12], [sflag:$0x1] =	stream.indirect_vreg.gather [hbm4b:s6+s1], $0x80, v3, vm0, $0xb8;
	[tilespmem:$0x18080] =	vst v63  }
0x129: {  	s14 =	simm.s32 $0x7880;
	s11 =	sor.u32 s15, s16  }
0x12a: {  	[tilespmem:s14], [sflag:$0x1] =	stream.indirect_vreg.gather [hbm4b:s8+s1], $0x80, v3, vm0, $0xb8;
	[tilespmem:$0x18080] =	vst v63  }
0x12b: {  	v3 =	vld [tilespmem:s11+$0x8100]  }
0x12c: {  	v4 =	vld [tilespmem:s11+$0x8180]  }
0x12d: {  	v5 =	vld [tilespmem:s11+$0x8200]  }
0x12e: {  	v6 =	vld [tilespmem:s11+$0x8280]  }
0x12f: {  	v7 =	vld [tilespmem:s11+$0x8300]  }
0x130: {  	v8 =	vld [tilespmem:s11+$0x8080]  }
0x131: {  	v57 =	vld [tilespmem:s11+$0xA100]  }
0x132: {  	v58 =	vld [tilespmem:s11+$0xA080]  }
0x133: {  	v59 =	vld [tilespmem:s11+$0xA200];
	v4 =	vadd.f32 v5, v4  }
0x134: {  	v5 =	vld [tilespmem:s11+$0xA300];
	v6 =	vadd.f32 v7, v6  }
0x135: {  	v3 =	vadd.f32 v3, v8;
	[tilespmem:s11+$0x14100] =	vst v4;
	v4 =	vld [tilespmem:s11+$0xA180]  }
0x136: {  	s1 =	sor.u32 s1, s1;
	[tilespmem:s11+$0x14180] =	vst v6;
	v6 =	vld [tilespmem:s11+$0xA280]  }
0x137: {  	s17 =	sor.u32 $0x380, s1;
	[tilespmem:s11+$0x14080] =	vst v3;
	v3 =	vld [tilespmem:s11+$0x8380]  }
0x138: {  	v7 =	vld [tilespmem:s17+$0x8080];
	_ =	sdelay $0x1  }
0x139: {  	v4 =	vadd.f32 v59, v4  }
0x13a: {  	v5 =	vadd.f32 v5, v6  }
0x13b: {  	v6 =	vadd.f32 v57, v58;
	[tilespmem:s11+$0x14300] =	vst v4  }
0x13c: {  	v3 =	vadd.f32 v7, v3;
	[tilespmem:s11+$0x14380] =	vst v5  }
0x13d: {  	[tilespmem:s11+$0x14280] =	vst v6  }
0x13e: {  	s16 =	sor.u32 $0x2380, s1;
	[tilespmem:s11+$0x14200] =	vst v3;
	v3 =	vld [tilespmem:s11+$0xA380]  }
0x13f: {  	v4 =	vld [tilespmem:s16+$0x8080];
	_ =	sdelay $0x4  }
0x140: {  	v3 =	vadd.f32 v4, v3;
	_ =	sdelay $0x1  }
0x141: {  	[tilespmem:s17+$0x14080] =	vst v3  }
0x142: {  	v3 =	vld [tilespmem:s11+$0xC080]  }
0x143: {  	v4 =	vld [tilespmem:s11+$0xC100]  }
0x144: {  	v5 =	vld [tilespmem:s11+$0xC180]  }
0x145: {  	v6 =	vld [tilespmem:s11+$0xC200]  }
0x146: {  	v7 =	vld [tilespmem:s11+$0xC280]  }
0x147: {  	v8 =	vld [tilespmem:s11+$0xE200]  }
0x148: {  	v3 =	vadd.f32 v4, v3;
	v4 =	vld [tilespmem:s11+$0xE180]  }
0x149: {  	v60 =	vld [tilespmem:s11+$0xE100]  }
0x14a: {  	[tilespmem:s11+$0x16080] =	vst v3;
	v3 =	vadd.f32 v6, v5;
	v5 =	vld [tilespmem:s11+$0xE080]  }
0x14b: {  	v6 =	vld [tilespmem:s11+$0xC300]  }
0x14c: {  	v61 =	vld [tilespmem:s11+$0xE280]  }
0x14d: {  	v62 =	vld [tilespmem:s11+$0xE300];
	v8 =	vadd.f32 v8, v4  }
0x14e: {  	[tilespmem:s11+$0x16100] =	vst v3;
	v3 =	vld [tilespmem:s11+$0xE380]  }
0x14f: {  	v4 =	vld [tilespmem:s11+$0xC400];
	[tilespmem:s11+$0x16300] =	vst v8;
	v8 =	vadd.f32 v60, v5  }
0x150: {  	s18 =	simm.s32 $0x10;
	s14 =	simm.s32 $0x80;
	v5 =	vld [tilespmem:s11+$0xC380];
	v63 =	vadd.f32 v6, v7  }
0x151: {  	s19 =	sand.u32 $0x70, s18;
	s15 =	sand.u32 $0x1C00, s14;
	v6 =	vld [tilespmem:s11+$0xE400];
	[tilespmem:s11+$0x16280] =	vst v8  }
0x152: {  	s1 =	sor.u32 s18, s14;
	s12 =	sor.u32 s19, s15;
	s15 =	simm.s32 $0x20;
	v7 =	vadd.f32 v62, v61;
	[tilespmem:s11+$0x16180] =	vst v63  }
.LBB2_4:
0x153: {  	p0 =	sne.s32 s15, $0x3F0  }
0x154: {  	s14 =	sadd.s32 $0x80, s14;
	[tilespmem:s11+$0x16380] =	vst v7;
	s18 =	smov.u32 s15;
	s15 =	sadd.s32 $0x10, s15  }
0x155: {  	s17 =	sor.u32 s18, s14;
	v4 =	vadd.f32 v4, v5  }
0x156: {  	v3 =	vadd.f32 v6, v3  }
0x157: {  	[tilespmem:s11+$0x16200] =	vst v4;
	s11 =	smov.u32 s12  }
0x158: {  	[tilespmem:s16+$0x14080] =	vst v3  }
0x159: {  	v3 =	vld [tilespmem:s11+$0x8100]  }
0x15a: {  	v4 =	vld [tilespmem:s11+$0x8180]  }
0x15b: {  	v5 =	vld [tilespmem:s11+$0x8200]  }
0x15c: {  	v6 =	vld [tilespmem:s11+$0x8280]  }
0x15d: {  	v7 =	vld [tilespmem:s11+$0x8300]  }
0x15e: {  	v8 =	vld [tilespmem:s11+$0x8080]  }
0x15f: {  	v9 =	vld [tilespmem:s11+$0xA100]  }
0x160: {  	v10 =	vld [tilespmem:s11+$0xA080]  }
0x161: {  	v4 =	vadd.f32 v5, v4;
	v5 =	vld [tilespmem:s11+$0xA300]  }
0x162: {  	v6 =	vadd.f32 v7, v6;
	v7 =	vld [tilespmem:s11+$0xA200]  }
0x163: {  	v3 =	vadd.f32 v3, v8;
	[tilespmem:s11+$0x14100] =	vst v4;
	v4 =	vld [tilespmem:s11+$0xA180]  }
0x164: {  	[tilespmem:s11+$0x14180] =	vst v6;
	v6 =	vld [tilespmem:s11+$0xA280]  }
0x165: {  	s19 =	sor.u32 $0x380, s1;
	[tilespmem:s11+$0x14080] =	vst v3;
	v3 =	vld [tilespmem:s11+$0x8380]  }
0x166: {  	s12 =	sand.u32 $0x70, s18;
	s16 =	sand.u32 $0x1C00, s14;
	v8 =	vld [tilespmem:s19+$0x8080]  }
0x167: {  	s12 =	sor.u32 s12, s16  }
0x168: {  	v4 =	vadd.f32 v7, v4  }
0x169: {  	v5 =	vadd.f32 v5, v6  }
0x16a: {  	v6 =	vadd.f32 v9, v10;
	[tilespmem:s11+$0x14300] =	vst v4  }
0x16b: {  	v3 =	vadd.f32 v8, v3;
	[tilespmem:s11+$0x14380] =	vst v5  }
0x16c: {  	[tilespmem:s11+$0x14280] =	vst v6  }
0x16d: {  	s16 =	sor.u32 $0x2380, s1;
	s1 =	smov.u32 s17;
	[tilespmem:s11+$0x14200] =	vst v3;
	v3 =	vld [tilespmem:s11+$0xA380]  }
0x16e: {  	v4 =	vld [tilespmem:s16+$0x8080];
	_ =	sdelay $0x4  }
0x16f: {  	v3 =	vadd.f32 v4, v3;
	_ =	sdelay $0x1  }
0x170: {  	[tilespmem:s19+$0x14080] =	vst v3  }
0x171: {  	v3 =	vld [tilespmem:s11+$0xC080]  }
0x172: {  	v4 =	vld [tilespmem:s11+$0xC100]  }
0x173: {  	v5 =	vld [tilespmem:s11+$0xC180]  }
0x174: {  	v6 =	vld [tilespmem:s11+$0xC200]  }
0x175: {  	v7 =	vld [tilespmem:s11+$0xC280]  }
0x176: {  	v8 =	vld [tilespmem:s11+$0xE200]  }
0x177: {  	v3 =	vadd.f32 v4, v3;
	v4 =	vld [tilespmem:s11+$0xE180]  }
0x178: {  	v9 =	vld [tilespmem:s11+$0xE100]  }
0x179: {  	[tilespmem:s11+$0x16080] =	vst v3;
	v3 =	vadd.f32 v6, v5;
	v5 =	vld [tilespmem:s11+$0xE080]  }
0x17a: {  	v6 =	vld [tilespmem:s11+$0xC300]  }
0x17b: {  	[tilespmem:s11+$0x16100] =	vst v3;
	v10 =	vld [tilespmem:s11+$0xE280]  }
0x17c: {  	v8 =	vadd.f32 v8, v4;
	v11 =	vld [tilespmem:s11+$0xE300]  }
0x17d: {  	v3 =	vld [tilespmem:s11+$0xE380]  }
.Ltmp1:
0x17e: {  	v4 =	vld [tilespmem:s11+$0xC400];
	v9 =	vadd.f32 v9, v5;
	[tilespmem:s11+$0x16300] =	vst v8;
	(pc) =	sbr.rel @p0 .LBB2_4-.Ltmp1, $4  }
0x17f: {  	v8 =	vadd.f32 v6, v7;
	v5 =	vld [tilespmem:s11+$0xC380]  }
0x180: {  	v6 =	vld [tilespmem:s11+$0xE400]  }
0x181: {  	[tilespmem:s11+$0x16280] =	vst v9;
	v7 =	vadd.f32 v11, v10  }
0x182: {  	[tilespmem:s11+$0x16180] =	vst v8  }
0x183: {  	_ = 	snop  }
0x184: {  	v4 =	vadd.f32 v4, v5  }
0x185: {  	[tilespmem:s11+$0x16380] =	vst v7;
	v3 =	vadd.f32 v6, v3  }
0x186: {  	[tilespmem:s11+$0x16200] =	vst v4  }
0x187: {  	[tilespmem:s16+$0x14080] =	vst v3  }
0x188: {  	v3 =	vld [tilespmem:s12+$0x8100]  }
0x189: {  	v4 =	vld [tilespmem:s12+$0x8180]  }
0x18a: {  	v5 =	vld [tilespmem:s12+$0x8200]  }
0x18b: {  	v6 =	vld [tilespmem:s12+$0x8280]  }
0x18c: {  	v7 =	vld [tilespmem:s12+$0x8300]  }
0x18d: {  	v8 =	vld [tilespmem:s12+$0x8080]  }
0x18e: {  	v9 =	vld [tilespmem:s12+$0xA100]  }
0x18f: {  	v10 =	vld [tilespmem:s12+$0xA080]  }
0x190: {  	v11 =	vld [tilespmem:s12+$0xA200];
	v4 =	vadd.f32 v5, v4  }
0x191: {  	v5 =	vld [tilespmem:s12+$0xA300];
	v6 =	vadd.f32 v7, v6  }
0x192: {  	v3 =	vadd.f32 v3, v8;
	[tilespmem:s12+$0x14100] =	vst v4;
	v4 =	vld [tilespmem:s12+$0xA180]  }
0x193: {  	[tilespmem:s12+$0x14180] =	vst v6;
	v6 =	vld [tilespmem:s12+$0xA280]  }
0x194: {  	s18 =	sor.u32 $0x380, s1;
	[tilespmem:s12+$0x14080] =	vst v3;
	v3 =	vld [tilespmem:s12+$0x8380]  }
0x195: {  	v7 =	vld [tilespmem:s18+$0x8080];
	_ =	sdelay $0x1  }
0x196: {  	v4 =	vadd.f32 v11, v4  }
0x197: {  	v5 =	vadd.f32 v5, v6  }
0x198: {  	v6 =	vadd.f32 v9, v10;
	[tilespmem:s12+$0x14300] =	vst v4  }
0x199: {  	v3 =	vadd.f32 v7, v3;
	[tilespmem:s12+$0x14380] =	vst v5  }
0x19a: {  	[tilespmem:s12+$0x14280] =	vst v6  }
0x19b: {  	s19 =	sor.u32 $0x2380, s1;
	[tilespmem:s12+$0x14200] =	vst v3;
	v3 =	vld [tilespmem:s12+$0xA380]  }
0x19c: {  	v4 =	vld [tilespmem:s19+$0x8080];
	_ =	sdelay $0x4  }
0x19d: {  	v3 =	vadd.f32 v4, v3;
	_ =	sdelay $0x1  }
0x19e: {  	[tilespmem:s18+$0x14080] =	vst v3  }
0x19f: {  	v3 =	vld [tilespmem:s12+$0xC080]  }
0x1a0: {  	v4 =	vld [tilespmem:s12+$0xC100]  }
0x1a1: {  	v5 =	vld [tilespmem:s12+$0xC180]  }
0x1a2: {  	v6 =	vld [tilespmem:s12+$0xC200]  }
0x1a3: {  	v7 =	vld [tilespmem:s12+$0xC280]  }
0x1a4: {  	v8 =	vld [tilespmem:s12+$0xE200]  }
0x1a5: {  	v54 =	vld [tilespmem:s12+$0xE100]  }
0x1a6: {  	v3 =	vadd.f32 v4, v3;
	v4 =	vld [tilespmem:s12+$0xE180]  }
0x1a7: {  	v55 =	vld [tilespmem:s12+$0xE300]  }
0x1a8: {  	v56 =	vld [tilespmem:s12+$0xC400]  }
0x1a9: {  	v12 =	vld [tilespmem:s12+$0xE400]  }
0x1aa: {  	[tilespmem:s12+$0x16080] =	vst v3;
	v3 =	vadd.f32 v6, v5;
	v5 =	vld [tilespmem:s12+$0xE080]  }
0x1ab: {  	v6 =	vld [tilespmem:s12+$0xC300];
	v4 =	vadd.f32 v8, v4  }
0x1ac: {  	[tilespmem:s12+$0x16100] =	vst v3;
	v3 =	vld [tilespmem:s12+$0xE280]  }
0x1ad: {  	[tilespmem:s12+$0x16300] =	vst v4;
	v4 =	vld [tilespmem:s12+$0xC380]  }
0x1ae: {  	v8 =	vld [tilespmem:s12+$0xE380]  }
0x1af: {  	v5 =	vadd.f32 v54, v5  }
0x1b0: {  	v6 =	vadd.f32 v6, v7  }
0x1b1: {  	[tilespmem:s12+$0x16280] =	vst v5;
	v3 =	vadd.f32 v55, v3  }
0x1b2: {  	[tilespmem:s12+$0x16180] =	vst v6;
	v4 =	vadd.f32 v56, v4  }
0x1b3: {  	[tilespmem:s12+$0x16380] =	vst v3;
	v3 =	vadd.f32 v12, v8  }
0x1b4: {  	[tilespmem:s12+$0x16200] =	vst v4  }
0x1b5: {  	s1 =	simm.s32 $0x0;
	s12 =	rddreg [dreg:$0x4];
	[tilespmem:s19+$0x14080] =	vst v3  }
0x1b6: {  	[hbm4b:s12+s1] =	stream.linear.scatter [tilespmem:s30], [sflag:$0x4], $0x4000, $0x38;
	[tilespmem:$0x18080] =	vst v63  }
0x1b7: {  	_ =	swait.ge [sflag:s31], $0x8000  }
0x1b8: {  	[sflag:s31] =	ssyncset.done $0x0  }
0x1b9: {  	[sflag:s31] =	ssyncadd.s32 $0xFFFF8000  }
0x1ba: {  	v3 =	vld [tilespmem:$0x60];
	_ =	sdelay $0x4  }
0x1bb: {  	v4 =	vshll.u32 v3, $0x3  }
0x1bc: {  	v3 =	vand.u32 $0x7, v3;
	v4 =	vand.u32 $0xFFFFFFC0, v4  }
0x1bd: {  	v3 =	vor.u32 v3, v4  }
0x1be: {  	v4 =	vperm.xlane v3, v0;
	_ =	sdelay $0x1  }
0x1bf: {  	v4 =	vadd.s32 v1, v4;
	_ =	sdelay $0x3  }
0x1c0: {  	s14 =	simm.s32 $0x8080  }
0x1c1: {  	[tilespmem:s14], [sflag:$0x2] =	stream.indirect_vreg.gather [hbm4b:s3+s1], $0x80, v4, vm0, $0xb8;
	[tilespmem:$0x18080] =	vst v63  }
0x1c2: {  	s15 =	simm.s32 $0x8880;
	v3 =	vperm.xlane v3, v2  }
0x1c3: {  	[tilespmem:s15], [sflag:$0x2] =	stream.indirect_vreg.gather [hbm4b:s5+s1], $0x80, v4, vm0, $0xb8;
	[tilespmem:$0x18080] =	vst v63  }
0x1c4: {  	s16 =	simm.s32 $0x9080;
	v3 =	vadd.s32 v1, v3  }
0x1c5: {  	[tilespmem:s16], [sflag:$0x2] =	stream.indirect_vreg.gather [hbm4b:s6+s1], $0x80, v4, vm0, $0xb8;
	[tilespmem:$0x18080] =	vst v63  }
0x1c6: {  	s17 =	simm.s32 $0x9880  }
0x1c7: {  	[tilespmem:s17], [sflag:$0x2] =	stream.indirect_vreg.gather [hbm4b:s8+s1], $0x80, v4, vm0, $0xb8;
	[tilespmem:$0x18080] =	vst v63  }
0x1c8: {  	s18 =	simm.s32 $0xA080  }
0x1c9: {  	[tilespmem:s18], [sflag:$0x2] =	stream.indirect_vreg.gather [hbm4b:s3+s1], $0x80, v3, vm0, $0xb8;
	[tilespmem:$0x18080] =	vst v63  }
0x1ca: {  	s19 =	simm.s32 $0xA880  }
0x1cb: {  	[tilespmem:s19], [sflag:$0x2] =	stream.indirect_vreg.gather [hbm4b:s5+s1], $0x80, v3, vm0, $0xb8;
	[tilespmem:$0x18080] =	vst v63  }
0x1cc: {  	s12 =	simm.s32 $0xB080  }
0x1cd: {  	[tilespmem:s12], [sflag:$0x2] =	stream.indirect_vreg.gather [hbm4b:s6+s1], $0x80, v3, vm0, $0xb8;
	[tilespmem:$0x18080] =	vst v63  }
0x1ce: {  	s14 =	simm.s32 $0xB880  }
0x1cf: {  	[tilespmem:s14], [sflag:$0x2] =	stream.indirect_vreg.gather [hbm4b:s8+s1], $0x80, v3, vm0, $0xb8;
	[tilespmem:$0x18080] =	vst v63  }
0x1d0: {  	v3 =	vld [tilespmem:$0x70];
	_ =	sdelay $0x4  }
0x1d1: {  	v4 =	vshll.u32 v3, $0x3  }
0x1d2: {  	v3 =	vand.u32 $0x7, v3;
	v4 =	vand.u32 $0xFFFFFFC0, v4  }
0x1d3: {  	v3 =	vor.u32 v3, v4  }
0x1d4: {  	v4 =	vperm.xlane v3, v0;
	_ =	sdelay $0x1  }
0x1d5: {  	v4 =	vadd.s32 v1, v4;
	_ =	sdelay $0x4  }
0x1d6: {  	[tilespmem:s20], [sflag:$0x2] =	stream.indirect_vreg.gather [hbm4b:s3+s1], $0x80, v4, vm0, $0xb8;
	[tilespmem:$0x18080] =	vst v63  }
0x1d7: {  	v3 =	vperm.xlane v3, v2  }
0x1d8: {  	[tilespmem:s21], [sflag:$0x2] =	stream.indirect_vreg.gather [hbm4b:s5+s1], $0x80, v4, vm0, $0xb8;
	[tilespmem:$0x18080] =	vst v63  }
0x1d9: {  	v3 =	vadd.s32 v1, v3  }
0x1da: {  	[tilespmem:s22], [sflag:$0x2] =	stream.indirect_vreg.gather [hbm4b:s6+s1], $0x80, v4, vm0, $0xb8;
	[tilespmem:$0x18080] =	vst v63  }
0x1db: {  	_ = 	snop  }
0x1dc: {  	[tilespmem:s23], [sflag:$0x2] =	stream.indirect_vreg.gather [hbm4b:s8+s1], $0x80, v4, vm0, $0xb8;
	[tilespmem:$0x18080] =	vst v63  }
0x1dd: {  	_ = 	snop  }
0x1de: {  	[tilespmem:s4], [sflag:$0x2] =	stream.indirect_vreg.gather [hbm4b:s3+s1], $0x80, v3, vm0, $0xb8;
	[tilespmem:$0x18080] =	vst v63  }
0x1df: {  	_ = 	snop  }
0x1e0: {  	[tilespmem:s24], [sflag:$0x2] =	stream.indirect_vreg.gather [hbm4b:s5+s1], $0x80, v3, vm0, $0xb8;
	[tilespmem:$0x18080] =	vst v63  }
0x1e1: {  	_ = 	snop  }
0x1e2: {  	[tilespmem:s25], [sflag:$0x2] =	stream.indirect_vreg.gather [hbm4b:s6+s1], $0x80, v3, vm0, $0xb8;
	[tilespmem:$0x18080] =	vst v63  }
0x1e3: {  	_ = 	snop  }
0x1e4: {  	[tilespmem:s26], [sflag:$0x2] =	stream.indirect_vreg.gather [hbm4b:s8+s1], $0x80, v3, vm0, $0xb8;
	[tilespmem:$0x18080] =	vst v63  }
0x1e5: {  	_ =	swait.ge [sflag:s9], $0x4000  }
0x1e6: {  	s15 =	sand.u32 $0x70, s1;
	s16 =	sand.u32 $0x1C00, s1;
	[sflag:s9] =	ssyncset.done $0x0  }
0x1e7: {  	s11 =	sor.u32 s15, s16;
	[sflag:s9] =	ssyncadd.s32 $0xFFFFC000  }
0x1e8: {  	v3 =	vld [tilespmem:s11+$0x100]  }
0x1e9: {  	v4 =	vld [tilespmem:s11+$0x180]  }
0x1ea: {  	v5 =	vld [tilespmem:s11+$0x200]  }
0x1eb: {  	v6 =	vld [tilespmem:s11+$0x280]  }
0x1ec: {  	v7 =	vld [tilespmem:s11+$0x300]  }
0x1ed: {  	v8 =	vld [tilespmem:s11+$0x80]  }
0x1ee: {  	v57 =	vld [tilespmem:s11+$0x2100]  }
0x1ef: {  	v58 =	vld [tilespmem:s11+$0x2080]  }
0x1f0: {  	v59 =	vld [tilespmem:s11+$0x2200];
	v4 =	vadd.f32 v5, v4  }
0x1f1: {  	v5 =	vld [tilespmem:s11+$0x2300];
	v6 =	vadd.f32 v7, v6  }
0x1f2: {  	v3 =	vadd.f32 v3, v8;
	[tilespmem:s11+$0x10100] =	vst v4;
	v4 =	vld [tilespmem:s11+$0x2180]  }
0x1f3: {  	s1 =	sor.u32 s1, s1;
	[tilespmem:s11+$0x10180] =	vst v6;
	v6 =	vld [tilespmem:s11+$0x2280]  }
0x1f4: {  	s17 =	sor.u32 $0x380, s1;
	[tilespmem:s11+$0x10080] =	vst v3;
	v3 =	vld [tilespmem:s11+$0x380]  }
0x1f5: {  	v7 =	vld [tilespmem:s17+$0x80];
	_ =	sdelay $0x1  }
0x1f6: {  	v4 =	vadd.f32 v59, v4  }
0x1f7: {  	v5 =	vadd.f32 v5, v6  }
0x1f8: {  	v6 =	vadd.f32 v57, v58;
	[tilespmem:s11+$0x10300] =	vst v4  }
0x1f9: {  	v3 =	vadd.f32 v7, v3;
	[tilespmem:s11+$0x10380] =	vst v5  }
0x1fa: {  	[tilespmem:s11+$0x10280] =	vst v6  }
0x1fb: {  	s16 =	sor.u32 $0x2380, s1;
	[tilespmem:s11+$0x10200] =	vst v3;
	v3 =	vld [tilespmem:s11+$0x2380]  }
0x1fc: {  	v4 =	vld [tilespmem:s16+$0x80];
	_ =	sdelay $0x4  }
0x1fd: {  	v3 =	vadd.f32 v4, v3;
	_ =	sdelay $0x1  }
0x1fe: {  	[tilespmem:s17+$0x10080] =	vst v3  }
0x1ff: {  	v3 =	vld [tilespmem:s11+$0x4080]  }
0x200: {  	v4 =	vld [tilespmem:s11+$0x4100]  }
0x201: {  	v5 =	vld [tilespmem:s11+$0x4180]  }
0x202: {  	v6 =	vld [tilespmem:s11+$0x4200]  }
0x203: {  	v7 =	vld [tilespmem:s11+$0x4280]  }
0x204: {  	v8 =	vld [tilespmem:s11+$0x6200]  }
0x205: {  	v3 =	vadd.f32 v4, v3;
	v4 =	vld [tilespmem:s11+$0x6180]  }
0x206: {  	v60 =	vld [tilespmem:s11+$0x6100]  }
0x207: {  	[tilespmem:s11+$0x12080] =	vst v3;
	v3 =	vadd.f32 v6, v5;
	v5 =	vld [tilespmem:s11+$0x6080]  }
0x208: {  	v6 =	vld [tilespmem:s11+$0x4300]  }
0x209: {  	v61 =	vld [tilespmem:s11+$0x6280]  }
0x20a: {  	v62 =	vld [tilespmem:s11+$0x6300];
	v8 =	vadd.f32 v8, v4  }
0x20b: {  	[tilespmem:s11+$0x12100] =	vst v3;
	v3 =	vld [tilespmem:s11+$0x6380]  }
0x20c: {  	v4 =	vld [tilespmem:s11+$0x4400];
	[tilespmem:s11+$0x12300] =	vst v8;
	v8 =	vadd.f32 v60, v5  }
0x20d: {  	s18 =	simm.s32 $0x10;
	s14 =	simm.s32 $0x80;
	v5 =	vld [tilespmem:s11+$0x4380];
	v63 =	vadd.f32 v6, v7  }
0x20e: {  	s19 =	sand.u32 $0x70, s18;
	s15 =	sand.u32 $0x1C00, s14;
	v6 =	vld [tilespmem:s11+$0x6400];
	[tilespmem:s11+$0x12280] =	vst v8  }
0x20f: {  	s12 =	sor.u32 s19, s15;
	s15 =	simm.s32 $0x20;
	s1 =	sor.u32 s18, s14;
	v7 =	vadd.f32 v62, v61;
	[tilespmem:s11+$0x12180] =	vst v63  }
.LBB2_6:
0x210: {  	p0 =	sne.s32 s15, $0x3F0  }
0x211: {  	s14 =	sadd.s32 $0x80, s14;
	[tilespmem:s11+$0x12380] =	vst v7;
	s18 =	smov.u32 s15;
	s15 =	sadd.s32 $0x10, s15  }
0x212: {  	s17 =	sor.u32 s18, s14;
	v4 =	vadd.f32 v4, v5  }
0x213: {  	v3 =	vadd.f32 v6, v3  }
0x214: {  	[tilespmem:s11+$0x12200] =	vst v4;
	s11 =	smov.u32 s12  }
0x215: {  	[tilespmem:s16+$0x10080] =	vst v3  }
0x216: {  	v3 =	vld [tilespmem:s11+$0x100]  }
0x217: {  	v4 =	vld [tilespmem:s11+$0x180]  }
0x218: {  	v5 =	vld [tilespmem:s11+$0x200]  }
0x219: {  	v6 =	vld [tilespmem:s11+$0x280]  }
0x21a: {  	v7 =	vld [tilespmem:s11+$0x300]  }
0x21b: {  	v8 =	vld [tilespmem:s11+$0x80]  }
0x21c: {  	v9 =	vld [tilespmem:s11+$0x2100]  }
0x21d: {  	v10 =	vld [tilespmem:s11+$0x2080]  }
0x21e: {  	v4 =	vadd.f32 v5, v4;
	v5 =	vld [tilespmem:s11+$0x2300]  }
0x21f: {  	v6 =	vadd.f32 v7, v6;
	v7 =	vld [tilespmem:s11+$0x2200]  }
0x220: {  	v3 =	vadd.f32 v3, v8;
	[tilespmem:s11+$0x10100] =	vst v4;
	v4 =	vld [tilespmem:s11+$0x2180]  }
0x221: {  	[tilespmem:s11+$0x10180] =	vst v6;
	v6 =	vld [tilespmem:s11+$0x2280]  }
0x222: {  	s19 =	sor.u32 $0x380, s1;
	[tilespmem:s11+$0x10080] =	vst v3;
	v3 =	vld [tilespmem:s11+$0x380]  }
0x223: {  	s12 =	sand.u32 $0x70, s18;
	s16 =	sand.u32 $0x1C00, s14;
	v8 =	vld [tilespmem:s19+$0x80]  }
0x224: {  	s12 =	sor.u32 s12, s16  }
0x225: {  	v4 =	vadd.f32 v7, v4  }
0x226: {  	v5 =	vadd.f32 v5, v6  }
0x227: {  	v6 =	vadd.f32 v9, v10;
	[tilespmem:s11+$0x10300] =	vst v4  }
0x228: {  	v3 =	vadd.f32 v8, v3;
	[tilespmem:s11+$0x10380] =	vst v5  }
0x229: {  	[tilespmem:s11+$0x10280] =	vst v6  }
0x22a: {  	s16 =	sor.u32 $0x2380, s1;
	s1 =	smov.u32 s17;
	[tilespmem:s11+$0x10200] =	vst v3;
	v3 =	vld [tilespmem:s11+$0x2380]  }
0x22b: {  	v4 =	vld [tilespmem:s16+$0x80];
	_ =	sdelay $0x4  }
0x22c: {  	v3 =	vadd.f32 v4, v3;
	_ =	sdelay $0x1  }
0x22d: {  	[tilespmem:s19+$0x10080] =	vst v3  }
0x22e: {  	v3 =	vld [tilespmem:s11+$0x4080]  }
0x22f: {  	v4 =	vld [tilespmem:s11+$0x4100]  }
0x230: {  	v5 =	vld [tilespmem:s11+$0x4180]  }
0x231: {  	v6 =	vld [tilespmem:s11+$0x4200]  }
0x232: {  	v7 =	vld [tilespmem:s11+$0x4280]  }
0x233: {  	v8 =	vld [tilespmem:s11+$0x6200]  }
0x234: {  	v3 =	vadd.f32 v4, v3;
	v4 =	vld [tilespmem:s11+$0x6180]  }
0x235: {  	v9 =	vld [tilespmem:s11+$0x6100]  }
0x236: {  	[tilespmem:s11+$0x12080] =	vst v3;
	v3 =	vadd.f32 v6, v5;
	v5 =	vld [tilespmem:s11+$0x6080]  }
0x237: {  	v6 =	vld [tilespmem:s11+$0x4300]  }
0x238: {  	[tilespmem:s11+$0x12100] =	vst v3;
	v10 =	vld [tilespmem:s11+$0x6280]  }
0x239: {  	v8 =	vadd.f32 v8, v4;
	v11 =	vld [tilespmem:s11+$0x6300]  }
0x23a: {  	v3 =	vld [tilespmem:s11+$0x6380]  }
.Ltmp2:
0x23b: {  	v4 =	vld [tilespmem:s11+$0x4400];
	v9 =	vadd.f32 v9, v5;
	[tilespmem:s11+$0x12300] =	vst v8;
	(pc) =	sbr.rel @p0 .LBB2_6-.Ltmp2, $4  }
0x23c: {  	v8 =	vadd.f32 v6, v7;
	v5 =	vld [tilespmem:s11+$0x4380]  }
0x23d: {  	v6 =	vld [tilespmem:s11+$0x6400]  }
0x23e: {  	[tilespmem:s11+$0x12280] =	vst v9;
	v7 =	vadd.f32 v11, v10  }
0x23f: {  	[tilespmem:s11+$0x12180] =	vst v8  }
0x240: {  	_ = 	snop  }
0x241: {  	v4 =	vadd.f32 v4, v5  }
0x242: {  	[tilespmem:s11+$0x12380] =	vst v7;
	v3 =	vadd.f32 v6, v3  }
0x243: {  	[tilespmem:s11+$0x12200] =	vst v4  }
0x244: {  	[tilespmem:s16+$0x10080] =	vst v3  }
0x245: {  	v3 =	vld [tilespmem:s12+$0x100]  }
0x246: {  	v4 =	vld [tilespmem:s12+$0x180]  }
0x247: {  	v5 =	vld [tilespmem:s12+$0x200]  }
0x248: {  	v6 =	vld [tilespmem:s12+$0x280]  }
0x249: {  	v7 =	vld [tilespmem:s12+$0x300]  }
0x24a: {  	v8 =	vld [tilespmem:s12+$0x80]  }
0x24b: {  	v9 =	vld [tilespmem:s12+$0x2100]  }
0x24c: {  	v10 =	vld [tilespmem:s12+$0x2080]  }
0x24d: {  	v11 =	vld [tilespmem:s12+$0x2200];
	v4 =	vadd.f32 v5, v4  }
0x24e: {  	v5 =	vld [tilespmem:s12+$0x2300];
	v6 =	vadd.f32 v7, v6  }
0x24f: {  	v3 =	vadd.f32 v3, v8;
	[tilespmem:s12+$0x10100] =	vst v4;
	v4 =	vld [tilespmem:s12+$0x2180]  }
0x250: {  	[tilespmem:s12+$0x10180] =	vst v6;
	v6 =	vld [tilespmem:s12+$0x2280]  }
0x251: {  	s17 =	sor.u32 $0x380, s1;
	[tilespmem:s12+$0x10080] =	vst v3;
	v3 =	vld [tilespmem:s12+$0x380]  }
0x252: {  	v7 =	vld [tilespmem:s17+$0x80];
	_ =	sdelay $0x1  }
0x253: {  	v4 =	vadd.f32 v11, v4  }
0x254: {  	v5 =	vadd.f32 v5, v6  }
0x255: {  	v6 =	vadd.f32 v9, v10;
	[tilespmem:s12+$0x10300] =	vst v4  }
0x256: {  	v3 =	vadd.f32 v7, v3;
	[tilespmem:s12+$0x10380] =	vst v5  }
0x257: {  	[tilespmem:s12+$0x10280] =	vst v6  }
0x258: {  	s18 =	sor.u32 $0x2380, s1;
	[tilespmem:s12+$0x10200] =	vst v3;
	v3 =	vld [tilespmem:s12+$0x2380]  }
0x259: {  	v4 =	vld [tilespmem:s18+$0x80];
	_ =	sdelay $0x4  }
0x25a: {  	v3 =	vadd.f32 v4, v3;
	_ =	sdelay $0x1  }
0x25b: {  	[tilespmem:s17+$0x10080] =	vst v3  }
0x25c: {  	v3 =	vld [tilespmem:s12+$0x4080]  }
0x25d: {  	v4 =	vld [tilespmem:s12+$0x4100]  }
0x25e: {  	v5 =	vld [tilespmem:s12+$0x4180]  }
0x25f: {  	v6 =	vld [tilespmem:s12+$0x4200]  }
0x260: {  	v7 =	vld [tilespmem:s12+$0x4280]  }
0x261: {  	v8 =	vld [tilespmem:s12+$0x6200]  }
0x262: {  	v54 =	vld [tilespmem:s12+$0x6100]  }
0x263: {  	v3 =	vadd.f32 v4, v3;
	v4 =	vld [tilespmem:s12+$0x6180]  }
0x264: {  	v55 =	vld [tilespmem:s12+$0x6300]  }
0x265: {  	v56 =	vld [tilespmem:s12+$0x4400]  }
0x266: {  	v12 =	vld [tilespmem:s12+$0x6400]  }
0x267: {  	[tilespmem:s12+$0x12080] =	vst v3;
	v3 =	vadd.f32 v6, v5;
	v5 =	vld [tilespmem:s12+$0x6080]  }
0x268: {  	v6 =	vld [tilespmem:s12+$0x4300];
	v4 =	vadd.f32 v8, v4  }
0x269: {  	[tilespmem:s12+$0x12100] =	vst v3;
	v3 =	vld [tilespmem:s12+$0x6280]  }
0x26a: {  	[tilespmem:s12+$0x12300] =	vst v4;
	v4 =	vld [tilespmem:s12+$0x4380]  }
0x26b: {  	v8 =	vld [tilespmem:s12+$0x6380]  }
0x26c: {  	v5 =	vadd.f32 v54, v5  }
0x26d: {  	v6 =	vadd.f32 v6, v7  }
0x26e: {  	[tilespmem:s12+$0x12280] =	vst v5;
	v3 =	vadd.f32 v55, v3  }
0x26f: {  	[tilespmem:s12+$0x12180] =	vst v6;
	v4 =	vadd.f32 v56, v4  }
0x270: {  	[tilespmem:s12+$0x12380] =	vst v3;
	v3 =	vadd.f32 v12, v8  }
0x271: {  	[tilespmem:s12+$0x12200] =	vst v4  }
0x272: {  	s19 =	simm.s32 $0x0;
	s14 =	rddreg [dreg:$0x5];
	[tilespmem:s18+$0x10080] =	vst v3  }
0x273: {  	[hbm4b:s14+s19] =	stream.linear.scatter [tilespmem:s28], [sflag:$0x3], $0x4000, $0x38;
	[tilespmem:$0x18080] =	vst v63  }
0x274: {  	_ =	swait.ge [sflag:s29], $0x8000  }
0x275: {  	[sflag:s29] =	ssyncset.done $0x0  }
0x276: {  	[sflag:s29] =	ssyncadd.s32 $0xFFFF8000  }
0x277: {  	_ =	swait.ge [sflag:s10], $0x4000  }
0x278: {  	s15 =	sand.u32 $0x70, s19;
	s16 =	sand.u32 $0x1C00, s19;
	[sflag:s10] =	ssyncset.done $0x0  }
0x279: {  	s11 =	sor.u32 s15, s16;
	[sflag:s10] =	ssyncadd.s32 $0xFFFFC000  }
0x27a: {  	v3 =	vld [tilespmem:s11+$0x8100]  }
0x27b: {  	v4 =	vld [tilespmem:s11+$0x8180]  }
0x27c: {  	v5 =	vld [tilespmem:s11+$0x8200]  }
0x27d: {  	v6 =	vld [tilespmem:s11+$0x8280]  }
0x27e: {  	v7 =	vld [tilespmem:s11+$0x8300]  }
0x27f: {  	v8 =	vld [tilespmem:s11+$0x8080]  }
0x280: {  	v57 =	vld [tilespmem:s11+$0xA100]  }
0x281: {  	v58 =	vld [tilespmem:s11+$0xA080]  }
0x282: {  	v59 =	vld [tilespmem:s11+$0xA200];
	v4 =	vadd.f32 v5, v4  }
0x283: {  	v5 =	vld [tilespmem:s11+$0xA300];
	v6 =	vadd.f32 v7, v6  }
0x284: {  	v3 =	vadd.f32 v3, v8;
	[tilespmem:s11+$0x14100] =	vst v4;
	v4 =	vld [tilespmem:s11+$0xA180]  }
0x285: {  	s1 =	sor.u32 s19, s19;
	[tilespmem:s11+$0x14180] =	vst v6;
	v6 =	vld [tilespmem:s11+$0xA280]  }
0x286: {  	s17 =	sor.u32 $0x380, s1;
	[tilespmem:s11+$0x14080] =	vst v3;
	v3 =	vld [tilespmem:s11+$0x8380]  }
0x287: {  	v7 =	vld [tilespmem:s17+$0x8080];
	_ =	sdelay $0x1  }
0x288: {  	v4 =	vadd.f32 v59, v4  }
0x289: {  	v5 =	vadd.f32 v5, v6  }
0x28a: {  	v6 =	vadd.f32 v57, v58;
	[tilespmem:s11+$0x14300] =	vst v4  }
0x28b: {  	v3 =	vadd.f32 v7, v3;
	[tilespmem:s11+$0x14380] =	vst v5  }
0x28c: {  	[tilespmem:s11+$0x14280] =	vst v6  }
0x28d: {  	s16 =	sor.u32 $0x2380, s1;
	[tilespmem:s11+$0x14200] =	vst v3;
	v3 =	vld [tilespmem:s11+$0xA380]  }
0x28e: {  	v4 =	vld [tilespmem:s16+$0x8080];
	_ =	sdelay $0x4  }
0x28f: {  	v3 =	vadd.f32 v4, v3;
	_ =	sdelay $0x1  }
0x290: {  	[tilespmem:s17+$0x14080] =	vst v3  }
0x291: {  	v3 =	vld [tilespmem:s11+$0xC080]  }
0x292: {  	v4 =	vld [tilespmem:s11+$0xC100]  }
0x293: {  	v5 =	vld [tilespmem:s11+$0xC180]  }
0x294: {  	v6 =	vld [tilespmem:s11+$0xC200]  }
0x295: {  	v7 =	vld [tilespmem:s11+$0xC280]  }
0x296: {  	v8 =	vld [tilespmem:s11+$0xE200]  }
0x297: {  	v3 =	vadd.f32 v4, v3;
	v4 =	vld [tilespmem:s11+$0xE180]  }
0x298: {  	v60 =	vld [tilespmem:s11+$0xE100]  }
0x299: {  	[tilespmem:s11+$0x16080] =	vst v3;
	v3 =	vadd.f32 v6, v5;
	v5 =	vld [tilespmem:s11+$0xE080]  }
0x29a: {  	v6 =	vld [tilespmem:s11+$0xC300]  }
0x29b: {  	v61 =	vld [tilespmem:s11+$0xE280]  }
0x29c: {  	v62 =	vld [tilespmem:s11+$0xE300];
	v8 =	vadd.f32 v8, v4  }
0x29d: {  	[tilespmem:s11+$0x16100] =	vst v3;
	v3 =	vld [tilespmem:s11+$0xE380]  }
0x29e: {  	v4 =	vld [tilespmem:s11+$0xC400];
	[tilespmem:s11+$0x16300] =	vst v8;
	v8 =	vadd.f32 v60, v5  }
0x29f: {  	s18 =	simm.s32 $0x10;
	s14 =	simm.s32 $0x80;
	v5 =	vld [tilespmem:s11+$0xC380];
	v63 =	vadd.f32 v6, v7  }
0x2a0: {  	s19 =	sand.u32 $0x70, s18;
	s17 =	sand.u32 $0x1C00, s14;
	v6 =	vld [tilespmem:s11+$0xE400];
	[tilespmem:s11+$0x16280] =	vst v8  }
0x2a1: {  	s15 =	simm.s32 $0x20;
	s1 =	sor.u32 s18, s14;
	s12 =	sor.u32 s19, s17;
	v7 =	vadd.f32 v62, v61;
	[tilespmem:s11+$0x16180] =	vst v63  }
.LBB2_8:
0x2a2: {  	p0 =	sne.s32 s15, $0x3F0  }
0x2a3: {  	s14 =	sadd.s32 $0x80, s14;
	[tilespmem:s11+$0x16380] =	vst v7;
	s18 =	smov.u32 s15;
	s15 =	sadd.s32 $0x10, s15  }
0x2a4: {  	s17 =	sor.u32 s18, s14;
	v4 =	vadd.f32 v4, v5  }
0x2a5: {  	v3 =	vadd.f32 v6, v3  }
0x2a6: {  	[tilespmem:s11+$0x16200] =	vst v4;
	s11 =	smov.u32 s12  }
0x2a7: {  	[tilespmem:s16+$0x14080] =	vst v3  }
0x2a8: {  	v3 =	vld [tilespmem:s11+$0x8100]  }
0x2a9: {  	v4 =	vld [tilespmem:s11+$0x8180]  }
0x2aa: {  	v5 =	vld [tilespmem:s11+$0x8200]  }
0x2ab: {  	v6 =	vld [tilespmem:s11+$0x8280]  }
0x2ac: {  	v7 =	vld [tilespmem:s11+$0x8300]  }
0x2ad: {  	v8 =	vld [tilespmem:s11+$0x8080]  }
0x2ae: {  	v9 =	vld [tilespmem:s11+$0xA100]  }
0x2af: {  	v10 =	vld [tilespmem:s11+$0xA080]  }
0x2b0: {  	v4 =	vadd.f32 v5, v4;
	v5 =	vld [tilespmem:s11+$0xA300]  }
0x2b1: {  	v6 =	vadd.f32 v7, v6;
	v7 =	vld [tilespmem:s11+$0xA200]  }
0x2b2: {  	v3 =	vadd.f32 v3, v8;
	[tilespmem:s11+$0x14100] =	vst v4;
	v4 =	vld [tilespmem:s11+$0xA180]  }
0x2b3: {  	[tilespmem:s11+$0x14180] =	vst v6;
	v6 =	vld [tilespmem:s11+$0xA280]  }
0x2b4: {  	s19 =	sor.u32 $0x380, s1;
	[tilespmem:s11+$0x14080] =	vst v3;
	v3 =	vld [tilespmem:s11+$0x8380]  }
0x2b5: {  	s12 =	sand.u32 $0x70, s18;
	s16 =	sand.u32 $0x1C00, s14;
	v8 =	vld [tilespmem:s19+$0x8080]  }
0x2b6: {  	s12 =	sor.u32 s12, s16  }
0x2b7: {  	v4 =	vadd.f32 v7, v4  }
0x2b8: {  	v5 =	vadd.f32 v5, v6  }
0x2b9: {  	v6 =	vadd.f32 v9, v10;
	[tilespmem:s11+$0x14300] =	vst v4  }
0x2ba: {  	v3 =	vadd.f32 v8, v3;
	[tilespmem:s11+$0x14380] =	vst v5  }
0x2bb: {  	[tilespmem:s11+$0x14280] =	vst v6  }
0x2bc: {  	s16 =	sor.u32 $0x2380, s1;
	s1 =	smov.u32 s17;
	[tilespmem:s11+$0x14200] =	vst v3;
	v3 =	vld [tilespmem:s11+$0xA380]  }
0x2bd: {  	v4 =	vld [tilespmem:s16+$0x8080];
	_ =	sdelay $0x4  }
0x2be: {  	v3 =	vadd.f32 v4, v3;
	_ =	sdelay $0x1  }
0x2bf: {  	[tilespmem:s19+$0x14080] =	vst v3  }
0x2c0: {  	v3 =	vld [tilespmem:s11+$0xC080]  }
0x2c1: {  	v4 =	vld [tilespmem:s11+$0xC100]  }
0x2c2: {  	v5 =	vld [tilespmem:s11+$0xC180]  }
0x2c3: {  	v6 =	vld [tilespmem:s11+$0xC200]  }
0x2c4: {  	v7 =	vld [tilespmem:s11+$0xC280]  }
0x2c5: {  	v8 =	vld [tilespmem:s11+$0xE200]  }
0x2c6: {  	v3 =	vadd.f32 v4, v3;
	v4 =	vld [tilespmem:s11+$0xE180]  }
0x2c7: {  	v9 =	vld [tilespmem:s11+$0xE100]  }
0x2c8: {  	[tilespmem:s11+$0x16080] =	vst v3;
	v3 =	vadd.f32 v6, v5;
	v5 =	vld [tilespmem:s11+$0xE080]  }
0x2c9: {  	v6 =	vld [tilespmem:s11+$0xC300]  }
0x2ca: {  	[tilespmem:s11+$0x16100] =	vst v3;
	v10 =	vld [tilespmem:s11+$0xE280]  }
0x2cb: {  	v8 =	vadd.f32 v8, v4;
	v11 =	vld [tilespmem:s11+$0xE300]  }
0x2cc: {  	v3 =	vld [tilespmem:s11+$0xE380]  }
.Ltmp3:
0x2cd: {  	v4 =	vld [tilespmem:s11+$0xC400];
	v9 =	vadd.f32 v9, v5;
	[tilespmem:s11+$0x16300] =	vst v8;
	(pc) =	sbr.rel @p0 .LBB2_8-.Ltmp3, $4  }
0x2ce: {  	v8 =	vadd.f32 v6, v7;
	v5 =	vld [tilespmem:s11+$0xC380]  }
0x2cf: {  	v6 =	vld [tilespmem:s11+$0xE400]  }
0x2d0: {  	[tilespmem:s11+$0x16280] =	vst v9;
	v7 =	vadd.f32 v11, v10  }
0x2d1: {  	[tilespmem:s11+$0x16180] =	vst v8  }
0x2d2: {  	_ = 	snop  }
0x2d3: {  	v4 =	vadd.f32 v4, v5  }
0x2d4: {  	[tilespmem:s11+$0x16380] =	vst v7;
	v3 =	vadd.f32 v6, v3  }
0x2d5: {  	[tilespmem:s11+$0x16200] =	vst v4  }
0x2d6: {  	[tilespmem:s16+$0x14080] =	vst v3  }
0x2d7: {  	v3 =	vld [tilespmem:s12+$0x8100]  }
0x2d8: {  	v4 =	vld [tilespmem:s12+$0x8180]  }
0x2d9: {  	v44 =	vld [tilespmem:s12+$0x8200]  }
0x2da: {  	v45 =	vld [tilespmem:s12+$0x8280]  }
0x2db: {  	v7 =	vld [tilespmem:s12+$0x8300]  }
0x2dc: {  	v8 =	vld [tilespmem:s12+$0x8080]  }
0x2dd: {  	v9 =	vld [tilespmem:s12+$0xA100]  }
0x2de: {  	v10 =	vld [tilespmem:s12+$0xA080]  }
0x2df: {  	v46 =	vld [tilespmem:s12+$0xA300];
	v4 =	vadd.f32 v44, v4  }
0x2e0: {  	v11 =	vld [tilespmem:s12+$0xA200];
	v6 =	vadd.f32 v7, v45  }
0x2e1: {  	v48 =	vld [tilespmem:s12+$0xA280];
	v3 =	vadd.f32 v3, v8;
	[tilespmem:s12+$0x14100] =	vst v4  }
0x2e2: {  	v47 =	vld [tilespmem:s12+$0xA180];
	[tilespmem:s12+$0x14180] =	vst v6  }
0x2e3: {  	s16 =	sor.u32 $0x380, s1;
	[tilespmem:s12+$0x14080] =	vst v3;
	v3 =	vld [tilespmem:s12+$0x8380]  }
0x2e4: {  	v49 =	vld [tilespmem:s16+$0x8080];
	_ =	sdelay $0x1  }
0x2e5: {  	v5 =	vadd.f32 v46, v48  }
0x2e6: {  	v50 =	vadd.f32 v9, v10  }
0x2e7: {  	v4 =	vadd.f32 v11, v47;
	[tilespmem:s12+$0x14380] =	vst v5  }
0x2e8: {  	[tilespmem:s12+$0x14280] =	vst v50;
	v3 =	vadd.f32 v49, v3  }
0x2e9: {  	[tilespmem:s12+$0x14300] =	vst v4  }
0x2ea: {  	s17 =	sor.u32 $0x2380, s1;
	[tilespmem:s12+$0x14200] =	vst v3;
	v3 =	vld [tilespmem:s12+$0xA380]  }
0x2eb: {  	v4 =	vld [tilespmem:s17+$0x8080];
	_ =	sdelay $0x4  }
0x2ec: {  	v3 =	vadd.f32 v4, v3;
	_ =	sdelay $0x1  }
0x2ed: {  	[tilespmem:s16+$0x14080] =	vst v3  }
0x2ee: {  	v3 =	vld [tilespmem:s12+$0xC080]  }
0x2ef: {  	v51 =	vld [tilespmem:s12+$0xC100]  }
0x2f0: {  	v52 =	vld [tilespmem:s12+$0xC180]  }
0x2f1: {  	v53 =	vld [tilespmem:s12+$0xC200]  }
0x2f2: {  	v54 =	vld [tilespmem:s12+$0xC280]  }
0x2f3: {  	v55 =	vld [tilespmem:s12+$0xE200]  }
0x2f4: {  	v56 =	vld [tilespmem:s12+$0xE180]  }
0x2f5: {  	v57 =	vld [tilespmem:s12+$0xE100]  }
0x2f6: {  	v58 =	vld [tilespmem:s12+$0xE080]  }
0x2f7: {  	v59 =	vld [tilespmem:s12+$0xC300];
	v3 =	vadd.f32 v51, v3  }
0x2f8: {  	v60 =	vld [tilespmem:s12+$0xE300]  }
0x2f9: {  	v61 =	vld [tilespmem:s12+$0xE380];
	[tilespmem:s12+$0x16080] =	vst v3;
	v3 =	vadd.f32 v53, v52  }
0x2fa: {  	v62 =	vld [tilespmem:s12+$0xC400]  }
0x2fb: {  	[tilespmem:s12+$0x16100] =	vst v3;
	v3 =	vld [tilespmem:s12+$0xE280]  }
0x2fc: {  	v63 =	vld [tilespmem:s12+$0xC380]  }
0x2fd: {  	v12 =	vld [tilespmem:s12+$0xE400];
	v4 =	vadd.f32 v55, v56  }
0x2fe: {  	v5 =	vadd.f32 v57, v58  }
0x2ff: {  	v6 =	vadd.f32 v59, v54;
	[tilespmem:s12+$0x16300] =	vst v4  }
0x300: {  	[tilespmem:s12+$0x16280] =	vst v5;
	v3 =	vadd.f32 v60, v3  }
0x301: {  	[tilespmem:s12+$0x16180] =	vst v6;
	v4 =	vadd.f32 v62, v63  }
0x302: {  	[tilespmem:s12+$0x16380] =	vst v3;
	v3 =	vadd.f32 v12, v61  }
0x303: {  	[tilespmem:s12+$0x16200] =	vst v4  }
0x304: {  	s18 =	rddreg [dreg:$0x6];
	[tilespmem:s17+$0x14080] =	vst v3  }
0x305: {  	[hbm4b:s18+s2] =	stream.linear.scatter [tilespmem:s30], [sflag:$0x4], $0x4000, $0x38;
	[tilespmem:$0x18080] =	vst v63  }
0x306: {  	_ =	swait.ge [sflag:s9], $0x4000  }
0x307: {  	[sflag:s9] =	ssyncset.done $0x0  }
0x308: {  	[sflag:s9] =	ssyncadd.s32 $0xFFFFC000  }
0x309: {  	_ =	swait.ge [sflag:s10], $0x4000  }
0x30a: {  	s0 =	sadd.s32 $0x1, s0;
	s19 =	rddreg [dreg:$0x7]  }
0x30b: {  	p0 =	sne.s32 s0, s19  }
.Ltmp4:
0x30c: {  	_ = 	snop;
	(pc) =	sbr.rel @p0 .LBB2_1-.Ltmp4, $3  }
0x30d: {  	_ =	sdelay $0x1  }
0x30e: {  	[sflag:s10] =	ssyncset.done $0x0  }
0x30f: {  	[sflag:s10] =	ssyncadd.s32 $0xFFFFC000  }
0x310: {  	_ =	sfence.sel $0x180000  }
0x311: {  	[bflag:$0x0] =	sbarrier.arrive $0xFFFF  }
0x312: {  	_ =	strace $0x9000004A  }
0x313: {  	s0 =	stileid.u32;
	[bflag:$0x2] =	sbarrier.arrive $0xFFFF  }
0x314: {  	p0 =	sne.s32 s0, $0x0;
	s0 =	rddreg [dreg:$0x2]  }
0x315: {  	s0 =	sadd.s32 @!p0 $0x100000, s0  }
0x316: {  	[sflag:s0] =	ssyncadd.tile.s32 @!p0 $0x1;
	_ =	shalt  }
.Lfunc_end2:
_tile_overlayer_lowered:
.L_overlay_start_2:
0x317: {  	(tag) =	ssettag $0x2  }
0x318: {  	s0 =	rddreg [dreg:$0x0];
	s2 =	stileid.u32  }
0x319: {  	s1 =	rddreg [dreg:$0x1];
	p0 =	sne.s32 s2, $0x0  }
0x31a: {  	s3 =	rddreg [dreg:$0x2];
	[bflag:$0x3] =	sbarrier.arrive $0xFFFF;
	s2 =	simm.s32 @!p0 $0x1C05  }
0x31b: {  	[timem:s3], [sflag:s2] =	dma.local @!p0 [hbm:s0], s1  }
0x31c: {  	s0 =	simm.s32 @!p0 $0x5  }
0x31d: {  	_ =	swait.ge @!p0 [sflag:s0], s1  }
0x31e: {  	s1 =	ssub.s32 @!p0 $0x0, s1;
	[sflag:s0] =	ssyncset.done @!p0 $0x0  }
0x31f: {  	[sflag:s0] =	ssyncadd.s32 @!p0 s1  }
0x320: {  	[bflag:$0x3] =	sbarrier.arrive $0xFFFF  }
0x321: {  	_ =	shalt  }

</sc_bundles>
